<compile_context>
chip_gen: v7x
topology: tpu7x:2x2x1
jax: 0.10.2.dev20260603
libtpu: 0.0.44.dev20260713+nightly
codegen_flags: <defaults>
</compile_context>

<pallas_src>
import functools

import jax
import jax.numpy as jnp
from jax import lax
from jax.experimental import pallas as pl
from jax.experimental.pallas import tpu as pltpu
from jax.experimental.pallas import tpu_sc as plsc

_N_NODES = 10000
_N_EDGES = 320000
_D = 128
_NC = 2
_NS = 16
_NW = _NC * _NS
_CHUNK = 128
_NCHUNKS = _N_EDGES // _CHUNK
_GRP = 8
_NGROUPS = _NCHUNKS // _GRP
_NTAIL = _NCHUNKS - _NGROUPS * _GRP
_NGMAX = (_NGROUPS + _NW - 1) // _NW
_NPAD = 10240
_ROWS_PT = _NPAD // _NS
_NHIST = 10240
_L = 16

_mesh = plsc.VectorSubcoreMesh(
    core_axis_name="c", subcore_axis_name="s", num_cores=_NC, num_subcores=_NS)


@functools.partial(
    pl.kernel,
    out_type=[
        jax.ShapeDtypeStruct((_NC, _NPAD, _D), jnp.float32),
        jax.ShapeDtypeStruct((_NW * _NHIST,), jnp.float32),
    ],
    mesh=_mesh,
    scratch_types=[
        pltpu.VMEM_SHARED((_NPAD, _D), jnp.float32),
        pltpu.VMEM((_GRP, _CHUNK), jnp.int32),
        pltpu.VMEM((_GRP, _CHUNK), jnp.int32),
        pltpu.VMEM((1, _CHUNK), jnp.int32),
        pltpu.VMEM((_CHUNK, _D), jnp.float32),
        pltpu.VMEM((_CHUNK, _D), jnp.float32),
        pltpu.VMEM((_NHIST,), jnp.float32),
        pltpu.SemaphoreType.DMA,
        pltpu.SemaphoreType.DMA,
        pltpu.SemaphoreType.DMA,
        pltpu.SemaphoreType.DMA,
        pltpu.SemaphoreType.DMA,
        pltpu.SemaphoreType.DMA,
    ],
    compiler_params=pltpu.CompilerParams(needs_layout_passes=False),
)
def _sc_aggregate(edges_hbm, idx_hbm, tail_hbm, zeros_hbm, zeros_h_hbm,
                  sums_out, cnts_out,
                  accum, idx_blkA, idx_blkB, tail_blk, ebuf0, ebuf1, cnt_v,
                  sem0, sem1, ssem0, ssem1, isemA, isemB):
    cid = lax.axis_index("c")
    sid = lax.axis_index("s")
    wid = cid * _NS + sid
    rbase = pl.multiple_of(sid * _ROWS_PT, _ROWS_PT)
    pltpu.sync_copy(zeros_hbm, accum.at[pl.ds(rbase, _ROWS_PT)])
    pltpu.sync_copy(zeros_h_hbm, cnt_v)
    plsc.subcore_barrier()

    ones16 = jnp.full((_L,), 1.0, jnp.float32)
    bufs = (ebuf0, ebuf1)
    esems = (sem0, sem1)
    ssems = (ssem0, ssem1)

    def _edma(q, buf, sem):
        ebase = pl.multiple_of(q * _CHUNK, _CHUNK)
        return pltpu.make_async_copy(
            edges_hbm.at[pl.ds(ebase, _CHUNK)], buf, sem)

    def _idma(g, blk, sem):
        return pltpu.make_async_copy(idx_hbm.at[g], blk, sem)

    def _process_group(g, idx_blk):
        def _scat(r, buf, sem):
            return pltpu.make_async_copy(buf, accum.at[idx_blk.at[r]], sem)

        _edma(g * _GRP, ebuf0, sem0).start()
        _edma(g * _GRP + 1, ebuf1, sem1).start()

        for r in range(_GRP):
            q = g * _GRP + r
            buf, esem, ssem = bufs[r % 2], esems[r % 2], ssems[r % 2]
            _edma(q, buf, esem).wait()
            _scat(r, buf, ssem).start(add=True)
            for k in range(_CHUNK // _L):
                iv = idx_blk[r, pl.ds(k * _L, _L)]
                plsc.addupdate_scatter(cnt_v, [iv], ones16)
            _scat(r, buf, ssem).wait()
            if r + 2 < _GRP:
                _edma(q + 2, buf, esem).start()

    _idma(wid, idx_blkA, isemA).start()

    def pair_body(u, carry):
        gA = wid + _NW * 2 * u
        gB = gA + _NW

        @pl.when(gB < _NGROUPS)
        def _fire_b():
            _idma(gB, idx_blkB, isemB).start()

        @pl.when(gA < _NGROUPS)
        def _do_a():
            _idma(gA, idx_blkA, isemA).wait()
            _process_group(gA, idx_blkA)

        gA2 = gA + 2 * _NW

        @pl.when(gA2 < _NGROUPS)
        def _fire_a_next():
            _idma(gA2, idx_blkA, isemA).start()

        @pl.when(gB < _NGROUPS)
        def _do_b():
            _idma(gB, idx_blkB, isemB).wait()
            _process_group(gB, idx_blkB)

        return carry

    lax.fori_loop(0, (_NGMAX + 1) // 2, pair_body, 0)

    @pl.when(wid < _NTAIL)
    def _tail():
        pltpu.sync_copy(tail_hbm.at[wid], tail_blk)
        ebase = pl.multiple_of((_NGROUPS * _GRP + wid) * _CHUNK, _CHUNK)
        pltpu.sync_copy(edges_hbm.at[pl.ds(ebase, _CHUNK)], ebuf0)
        pltpu.sync_copy(ebuf0, accum.at[tail_blk.at[0]], add=True)
        for k in range(_CHUNK // _L):
            iv = tail_blk[0, pl.ds(k * _L, _L)]
            plsc.addupdate_scatter(cnt_v, [iv], ones16)

    plsc.subcore_barrier()

    pltpu.sync_copy(accum.at[pl.ds(rbase, _ROWS_PT)],
                    sums_out.at[cid, pl.ds(rbase, _ROWS_PT)])
    hbase = pl.multiple_of(wid * _NHIST, _NHIST)
    pltpu.sync_copy(cnt_v, cnts_out.at[pl.ds(hbase, _NHIST)])


_BLK = 1024
_HROWS = _BLK // _D


def _tc_body(s_ref, c_ref, w_ref, b_ref, o_ref):
    s = s_ref[0] + s_ref[1]
    c8 = jnp.sum(c_ref[...], axis=0)
    sel_r = lax.broadcasted_iota(jnp.int32, (_BLK, _HROWS), 0) // _D
    sel = (lax.broadcasted_iota(jnp.int32, (_BLK, _HROWS), 1)
           == sel_r).astype(jnp.float32)
    rep = lax.dot_general(sel, c8, (((1,), (0,)), ((), ())),
                          preferred_element_type=jnp.float32)
    colmask = (lax.broadcasted_iota(jnp.int32, (_BLK, _D), 1)
               == lax.broadcasted_iota(jnp.int32, (_BLK, _D), 0) % _D)
    cnt = jnp.sum(jnp.where(colmask, rep, 0.0), axis=1, keepdims=True)
    mean = s / jnp.maximum(cnt, 1.0)
    acc = lax.dot_general(mean, w_ref[...], (((1,), (1,)), ((), ())),
                          preferred_element_type=jnp.float32)
    o_ref[...] = jnp.maximum(acc + b_ref[...], 0.0)


_tc_update = pl.pallas_call(
    _tc_body,
    grid=((_N_NODES + _BLK - 1) // _BLK,),
    in_specs=[
        pl.BlockSpec((_NC, _BLK, _D), lambda i: (0, i, 0)),
        pl.BlockSpec((_NW, _HROWS, _D), lambda i: (0, i, 0)),
        pl.BlockSpec((_D, _D), lambda i: (0, 0)),
        pl.BlockSpec((1, _D), lambda i: (0, 0)),
    ],
    out_specs=pl.BlockSpec((_BLK, _D), lambda i: (i, 0)),
    out_shape=jax.ShapeDtypeStruct((_N_NODES, _D), jnp.float32),
)


def kernel(edge_data, edge_index, W, b):
    dst = edge_index[1]
    nfull = _NGROUPS * _GRP * _CHUNK
    idx3 = dst[:nfull].reshape(_NGROUPS, _GRP, _CHUNK)
    tail = dst[nfull:].reshape(_NTAIL, 1, _CHUNK)
    zeros = jnp.zeros((_ROWS_PT, _D), jnp.float32)
    zeros_h = jnp.zeros((_NHIST,), jnp.float32)
    sums, cnts = _sc_aggregate(edge_data, idx3, tail, zeros, zeros_h)
    cnts3 = cnts.reshape(_NW, _NHIST // _D, _D)
    return _tc_update(sums, cnts3, W, b.reshape(1, _D))

# --- scband reference (transcript-rebuilt; emitter-appended) ---
"""Pipeline reference for scband-gcnedge-58884001628498 (READ-ONLY COPY).

The authoritative reference and input builder live on the scoring server;
editing this copy changes nothing except your own understanding.
"""

import jax, jax.numpy as jnp
import numpy as np

N_NODES = 10000
N_EDGES = 320000
D_IN = 128
D_OUT = 128


def setup_inputs(seed: int = 0) -> dict:
    key = jax.random.key(seed)
    k1, k2, k3, k4 = jax.random.split(key, 4)
    edge_data = jax.random.normal(k1, (N_EDGES, D_IN), dtype=jnp.float32)
    edge_index = jax.random.randint(k2, (2, N_EDGES), 0, N_NODES, dtype=jnp.int32)
    # learned params of NodeApplyModule.linear (out_feats x in_feats), like nn.Linear
    W = jax.random.normal(k3, (D_OUT, D_IN), dtype=jnp.float32) * 0.05
    b = jax.random.normal(k4, (D_OUT,), dtype=jnp.float32) * 0.05
    return {"edge_data": edge_data, "edge_index": edge_index, "W": W, "b": b}


def reference(edge_data, edge_index, W, b):
    # update_all(prop_edge_data, reduce): each edge sends its feature 'h' to its
    # destination node's mailbox; reduce takes the MEAN over incoming messages.
    dst = edge_index[1]
    summed = jax.ops.segment_sum(edge_data, dst, num_segments=N_NODES)
    counts = jax.ops.segment_sum(
        jnp.ones((edge_data.shape[0], 1), dtype=edge_data.dtype), dst, num_segments=N_NODES
    )
    h = summed / jnp.maximum(counts, 1.0)
    # apply_nodes: NodeApplyModule -> ReLU(W h + b)
    h = h @ W.T + b
    h = jax.nn.relu(h)
    return h

if __name__ == "__main__":
    import jax
    _d = setup_inputs()
    print(jax.jit(kernel)(*tuple(_d.values())))

</pallas_src>

<mosaic_0001>
#map = affine_map<(d0, d1) -> (0, 0)>
#map1 = affine_map<(d0, d1) -> (0, 0, 0)>
#map2 = affine_map<(d0, d1) -> (0)>
module attributes {stable_mosaic.version = 14 : i64} {
  func.func @_sc_aggregate(%arg0: i32, %arg1: i32, %arg2: memref<320000x128xf32, #tpu.memory_space<hbm>>, %arg3: memref<312x8x128xi32, #tpu.memory_space<hbm>>, %arg4: memref<4x1x128xi32, #tpu.memory_space<hbm>>, %arg5: memref<640x128xf32, #tpu.memory_space<hbm>>, %arg6: memref<10240xf32, #tpu.memory_space<hbm>>, %arg7: memref<2x10240x128xf32, #tpu.memory_space<hbm>>, %arg8: memref<327680xf32, #tpu.memory_space<hbm>>, %arg9: memref<10240x128xf32, #tpu.memory_space<vmem_shared>>, %arg10: memref<8x128xi32, #tpu.memory_space<vmem>>, %arg11: memref<8x128xi32, #tpu.memory_space<vmem>>, %arg12: memref<1x128xi32, #tpu.memory_space<vmem>>, %arg13: memref<128x128xf32, #tpu.memory_space<vmem>>, %arg14: memref<128x128xf32, #tpu.memory_space<vmem>>, %arg15: memref<10240xf32, #tpu.memory_space<vmem>>, %arg16: memref<!tpu.dma_semaphore, #tpu.memory_space<semaphore_mem>>, %arg17: memref<!tpu.dma_semaphore, #tpu.memory_space<semaphore_mem>>, %arg18: memref<!tpu.dma_semaphore, #tpu.memory_space<semaphore_mem>>, %arg19: memref<!tpu.dma_semaphore, #tpu.memory_space<semaphore_mem>>, %arg20: memref<!tpu.dma_semaphore, #tpu.memory_space<semaphore_mem>>, %arg21: memref<!tpu.dma_semaphore, #tpu.memory_space<semaphore_mem>>) attributes {dimension_semantics = [#tpu.dimension_semantics<core_parallel>, #tpu.dimension_semantics<subcore_parallel>], iteration_bounds = array<i64: 2, 16>, scalar_prefetch = 0 : i64, scratch_operands = 13 : i64, tpu.core_type = #tpu.core_type<sc_vector_subcore>, window_params = [{transform_indices = #map}, {transform_indices = #map1}, {transform_indices = #map1}, {transform_indices = #map}, {transform_indices = #map2}, {transform_indices = #map1}, {transform_indices = #map2}]} {
    %mul3A = arith.constant 16 : i32
    %mul3A_0 = arith.muli %arg0, %mul3A : i32
    %add3A = arith.addi %mul3A_0, %arg1 : i32
    %mul3A_1 = arith.constant 640 : i32
    %mul3A_2 = arith.muli %arg1, %mul3A_1 : i32
    %multiple_of3A = tpu.assume_multiple %mul3A_2, 640 : i32
    "tpu.region"() ({
      %run_scoped3A = tpu.sem_alloc : memref<!tpu.dma_semaphore, #tpu.memory_space<semaphore_mem>>
      %dma_start3A_22 = arith.constant 0 : i32
      %dma_start3A_23 = tpu.memref_slice %arg9[%multiple_of3A, %dma_start3A_22] : memref<10240x128xf32, #tpu.memory_space<vmem_shared>> -> memref<640x128xf32, #tpu.memory_space<vmem_shared>>
      tpu.enqueue_dma source(%arg5 : memref<640x128xf32, #tpu.memory_space<hbm>>) target(%dma_start3A_23 : memref<640x128xf32, #tpu.memory_space<vmem_shared>>) target_semaphore(%run_scoped3A : memref<!tpu.dma_semaphore, #tpu.memory_space<semaphore_mem>>)
      %dma_wait3A = arith.constant 0 : i32
      %dma_wait3A_24 = tpu.memref_slice %arg9[%multiple_of3A, %dma_wait3A] : memref<10240x128xf32, #tpu.memory_space<vmem_shared>> -> memref<640x128xf32, #tpu.memory_space<vmem_shared>>
      tpu.wait_dma2 semaphore(%run_scoped3A : memref<!tpu.dma_semaphore, #tpu.memory_space<semaphore_mem>>) src(%arg5 : memref<640x128xf32, #tpu.memory_space<hbm>>) dst(%dma_wait3A_24 : memref<640x128xf32, #tpu.memory_space<vmem_shared>>)
      tpu.yield
    }) : () -> ()
    "tpu.region"() ({
      %run_scoped3A = tpu.sem_alloc : memref<!tpu.dma_semaphore, #tpu.memory_space<semaphore_mem>>
      tpu.enqueue_dma source(%arg6 : memref<10240xf32, #tpu.memory_space<hbm>>) target(%arg15 : memref<10240xf32, #tpu.memory_space<vmem>>) target_semaphore(%run_scoped3A : memref<!tpu.dma_semaphore, #tpu.memory_space<semaphore_mem>>)
      tpu.wait_dma2 semaphore(%run_scoped3A : memref<!tpu.dma_semaphore, #tpu.memory_space<semaphore_mem>>) src(%arg6 : memref<10240xf32, #tpu.memory_space<hbm>>) dst(%arg15 : memref<10240xf32, #tpu.memory_space<vmem>>)
      tpu.yield
    }) : () -> ()
    %barrier3A = arith.constant 0 : index
    tpu.barrier barrier_id(%barrier3A)
    %broadcast_in_dim3A = arith.constant 1.000000e+00 : f32
    %broadcast_in_dim3A_3 = vector.broadcast %broadcast_in_dim3A : f32 to vector<16xf32>
    %dma_start3A = arith.constant 0 : i32
    %dma_start3A_4 = arith.constant 0 : i32
    %dma_start3A_5 = tpu.memref_slice %arg3[%add3A, %dma_start3A, %dma_start3A_4] : memref<312x8x128xi32, #tpu.memory_space<hbm>> -> memref<1x8x128xi32, #tpu.memory_space<hbm>>
    %dma_start3A_6 = tpu.memref_squeeze %dma_start3A_5 : memref<1x8x128xi32, #tpu.memory_space<hbm>> -> memref<8x128xi32, #tpu.memory_space<hbm>>
    %dma_start3A_7 = arith.constant 0 : i32
    %dma_start3A_8 = arith.constant 0 : i32
    %dma_start3A_9 = tpu.memref_slice %arg3[%add3A, %dma_start3A_7, %dma_start3A_8] : memref<312x8x128xi32, #tpu.memory_space<hbm>> -> memref<1x8x128xi32, #tpu.memory_space<hbm>>
    %dma_start3A_10 = tpu.memref_squeeze %dma_start3A_9 : memref<1x8x128xi32, #tpu.memory_space<hbm>> -> memref<8x128xi32, #tpu.memory_space<hbm>>
    tpu.enqueue_dma source(%dma_start3A_10 : memref<8x128xi32, #tpu.memory_space<hbm>>) target(%arg10 : memref<8x128xi32, #tpu.memory_space<vmem>>) target_semaphore(%arg20 : memref<!tpu.dma_semaphore, #tpu.memory_space<semaphore_mem>>)
    %scan3A = arith.constant 0 : i32
    %scan3A_11 = arith.constant 0 : i32
    %scan3A_12 = arith.constant 5 : i32
    %scan3A_13 = arith.addi %scan3A_11, %scan3A_12 : i32
    %scan3A_14 = arith.constant 1 : i32
    scf.for %scan3A_22 = %scan3A_11 to %scan3A_13 step %scan3A_14  : i32 {
      %mul3A_23 = arith.constant 64 : i32
      %mul3A_24 = arith.muli %mul3A_23, %scan3A_22 : i32
      %add3A_25 = arith.addi %add3A, %mul3A_24 : i32
      %add3A_26 = arith.constant 32 : i32
      %add3A_27 = arith.addi %add3A_25, %add3A_26 : i32
      %lt3A_28 = arith.constant 312 : i32
      %lt3A_29 = arith.cmpi slt, %add3A_27, %lt3A_28 : i32
      %convert_element_type3A_30 = arith.extui %lt3A_29 : i1 to i32
      %cond3A_31 = arith.constant 0 : i32
      %cond3A_32 = arith.cmpi ne, %convert_element_type3A_30, %cond3A_31 : i32
      scf.if %cond3A_32 {
        %dma_start3A_50 = arith.constant 0 : i32
        %dma_start3A_51 = arith.constant 0 : i32
        %dma_start3A_52 = tpu.memref_slice %arg3[%add3A_27, %dma_start3A_50, %dma_start3A_51] : memref<312x8x128xi32, #tpu.memory_space<hbm>> -> memref<1x8x128xi32, #tpu.memory_space<hbm>>
        %dma_start3A_53 = tpu.memref_squeeze %dma_start3A_52 : memref<1x8x128xi32, #tpu.memory_space<hbm>> -> memref<8x128xi32, #tpu.memory_space<hbm>>
        %dma_start3A_54 = arith.constant 0 : i32
        %dma_start3A_55 = arith.constant 0 : i32
        %dma_start3A_56 = tpu.memref_slice %arg3[%add3A_27, %dma_start3A_54, %dma_start3A_55] : memref<312x8x128xi32, #tpu.memory_space<hbm>> -> memref<1x8x128xi32, #tpu.memory_space<hbm>>
        %dma_start3A_57 = tpu.memref_squeeze %dma_start3A_56 : memref<1x8x128xi32, #tpu.memory_space<hbm>> -> memref<8x128xi32, #tpu.memory_space<hbm>>
        tpu.enqueue_dma source(%dma_start3A_57 : memref<8x128xi32, #tpu.memory_space<hbm>>) target(%arg11 : memref<8x128xi32, #tpu.memory_space<vmem>>) target_semaphore(%arg21 : memref<!tpu.dma_semaphore, #tpu.memory_space<semaphore_mem>>)
      } else {
      }
      %lt3A_33 = arith.constant 312 : i32
      %lt3A_34 = arith.cmpi slt, %add3A_25, %lt3A_33 : i32
      %convert_element_type3A_35 = arith.extui %lt3A_34 : i1 to i32
      %cond3A_36 = arith.constant 0 : i32
      %cond3A_37 = arith.cmpi ne, %convert_element_type3A_35, %cond3A_36 : i32
      scf.if %cond3A_37 {
        %dma_wait3A = arith.constant 0 : i32
        %dma_wait3A_50 = arith.constant 0 : i32
        %dma_wait3A_51 = tpu.memref_slice %arg3[%add3A_25, %dma_wait3A, %dma_wait3A_50] : memref<312x8x128xi32, #tpu.memory_space<hbm>> -> memref<1x8x128xi32, #tpu.memory_space<hbm>>
        %dma_wait3A_52 = tpu.memref_squeeze %dma_wait3A_51 : memref<1x8x128xi32, #tpu.memory_space<hbm>> -> memref<8x128xi32, #tpu.memory_space<hbm>>
        %dma_wait3A_53 = arith.constant 0 : i32
        %dma_wait3A_54 = arith.constant 0 : i32
        %dma_wait3A_55 = tpu.memref_slice %arg3[%add3A_25, %dma_wait3A_53, %dma_wait3A_54] : memref<312x8x128xi32, #tpu.memory_space<hbm>> -> memref<1x8x128xi32, #tpu.memory_space<hbm>>
        %dma_wait3A_56 = tpu.memref_squeeze %dma_wait3A_55 : memref<1x8x128xi32, #tpu.memory_space<hbm>> -> memref<8x128xi32, #tpu.memory_space<hbm>>
        tpu.wait_dma2 semaphore(%arg20 : memref<!tpu.dma_semaphore, #tpu.memory_space<semaphore_mem>>) src(%dma_wait3A_56 : memref<8x128xi32, #tpu.memory_space<hbm>>) dst(%arg10 : memref<8x128xi32, #tpu.memory_space<vmem>>)
        %mul3A_57 = arith.constant 8 : i32
        %mul3A_58 = arith.muli %add3A_25, %mul3A_57 : i32
        %mul3A_59 = arith.constant 128 : i32
        %mul3A_60 = arith.muli %mul3A_58, %mul3A_59 : i32
        %multiple_of3A_61 = tpu.assume_multiple %mul3A_60, 128 : i32
        %dma_start3A_62 = arith.constant 0 : i32
        %dma_start3A_63 = tpu.memref_slice %arg2[%multiple_of3A_61, %dma_start3A_62] : memref<320000x128xf32, #tpu.memory_space<hbm>> -> memref<128x128xf32, #tpu.memory_space<hbm>>
        %dma_start3A_64 = arith.constant 0 : i32
        %dma_start3A_65 = tpu.memref_slice %arg2[%multiple_of3A_61, %dma_start3A_64] : memref<320000x128xf32, #tpu.memory_space<hbm>> -> memref<128x128xf32, #tpu.memory_space<hbm>>
        tpu.enqueue_dma source(%dma_start3A_65 : memref<128x128xf32, #tpu.memory_space<hbm>>) target(%arg13 : memref<128x128xf32, #tpu.memory_space<vmem>>) target_semaphore(%arg16 : memref<!tpu.dma_semaphore, #tpu.memory_space<semaphore_mem>>)
        %mul3A_66 = arith.constant 8 : i32
        %mul3A_67 = arith.muli %add3A_25, %mul3A_66 : i32
        %add3A_68 = arith.constant 1 : i32
        %add3A_69 = arith.addi %mul3A_67, %add3A_68 : i32
        %mul3A_70 = arith.constant 128 : i32
        %mul3A_71 = arith.muli %add3A_69, %mul3A_70 : i32
        %multiple_of3A_72 = tpu.assume_multiple %mul3A_71, 128 : i32
        %dma_start3A_73 = arith.constant 0 : i32
        %dma_start3A_74 = tpu.memref_slice %arg2[%multiple_of3A_72, %dma_start3A_73] : memref<320000x128xf32, #tpu.memory_space<hbm>> -> memref<128x128xf32, #tpu.memory_space<hbm>>
        %dma_start3A_75 = arith.constant 0 : i32
        %dma_start3A_76 = tpu.memref_slice %arg2[%multiple_of3A_72, %dma_start3A_75] : memref<320000x128xf32, #tpu.memory_space<hbm>> -> memref<128x128xf32, #tpu.memory_space<hbm>>
        tpu.enqueue_dma source(%dma_start3A_76 : memref<128x128xf32, #tpu.memory_space<hbm>>) target(%arg14 : memref<128x128xf32, #tpu.memory_space<vmem>>) target_semaphore(%arg17 : memref<!tpu.dma_semaphore, #tpu.memory_space<semaphore_mem>>)
        %mul3A_77 = arith.constant 8 : i32
        %mul3A_78 = arith.muli %add3A_25, %mul3A_77 : i32
        %add3A_79 = arith.constant 0 : i32
        %add3A_80 = arith.addi %mul3A_78, %add3A_79 : i32
        %mul3A_81 = arith.constant 128 : i32
        %mul3A_82 = arith.muli %add3A_80, %mul3A_81 : i32
        %multiple_of3A_83 = tpu.assume_multiple %mul3A_82, 128 : i32
        %dma_wait3A_84 = arith.constant 0 : i32
        %dma_wait3A_85 = tpu.memref_slice %arg2[%multiple_of3A_83, %dma_wait3A_84] : memref<320000x128xf32, #tpu.memory_space<hbm>> -> memref<128x128xf32, #tpu.memory_space<hbm>>
        %dma_wait3A_86 = arith.constant 0 : i32
        %dma_wait3A_87 = tpu.memref_slice %arg2[%multiple_of3A_83, %dma_wait3A_86] : memref<320000x128xf32, #tpu.memory_space<hbm>> -> memref<128x128xf32, #tpu.memory_space<hbm>>
        tpu.wait_dma2 semaphore(%arg16 : memref<!tpu.dma_semaphore, #tpu.memory_space<semaphore_mem>>) src(%dma_wait3A_87 : memref<128x128xf32, #tpu.memory_space<hbm>>) dst(%arg13 : memref<128x128xf32, #tpu.memory_space<vmem>>)
        %dma_start3A_88 = arith.constant 0 : i32
        %dma_start3A_89 = arith.constant 0 : i32
        %dma_start3A_90 = tpu.memref_slice %arg10[%dma_start3A_88, %dma_start3A_89] : memref<8x128xi32, #tpu.memory_space<vmem>> -> memref<1x128xi32, #tpu.memory_space<vmem>>
        %dma_start3A_91 = tpu.memref_squeeze %dma_start3A_90 : memref<1x128xi32, #tpu.memory_space<vmem>> -> memref<128xi32, #tpu.memory_space<vmem>>
        %dma_start3A_92 = arith.constant 0 : i32
        %dma_start3A_93 = arith.constant 0 : i32
        %dma_start3A_94 = tpu.memref_slice %arg9[%dma_start3A_92, %dma_start3A_93] : memref<10240x128xf32, #tpu.memory_space<vmem_shared>> -> memref<10240x128xf32, #tpu.memory_space<vmem_shared>>
        tpu.enqueue_indirect_dma source(%arg13 : memref<128x128xf32, #tpu.memory_space<vmem>>) target(%dma_start3A_94 : memref<10240x128xf32, #tpu.memory_space<vmem_shared>>) offsets(%dma_start3A_91 : memref<128xi32, #tpu.memory_space<vmem>>) semaphore(%arg18 : memref<!tpu.dma_semaphore, #tpu.memory_space<semaphore_mem>>) {add = true}
        %get3A = arith.constant 0 : i32
        %get3A_95 = arith.index_cast %get3A : i32 to index
        %get3A_96 = arith.constant 0 : index
        %get3A_97 = tpu.vector_load %arg10[%get3A_95, %get3A_96] {strides = array<i32>} : memref<8x128xi32, #tpu.memory_space<vmem>>, vector<16xi32>,
        tpu.vector_store_idx %arg15[%get3A_97], %broadcast_in_dim3A_3 {add = true} : memref<10240xf32, #tpu.memory_space<vmem>>[vector<16xi32>], vector<16xf32>,
        %get3A_98 = arith.constant 0 : i32
        %get3A_99 = arith.index_cast %get3A_98 : i32 to index
        %get3A_100 = arith.constant 16 : index
        %get3A_101 = tpu.vector_load %arg10[%get3A_99, %get3A_100] {strides = array<i32>} : memref<8x128xi32, #tpu.memory_space<vmem>>, vector<16xi32>,
        tpu.vector_store_idx %arg15[%get3A_101], %broadcast_in_dim3A_3 {add = true} : memref<10240xf32, #tpu.memory_space<vmem>>[vector<16xi32>], vector<16xf32>,
        %get3A_102 = arith.constant 0 : i32
        %get3A_103 = arith.index_cast %get3A_102 : i32 to index
        %get3A_104 = arith.constant 32 : index
        %get3A_105 = tpu.vector_load %arg10[%get3A_103, %get3A_104] {strides = array<i32>} : memref<8x128xi32, #tpu.memory_space<vmem>>, vector<16xi32>,
        tpu.vector_store_idx %arg15[%get3A_105], %broadcast_in_dim3A_3 {add = true} : memref<10240xf32, #tpu.memory_space<vmem>>[vector<16xi32>], vector<16xf32>,
        %get3A_106 = arith.constant 0 : i32
        %get3A_107 = arith.index_cast %get3A_106 : i32 to index
        %get3A_108 = arith.constant 48 : index
        %get3A_109 = tpu.vector_load %arg10[%get3A_107, %get3A_108] {strides = array<i32>} : memref<8x128xi32, #tpu.memory_space<vmem>>, vector<16xi32>,
        tpu.vector_store_idx %arg15[%get3A_109], %broadcast_in_dim3A_3 {add = true} : memref<10240xf32, #tpu.memory_space<vmem>>[vector<16xi32>], vector<16xf32>,
        %get3A_110 = arith.constant 0 : i32
        %get3A_111 = arith.index_cast %get3A_110 : i32 to index
        %get3A_112 = arith.constant 64 : index
        %get3A_113 = tpu.vector_load %arg10[%get3A_111, %get3A_112] {strides = array<i32>} : memref<8x128xi32, #tpu.memory_space<vmem>>, vector<16xi32>,
        tpu.vector_store_idx %arg15[%get3A_113], %broadcast_in_dim3A_3 {add = true} : memref<10240xf32, #tpu.memory_space<vmem>>[vector<16xi32>], vector<16xf32>,
        %get3A_114 = arith.constant 0 : i32
        %get3A_115 = arith.index_cast %get3A_114 : i32 to index
        %get3A_116 = arith.constant 80 : index
        %get3A_117 = tpu.vector_load %arg10[%get3A_115, %get3A_116] {strides = array<i32>} : memref<8x128xi32, #tpu.memory_space<vmem>>, vector<16xi32>,
        tpu.vector_store_idx %arg15[%get3A_117], %broadcast_in_dim3A_3 {add = true} : memref<10240xf32, #tpu.memory_space<vmem>>[vector<16xi32>], vector<16xf32>,
        %get3A_118 = arith.constant 0 : i32
        %get3A_119 = arith.index_cast %get3A_118 : i32 to index
        %get3A_120 = arith.constant 96 : index
        %get3A_121 = tpu.vector_load %arg10[%get3A_119, %get3A_120] {strides = array<i32>} : memref<8x128xi32, #tpu.memory_space<vmem>>, vector<16xi32>,
        tpu.vector_store_idx %arg15[%get3A_121], %broadcast_in_dim3A_3 {add = true} : memref<10240xf32, #tpu.memory_space<vmem>>[vector<16xi32>], vector<16xf32>,
        %get3A_122 = arith.constant 0 : i32
        %get3A_123 = arith.index_cast %get3A_122 : i32 to index
        %get3A_124 = arith.constant 112 : index
        %get3A_125 = tpu.vector_load %arg10[%get3A_123, %get3A_124] {strides = array<i32>} : memref<8x128xi32, #tpu.memory_space<vmem>>, vector<16xi32>,
        tpu.vector_store_idx %arg15[%get3A_125], %broadcast_in_dim3A_3 {add = true} : memref<10240xf32, #tpu.memory_space<vmem>>[vector<16xi32>], vector<16xf32>,
        %dma_wait3A_126 = arith.constant 0 : i32
        %dma_wait3A_127 = arith.constant 0 : i32
        %dma_wait3A_128 = tpu.memref_slice %arg10[%dma_wait3A_126, %dma_wait3A_127] : memref<8x128xi32, #tpu.memory_space<vmem>> -> memref<1x128xi32, #tpu.memory_space<vmem>>
        %dma_wait3A_129 = tpu.memref_squeeze %dma_wait3A_128 : memref<1x128xi32, #tpu.memory_space<vmem>> -> memref<128xi32, #tpu.memory_space<vmem>>
        %dma_wait3A_130 = arith.constant 0 : i32
        %dma_wait3A_131 = arith.constant 0 : i32
        %dma_wait3A_132 = tpu.memref_slice %arg9[%dma_wait3A_130, %dma_wait3A_131] : memref<10240x128xf32, #tpu.memory_space<vmem_shared>> -> memref<10240x128xf32, #tpu.memory_space<vmem_shared>>
        tpu.wait_indirect_dma semaphore(%arg18 : memref<!tpu.dma_semaphore, #tpu.memory_space<semaphore_mem>>) src(%arg13 : memref<128x128xf32, #tpu.memory_space<vmem>>) dst(%dma_wait3A_132 : memref<10240x128xf32, #tpu.memory_space<vmem_shared>>)
        %add3A_133 = arith.constant 2 : i32
        %add3A_134 = arith.addi %add3A_80, %add3A_133 : i32
        %mul3A_135 = arith.constant 128 : i32
        %mul3A_136 = arith.muli %add3A_134, %mul3A_135 : i32
        %multiple_of3A_137 = tpu.assume_multiple %mul3A_136, 128 : i32
        %dma_start3A_138 = arith.constant 0 : i32
        %dma_start3A_139 = tpu.memref_slice %arg2[%multiple_of3A_137, %dma_start3A_138] : memref<320000x128xf32, #tpu.memory_space<hbm>> -> memref<128x128xf32, #tpu.memory_space<hbm>>
        %dma_start3A_140 = arith.constant 0 : i32
        %dma_start3A_141 = tpu.memref_slice %arg2[%multiple_of3A_137, %dma_start3A_140] : memref<320000x128xf32, #tpu.memory_space<hbm>> -> memref<128x128xf32, #tpu.memory_space<hbm>>
        tpu.enqueue_dma source(%dma_start3A_141 : memref<128x128xf32, #tpu.memory_space<hbm>>) target(%arg13 : memref<128x128xf32, #tpu.memory_space<vmem>>) target_semaphore(%arg16 : memref<!tpu.dma_semaphore, #tpu.memory_space<semaphore_mem>>)
        %mul3A_142 = arith.constant 8 : i32
        %mul3A_143 = arith.muli %add3A_25, %mul3A_142 : i32
        %add3A_144 = arith.constant 1 : i32
        %add3A_145 = arith.addi %mul3A_143, %add3A_144 : i32
        %mul3A_146 = arith.constant 128 : i32
        %mul3A_147 = arith.muli %add3A_145, %mul3A_146 : i32
        %multiple_of3A_148 = tpu.assume_multiple %mul3A_147, 128 : i32
        %dma_wait3A_149 = arith.constant 0 : i32
        %dma_wait3A_150 = tpu.memref_slice %arg2[%multiple_of3A_148, %dma_wait3A_149] : memref<320000x128xf32, #tpu.memory_space<hbm>> -> memref<128x128xf32, #tpu.memory_space<hbm>>
        %dma_wait3A_151 = arith.constant 0 : i32
        %dma_wait3A_152 = tpu.memref_slice %arg2[%multiple_of3A_148, %dma_wait3A_151] : memref<320000x128xf32, #tpu.memory_space<hbm>> -> memref<128x128xf32, #tpu.memory_space<hbm>>
        tpu.wait_dma2 semaphore(%arg17 : memref<!tpu.dma_semaphore, #tpu.memory_space<semaphore_mem>>) src(%dma_wait3A_152 : memref<128x128xf32, #tpu.memory_space<hbm>>) dst(%arg14 : memref<128x128xf32, #tpu.memory_space<vmem>>)
        %dma_start3A_153 = arith.constant 1 : i32
        %dma_start3A_154 = arith.constant 0 : i32
        %dma_start3A_155 = tpu.memref_slice %arg10[%dma_start3A_153, %dma_start3A_154] : memref<8x128xi32, #tpu.memory_space<vmem>> -> memref<1x128xi32, #tpu.memory_space<vmem>>
        %dma_start3A_156 = tpu.memref_squeeze %dma_start3A_155 : memref<1x128xi32, #tpu.memory_space<vmem>> -> memref<128xi32, #tpu.memory_space<vmem>>
        %dma_start3A_157 = arith.constant 0 : i32
        %dma_start3A_158 = arith.constant 0 : i32
        %dma_start3A_159 = tpu.memref_slice %arg9[%dma_start3A_157, %dma_start3A_158] : memref<10240x128xf32, #tpu.memory_space<vmem_shared>> -> memref<10240x128xf32, #tpu.memory_space<vmem_shared>>
        tpu.enqueue_indirect_dma source(%arg14 : memref<128x128xf32, #tpu.memory_space<vmem>>) target(%dma_start3A_159 : memref<10240x128xf32, #tpu.memory_space<vmem_shared>>) offsets(%dma_start3A_156 : memref<128xi32, #tpu.memory_space<vmem>>) semaphore(%arg19 : memref<!tpu.dma_semaphore, #tpu.memory_space<semaphore_mem>>) {add = true}
        %get3A_160 = arith.constant 1 : i32
        %get3A_161 = arith.index_cast %get3A_160 : i32 to index
        %get3A_162 = arith.constant 0 : index
        %get3A_163 = tpu.vector_load %arg10[%get3A_161, %get3A_162] {strides = array<i32>} : memref<8x128xi32, #tpu.memory_space<vmem>>, vector<16xi32>,
        tpu.vector_store_idx %arg15[%get3A_163], %broadcast_in_dim3A_3 {add = true} : memref<10240xf32, #tpu.memory_space<vmem>>[vector<16xi32>], vector<16xf32>,
        %get3A_164 = arith.constant 1 : i32
        %get3A_165 = arith.index_cast %get3A_164 : i32 to index
        %get3A_166 = arith.constant 16 : index
        %get3A_167 = tpu.vector_load %arg10[%get3A_165, %get3A_166] {strides = array<i32>} : memref<8x128xi32, #tpu.memory_space<vmem>>, vector<16xi32>,
        tpu.vector_store_idx %arg15[%get3A_167], %broadcast_in_dim3A_3 {add = true} : memref<10240xf32, #tpu.memory_space<vmem>>[vector<16xi32>], vector<16xf32>,
        %get3A_168 = arith.constant 1 : i32
        %get3A_169 = arith.index_cast %get3A_168 : i32 to index
        %get3A_170 = arith.constant 32 : index
        %get3A_171 = tpu.vector_load %arg10[%get3A_169, %get3A_170] {strides = array<i32>} : memref<8x128xi32, #tpu.memory_space<vmem>>, vector<16xi32>,
        tpu.vector_store_idx %arg15[%get3A_171], %broadcast_in_dim3A_3 {add = true} : memref<10240xf32, #tpu.memory_space<vmem>>[vector<16xi32>], vector<16xf32>,
        %get3A_172 = arith.constant 1 : i32
        %get3A_173 = arith.index_cast %get3A_172 : i32 to index
        %get3A_174 = arith.constant 48 : index
        %get3A_175 = tpu.vector_load %arg10[%get3A_173, %get3A_174] {strides = array<i32>} : memref<8x128xi32, #tpu.memory_space<vmem>>, vector<16xi32>,
        tpu.vector_store_idx %arg15[%get3A_175], %broadcast_in_dim3A_3 {add = true} : memref<10240xf32, #tpu.memory_space<vmem>>[vector<16xi32>], vector<16xf32>,
        %get3A_176 = arith.constant 1 : i32
        %get3A_177 = arith.index_cast %get3A_176 : i32 to index
        %get3A_178 = arith.constant 64 : index
        %get3A_179 = tpu.vector_load %arg10[%get3A_177, %get3A_178] {strides = array<i32>} : memref<8x128xi32, #tpu.memory_space<vmem>>, vector<16xi32>,
        tpu.vector_store_idx %arg15[%get3A_179], %broadcast_in_dim3A_3 {add = true} : memref<10240xf32, #tpu.memory_space<vmem>>[vector<16xi32>], vector<16xf32>,
        %get3A_180 = arith.constant 1 : i32
        %get3A_181 = arith.index_cast %get3A_180 : i32 to index
        %get3A_182 = arith.constant 80 : index
        %get3A_183 = tpu.vector_load %arg10[%get3A_181, %get3A_182] {strides = array<i32>} : memref<8x128xi32, #tpu.memory_space<vmem>>, vector<16xi32>,
        tpu.vector_store_idx %arg15[%get3A_183], %broadcast_in_dim3A_3 {add = true} : memref<10240xf32, #tpu.memory_space<vmem>>[vector<16xi32>], vector<16xf32>,
        %get3A_184 = arith.constant 1 : i32
        %get3A_185 = arith.index_cast %get3A_184 : i32 to index
        %get3A_186 = arith.constant 96 : index
        %get3A_187 = tpu.vector_load %arg10[%get3A_185, %get3A_186] {strides = array<i32>} : memref<8x128xi32, #tpu.memory_space<vmem>>, vector<16xi32>,
        tpu.vector_store_idx %arg15[%get3A_187], %broadcast_in_dim3A_3 {add = true} : memref<10240xf32, #tpu.memory_space<vmem>>[vector<16xi32>], vector<16xf32>,
        %get3A_188 = arith.constant 1 : i32
        %get3A_189 = arith.index_cast %get3A_188 : i32 to index
        %get3A_190 = arith.constant 112 : index
        %get3A_191 = tpu.vector_load %arg10[%get3A_189, %get3A_190] {strides = array<i32>} : memref<8x128xi32, #tpu.memory_space<vmem>>, vector<16xi32>,
        tpu.vector_store_idx %arg15[%get3A_191], %broadcast_in_dim3A_3 {add = true} : memref<10240xf32, #tpu.memory_space<vmem>>[vector<16xi32>], vector<16xf32>,
        %dma_wait3A_192 = arith.constant 1 : i32
        %dma_wait3A_193 = arith.constant 0 : i32
        %dma_wait3A_194 = tpu.memref_slice %arg10[%dma_wait3A_192, %dma_wait3A_193] : memref<8x128xi32, #tpu.memory_space<vmem>> -> memref<1x128xi32, #tpu.memory_space<vmem>>
        %dma_wait3A_195 = tpu.memref_squeeze %dma_wait3A_194 : memref<1x128xi32, #tpu.memory_space<vmem>> -> memref<128xi32, #tpu.memory_space<vmem>>
        %dma_wait3A_196 = arith.constant 0 : i32
        %dma_wait3A_197 = arith.constant 0 : i32
        %dma_wait3A_198 = tpu.memref_slice %arg9[%dma_wait3A_196, %dma_wait3A_197] : memref<10240x128xf32, #tpu.memory_space<vmem_shared>> -> memref<10240x128xf32, #tpu.memory_space<vmem_shared>>
        tpu.wait_indirect_dma semaphore(%arg19 : memref<!tpu.dma_semaphore, #tpu.memory_space<semaphore_mem>>) src(%arg14 : memref<128x128xf32, #tpu.memory_space<vmem>>) dst(%dma_wait3A_198 : memref<10240x128xf32, #tpu.memory_space<vmem_shared>>)
        %add3A_199 = arith.constant 2 : i32
        %add3A_200 = arith.addi %add3A_145, %add3A_199 : i32
        %mul3A_201 = arith.constant 128 : i32
        %mul3A_202 = arith.muli %add3A_200, %mul3A_201 : i32
        %multiple_of3A_203 = tpu.assume_multiple %mul3A_202, 128 : i32
        %dma_start3A_204 = arith.constant 0 : i32
        %dma_start3A_205 = tpu.memref_slice %arg2[%multiple_of3A_203, %dma_start3A_204] : memref<320000x128xf32, #tpu.memory_space<hbm>> -> memref<128x128xf32, #tpu.memory_space<hbm>>
        %dma_start3A_206 = arith.constant 0 : i32
        %dma_start3A_207 = tpu.memref_slice %arg2[%multiple_of3A_203, %dma_start3A_206] : memref<320000x128xf32, #tpu.memory_space<hbm>> -> memref<128x128xf32, #tpu.memory_space<hbm>>
        tpu.enqueue_dma source(%dma_start3A_207 : memref<128x128xf32, #tpu.memory_space<hbm>>) target(%arg14 : memref<128x128xf32, #tpu.memory_space<vmem>>) target_semaphore(%arg17 : memref<!tpu.dma_semaphore, #tpu.memory_space<semaphore_mem>>)
        %mul3A_208 = arith.constant 8 : i32
        %mul3A_209 = arith.muli %add3A_25, %mul3A_208 : i32
        %add3A_210 = arith.constant 2 : i32
        %add3A_211 = arith.addi %mul3A_209, %add3A_210 : i32
        %mul3A_212 = arith.constant 128 : i32
        %mul3A_213 = arith.muli %add3A_211, %mul3A_212 : i32
        %multiple_of3A_214 = tpu.assume_multiple %mul3A_213, 128 : i32
        %dma_wait3A_215 = arith.constant 0 : i32
        %dma_wait3A_216 = tpu.memref_slice %arg2[%multiple_of3A_214, %dma_wait3A_215] : memref<320000x128xf32, #tpu.memory_space<hbm>> -> memref<128x128xf32, #tpu.memory_space<hbm>>
        %dma_wait3A_217 = arith.constant 0 : i32
        %dma_wait3A_218 = tpu.memref_slice %arg2[%multiple_of3A_214, %dma_wait3A_217] : memref<320000x128xf32, #tpu.memory_space<hbm>> -> memref<128x128xf32, #tpu.memory_space<hbm>>
        tpu.wait_dma2 semaphore(%arg16 : memref<!tpu.dma_semaphore, #tpu.memory_space<semaphore_mem>>) src(%dma_wait3A_218 : memref<128x128xf32, #tpu.memory_space<hbm>>) dst(%arg13 : memref<128x128xf32, #tpu.memory_space<vmem>>)
        %dma_start3A_219 = arith.constant 2 : i32
        %dma_start3A_220 = arith.constant 0 : i32
        %dma_start3A_221 = tpu.memref_slice %arg10[%dma_start3A_219, %dma_start3A_220] : memref<8x128xi32, #tpu.memory_space<vmem>> -> memref<1x128xi32, #tpu.memory_space<vmem>>
        %dma_start3A_222 = tpu.memref_squeeze %dma_start3A_221 : memref<1x128xi32, #tpu.memory_space<vmem>> -> memref<128xi32, #tpu.memory_space<vmem>>
        %dma_start3A_223 = arith.constant 0 : i32
        %dma_start3A_224 = arith.constant 0 : i32
        %dma_start3A_225 = tpu.memref_slice %arg9[%dma_start3A_223, %dma_start3A_224] : memref<10240x128xf32, #tpu.memory_space<vmem_shared>> -> memref<10240x128xf32, #tpu.memory_space<vmem_shared>>
        tpu.enqueue_indirect_dma source(%arg13 : memref<128x128xf32, #tpu.memory_space<vmem>>) target(%dma_start3A_225 : memref<10240x128xf32, #tpu.memory_space<vmem_shared>>) offsets(%dma_start3A_222 : memref<128xi32, #tpu.memory_space<vmem>>) semaphore(%arg18 : memref<!tpu.dma_semaphore, #tpu.memory_space<semaphore_mem>>) {add = true}
        %get3A_226 = arith.constant 2 : i32
        %get3A_227 = arith.index_cast %get3A_226 : i32 to index
        %get3A_228 = arith.constant 0 : index
        %get3A_229 = tpu.vector_load %arg10[%get3A_227, %get3A_228] {strides = array<i32>} : memref<8x128xi32, #tpu.memory_space<vmem>>, vector<16xi32>,
        tpu.vector_store_idx %arg15[%get3A_229], %broadcast_in_dim3A_3 {add = true} : memref<10240xf32, #tpu.memory_space<vmem>>[vector<16xi32>], vector<16xf32>,
        %get3A_230 = arith.constant 2 : i32
        %get3A_231 = arith.index_cast %get3A_230 : i32 to index
        %get3A_232 = arith.constant 16 : index
        %get3A_233 = tpu.vector_load %arg10[%get3A_231, %get3A_232] {strides = array<i32>} : memref<8x128xi32, #tpu.memory_space<vmem>>, vector<16xi32>,
        tpu.vector_store_idx %arg15[%get3A_233], %broadcast_in_dim3A_3 {add = true} : memref<10240xf32, #tpu.memory_space<vmem>>[vector<16xi32>], vector<16xf32>,
        %get3A_234 = arith.constant 2 : i32
        %get3A_235 = arith.index_cast %get3A_234 : i32 to index
        %get3A_236 = arith.constant 32 : index
        %get3A_237 = tpu.vector_load %arg10[%get3A_235, %get3A_236] {strides = array<i32>} : memref<8x128xi32, #tpu.memory_space<vmem>>, vector<16xi32>,
        tpu.vector_store_idx %arg15[%get3A_237], %broadcast_in_dim3A_3 {add = true} : memref<10240xf32, #tpu.memory_space<vmem>>[vector<16xi32>], vector<16xf32>,
        %get3A_238 = arith.constant 2 : i32
        %get3A_239 = arith.index_cast %get3A_238 : i32 to index
        %get3A_240 = arith.constant 48 : index
        %get3A_241 = tpu.vector_load %arg10[%get3A_239, %get3A_240] {strides = array<i32>} : memref<8x128xi32, #tpu.memory_space<vmem>>, vector<16xi32>,
        tpu.vector_store_idx %arg15[%get3A_241], %broadcast_in_dim3A_3 {add = true} : memref<10240xf32, #tpu.memory_space<vmem>>[vector<16xi32>], vector<16xf32>,
        %get3A_242 = arith.constant 2 : i32
        %get3A_243 = arith.index_cast %get3A_242 : i32 to index
        %get3A_244 = arith.constant 64 : index
        %get3A_245 = tpu.vector_load %arg10[%get3A_243, %get3A_244] {strides = array<i32>} : memref<8x128xi32, #tpu.memory_space<vmem>>, vector<16xi32>,
        tpu.vector_store_idx %arg15[%get3A_245], %broadcast_in_dim3A_3 {add = true} : memref<10240xf32, #tpu.memory_space<vmem>>[vector<16xi32>], vector<16xf32>,
        %get3A_246 = arith.constant 2 : i32
        %get3A_247 = arith.index_cast %get3A_246 : i32 to index
        %get3A_248 = arith.constant 80 : index
        %get3A_249 = tpu.vector_load %arg10[%get3A_247, %get3A_248] {strides = array<i32>} : memref<8x128xi32, #tpu.memory_space<vmem>>, vector<16xi32>,
        tpu.vector_store_idx %arg15[%get3A_249], %broadcast_in_dim3A_3 {add = true} : memref<10240xf32, #tpu.memory_space<vmem>>[vector<16xi32>], vector<16xf32>,
        %get3A_250 = arith.constant 2 : i32
        %get3A_251 = arith.index_cast %get3A_250 : i32 to index
        %get3A_252 = arith.constant 96 : index
        %get3A_253 = tpu.vector_load %arg10[%get3A_251, %get3A_252] {strides = array<i32>} : memref<8x128xi32, #tpu.memory_space<vmem>>, vector<16xi32>,
        tpu.vector_store_idx %arg15[%get3A_253], %broadcast_in_dim3A_3 {add = true} : memref<10240xf32, #tpu.memory_space<vmem>>[vector<16xi32>], vector<16xf32>,
        %get3A_254 = arith.constant 2 : i32
        %get3A_255 = arith.index_cast %get3A_254 : i32 to index
        %get3A_256 = arith.constant 112 : index
        %get3A_257 = tpu.vector_load %arg10[%get3A_255, %get3A_256] {strides = array<i32>} : memref<8x128xi32, #tpu.memory_space<vmem>>, vector<16xi32>,
        tpu.vector_store_idx %arg15[%get3A_257], %broadcast_in_dim3A_3 {add = true} : memref<10240xf32, #tpu.memory_space<vmem>>[vector<16xi32>], vector<16xf32>,
        %dma_wait3A_258 = arith.constant 2 : i32
        %dma_wait3A_259 = arith.constant 0 : i32
        %dma_wait3A_260 = tpu.memref_slice %arg10[%dma_wait3A_258, %dma_wait3A_259] : memref<8x128xi32, #tpu.memory_space<vmem>> -> memref<1x128xi32, #tpu.memory_space<vmem>>
        %dma_wait3A_261 = tpu.memref_squeeze %dma_wait3A_260 : memref<1x128xi32, #tpu.memory_space<vmem>> -> memref<128xi32, #tpu.memory_space<vmem>>
        %dma_wait3A_262 = arith.constant 0 : i32
        %dma_wait3A_263 = arith.constant 0 : i32
        %dma_wait3A_264 = tpu.memref_slice %arg9[%dma_wait3A_262, %dma_wait3A_263] : memref<10240x128xf32, #tpu.memory_space<vmem_shared>> -> memref<10240x128xf32, #tpu.memory_space<vmem_shared>>
        tpu.wait_indirect_dma semaphore(%arg18 : memref<!tpu.dma_semaphore, #tpu.memory_space<semaphore_mem>>) src(%arg13 : memref<128x128xf32, #tpu.memory_space<vmem>>) dst(%dma_wait3A_264 : memref<10240x128xf32, #tpu.memory_space<vmem_shared>>)
        %add3A_265 = arith.constant 2 : i32
        %add3A_266 = arith.addi %add3A_211, %add3A_265 : i32
        %mul3A_267 = arith.constant 128 : i32
        %mul3A_268 = arith.muli %add3A_266, %mul3A_267 : i32
        %multiple_of3A_269 = tpu.assume_multiple %mul3A_268, 128 : i32
        %dma_start3A_270 = arith.constant 0 : i32
        %dma_start3A_271 = tpu.memref_slice %arg2[%multiple_of3A_269, %dma_start3A_270] : memref<320000x128xf32, #tpu.memory_space<hbm>> -> memref<128x128xf32, #tpu.memory_space<hbm>>
        %dma_start3A_272 = arith.constant 0 : i32
        %dma_start3A_273 = tpu.memref_slice %arg2[%multiple_of3A_269, %dma_start3A_272] : memref<320000x128xf32, #tpu.memory_space<hbm>> -> memref<128x128xf32, #tpu.memory_space<hbm>>
        tpu.enqueue_dma source(%dma_start3A_273 : memref<128x128xf32, #tpu.memory_space<hbm>>) target(%arg13 : memref<128x128xf32, #tpu.memory_space<vmem>>) target_semaphore(%arg16 : memref<!tpu.dma_semaphore, #tpu.memory_space<semaphore_mem>>)
        %mul3A_274 = arith.constant 8 : i32
        %mul3A_275 = arith.muli %add3A_25, %mul3A_274 : i32
        %add3A_276 = arith.constant 3 : i32
        %add3A_277 = arith.addi %mul3A_275, %add3A_276 : i32
        %mul3A_278 = arith.constant 128 : i32
        %mul3A_279 = arith.muli %add3A_277, %mul3A_278 : i32
        %multiple_of3A_280 = tpu.assume_multiple %mul3A_279, 128 : i32
        %dma_wait3A_281 = arith.constant 0 : i32
        %dma_wait3A_282 = tpu.memref_slice %arg2[%multiple_of3A_280, %dma_wait3A_281] : memref<320000x128xf32, #tpu.memory_space<hbm>> -> memref<128x128xf32, #tpu.memory_space<hbm>>
        %dma_wait3A_283 = arith.constant 0 : i32
        %dma_wait3A_284 = tpu.memref_slice %arg2[%multiple_of3A_280, %dma_wait3A_283] : memref<320000x128xf32, #tpu.memory_space<hbm>> -> memref<128x128xf32, #tpu.memory_space<hbm>>
        tpu.wait_dma2 semaphore(%arg17 : memref<!tpu.dma_semaphore, #tpu.memory_space<semaphore_mem>>) src(%dma_wait3A_284 : memref<128x128xf32, #tpu.memory_space<hbm>>) dst(%arg14 : memref<128x128xf32, #tpu.memory_space<vmem>>)
        %dma_start3A_285 = arith.constant 3 : i32
        %dma_start3A_286 = arith.constant 0 : i32
        %dma_start3A_287 = tpu.memref_slice %arg10[%dma_start3A_285, %dma_start3A_286] : memref<8x128xi32, #tpu.memory_space<vmem>> -> memref<1x128xi32, #tpu.memory_space<vmem>>
        %dma_start3A_288 = tpu.memref_squeeze %dma_start3A_287 : memref<1x128xi32, #tpu.memory_space<vmem>> -> memref<128xi32, #tpu.memory_space<vmem>>
        %dma_start3A_289 = arith.constant 0 : i32
        %dma_start3A_290 = arith.constant 0 : i32
        %dma_start3A_291 = tpu.memref_slice %arg9[%dma_start3A_289, %dma_start3A_290] : memref<10240x128xf32, #tpu.memory_space<vmem_shared>> -> memref<10240x128xf32, #tpu.memory_space<vmem_shared>>
        tpu.enqueue_indirect_dma source(%arg14 : memref<128x128xf32, #tpu.memory_space<vmem>>) target(%dma_start3A_291 : memref<10240x128xf32, #tpu.memory_space<vmem_shared>>) offsets(%dma_start3A_288 : memref<128xi32, #tpu.memory_space<vmem>>) semaphore(%arg19 : memref<!tpu.dma_semaphore, #tpu.memory_space<semaphore_mem>>) {add = true}
        %get3A_292 = arith.constant 3 : i32
        %get3A_293 = arith.index_cast %get3A_292 : i32 to index
        %get3A_294 = arith.constant 0 : index
        %get3A_295 = tpu.vector_load %arg10[%get3A_293, %get3A_294] {strides = array<i32>} : memref<8x128xi32, #tpu.memory_space<vmem>>, vector<16xi32>,
        tpu.vector_store_idx %arg15[%get3A_295], %broadcast_in_dim3A_3 {add = true} : memref<10240xf32, #tpu.memory_space<vmem>>[vector<16xi32>], vector<16xf32>,
        %get3A_296 = arith.constant 3 : i32
        %get3A_297 = arith.index_cast %get3A_296 : i32 to index
        %get3A_298 = arith.constant 16 : index
        %get3A_299 = tpu.vector_load %arg10[%get3A_297, %get3A_298] {strides = array<i32>} : memref<8x128xi32, #tpu.memory_space<vmem>>, vector<16xi32>,
        tpu.vector_store_idx %arg15[%get3A_299], %broadcast_in_dim3A_3 {add = true} : memref<10240xf32, #tpu.memory_space<vmem>>[vector<16xi32>], vector<16xf32>,
        %get3A_300 = arith.constant 3 : i32
        %get3A_301 = arith.index_cast %get3A_300 : i32 to index
        %get3A_302 = arith.constant 32 : index
        %get3A_303 = tpu.vector_load %arg10[%get3A_301, %get3A_302] {strides = array<i32>} : memref<8x128xi32, #tpu.memory_space<vmem>>, vector<16xi32>,
        tpu.vector_store_idx %arg15[%get3A_303], %broadcast_in_dim3A_3 {add = true} : memref<10240xf32, #tpu.memory_space<vmem>>[vector<16xi32>], vector<16xf32>,
        %get3A_304 = arith.constant 3 : i32
        %get3A_305 = arith.index_cast %get3A_304 : i32 to index
        %get3A_306 = arith.constant 48 : index
        %get3A_307 = tpu.vector_load %arg10[%get3A_305, %get3A_306] {strides = array<i32>} : memref<8x128xi32, #tpu.memory_space<vmem>>, vector<16xi32>,
        tpu.vector_store_idx %arg15[%get3A_307], %broadcast_in_dim3A_3 {add = true} : memref<10240xf32, #tpu.memory_space<vmem>>[vector<16xi32>], vector<16xf32>,
        %get3A_308 = arith.constant 3 : i32
        %get3A_309 = arith.index_cast %get3A_308 : i32 to index
        %get3A_310 = arith.constant 64 : index
        %get3A_311 = tpu.vector_load %arg10[%get3A_309, %get3A_310] {strides = array<i32>} : memref<8x128xi32, #tpu.memory_space<vmem>>, vector<16xi32>,
        tpu.vector_store_idx %arg15[%get3A_311], %broadcast_in_dim3A_3 {add = true} : memref<10240xf32, #tpu.memory_space<vmem>>[vector<16xi32>], vector<16xf32>,
        %get3A_312 = arith.constant 3 : i32
        %get3A_313 = arith.index_cast %get3A_312 : i32 to index
        %get3A_314 = arith.constant 80 : index
        %get3A_315 = tpu.vector_load %arg10[%get3A_313, %get3A_314] {strides = array<i32>} : memref<8x128xi32, #tpu.memory_space<vmem>>, vector<16xi32>,
        tpu.vector_store_idx %arg15[%get3A_315], %broadcast_in_dim3A_3 {add = true} : memref<10240xf32, #tpu.memory_space<vmem>>[vector<16xi32>], vector<16xf32>,
        %get3A_316 = arith.constant 3 : i32
        %get3A_317 = arith.index_cast %get3A_316 : i32 to index
        %get3A_318 = arith.constant 96 : index
        %get3A_319 = tpu.vector_load %arg10[%get3A_317, %get3A_318] {strides = array<i32>} : memref<8x128xi32, #tpu.memory_space<vmem>>, vector<16xi32>,
        tpu.vector_store_idx %arg15[%get3A_319], %broadcast_in_dim3A_3 {add = true} : memref<10240xf32, #tpu.memory_space<vmem>>[vector<16xi32>], vector<16xf32>,
        %get3A_320 = arith.constant 3 : i32
        %get3A_321 = arith.index_cast %get3A_320 : i32 to index
        %get3A_322 = arith.constant 112 : index
        %get3A_323 = tpu.vector_load %arg10[%get3A_321, %get3A_322] {strides = array<i32>} : memref<8x128xi32, #tpu.memory_space<vmem>>, vector<16xi32>,
        tpu.vector_store_idx %arg15[%get3A_323], %broadcast_in_dim3A_3 {add = true} : memref<10240xf32, #tpu.memory_space<vmem>>[vector<16xi32>], vector<16xf32>,
        %dma_wait3A_324 = arith.constant 3 : i32
        %dma_wait3A_325 = arith.constant 0 : i32
        %dma_wait3A_326 = tpu.memref_slice %arg10[%dma_wait3A_324, %dma_wait3A_325] : memref<8x128xi32, #tpu.memory_space<vmem>> -> memref<1x128xi32, #tpu.memory_space<vmem>>
        %dma_wait3A_327 = tpu.memref_squeeze %dma_wait3A_326 : memref<1x128xi32, #tpu.memory_space<vmem>> -> memref<128xi32, #tpu.memory_space<vmem>>
        %dma_wait3A_328 = arith.constant 0 : i32
        %dma_wait3A_329 = arith.constant 0 : i32
        %dma_wait3A_330 = tpu.memref_slice %arg9[%dma_wait3A_328, %dma_wait3A_329] : memref<10240x128xf32, #tpu.memory_space<vmem_shared>> -> memref<10240x128xf32, #tpu.memory_space<vmem_shared>>
        tpu.wait_indirect_dma semaphore(%arg19 : memref<!tpu.dma_semaphore, #tpu.memory_space<semaphore_mem>>) src(%arg14 : memref<128x128xf32, #tpu.memory_space<vmem>>) dst(%dma_wait3A_330 : memref<10240x128xf32, #tpu.memory_space<vmem_shared>>)
        %add3A_331 = arith.constant 2 : i32
        %add3A_332 = arith.addi %add3A_277, %add3A_331 : i32
        %mul3A_333 = arith.constant 128 : i32
        %mul3A_334 = arith.muli %add3A_332, %mul3A_333 : i32
        %multiple_of3A_335 = tpu.assume_multiple %mul3A_334, 128 : i32
        %dma_start3A_336 = arith.constant 0 : i32
        %dma_start3A_337 = tpu.memref_slice %arg2[%multiple_of3A_335, %dma_start3A_336] : memref<320000x128xf32, #tpu.memory_space<hbm>> -> memref<128x128xf32, #tpu.memory_space<hbm>>
        %dma_start3A_338 = arith.constant 0 : i32
        %dma_start3A_339 = tpu.memref_slice %arg2[%multiple_of3A_335, %dma_start3A_338] : memref<320000x128xf32, #tpu.memory_space<hbm>> -> memref<128x128xf32, #tpu.memory_space<hbm>>
        tpu.enqueue_dma source(%dma_start3A_339 : memref<128x128xf32, #tpu.memory_space<hbm>>) target(%arg14 : memref<128x128xf32, #tpu.memory_space<vmem>>) target_semaphore(%arg17 : memref<!tpu.dma_semaphore, #tpu.memory_space<semaphore_mem>>)
        %mul3A_340 = arith.constant 8 : i32
        %mul3A_341 = arith.muli %add3A_25, %mul3A_340 : i32
        %add3A_342 = arith.constant 4 : i32
        %add3A_343 = arith.addi %mul3A_341, %add3A_342 : i32
        %mul3A_344 = arith.constant 128 : i32
        %mul3A_345 = arith.muli %add3A_343, %mul3A_344 : i32
        %multiple_of3A_346 = tpu.assume_multiple %mul3A_345, 128 : i32
        %dma_wait3A_347 = arith.constant 0 : i32
        %dma_wait3A_348 = tpu.memref_slice %arg2[%multiple_of3A_346, %dma_wait3A_347] : memref<320000x128xf32, #tpu.memory_space<hbm>> -> memref<128x128xf32, #tpu.memory_space<hbm>>
        %dma_wait3A_349 = arith.constant 0 : i32
        %dma_wait3A_350 = tpu.memref_slice %arg2[%multiple_of3A_346, %dma_wait3A_349] : memref<320000x128xf32, #tpu.memory_space<hbm>> -> memref<128x128xf32, #tpu.memory_space<hbm>>
        tpu.wait_dma2 semaphore(%arg16 : memref<!tpu.dma_semaphore, #tpu.memory_space<semaphore_mem>>) src(%dma_wait3A_350 : memref<128x128xf32, #tpu.memory_space<hbm>>) dst(%arg13 : memref<128x128xf32, #tpu.memory_space<vmem>>)
        %dma_start3A_351 = arith.constant 4 : i32
        %dma_start3A_352 = arith.constant 0 : i32
        %dma_start3A_353 = tpu.memref_slice %arg10[%dma_start3A_351, %dma_start3A_352] : memref<8x128xi32, #tpu.memory_space<vmem>> -> memref<1x128xi32, #tpu.memory_space<vmem>>
        %dma_start3A_354 = tpu.memref_squeeze %dma_start3A_353 : memref<1x128xi32, #tpu.memory_space<vmem>> -> memref<128xi32, #tpu.memory_space<vmem>>
        %dma_start3A_355 = arith.constant 0 : i32
        %dma_start3A_356 = arith.constant 0 : i32
        %dma_start3A_357 = tpu.memref_slice %arg9[%dma_start3A_355, %dma_start3A_356] : memref<10240x128xf32, #tpu.memory_space<vmem_shared>> -> memref<10240x128xf32, #tpu.memory_space<vmem_shared>>
        tpu.enqueue_indirect_dma source(%arg13 : memref<128x128xf32, #tpu.memory_space<vmem>>) target(%dma_start3A_357 : memref<10240x128xf32, #tpu.memory_space<vmem_shared>>) offsets(%dma_start3A_354 : memref<128xi32, #tpu.memory_space<vmem>>) semaphore(%arg18 : memref<!tpu.dma_semaphore, #tpu.memory_space<semaphore_mem>>) {add = true}
        %get3A_358 = arith.constant 4 : i32
        %get3A_359 = arith.index_cast %get3A_358 : i32 to index
        %get3A_360 = arith.constant 0 : index
        %get3A_361 = tpu.vector_load %arg10[%get3A_359, %get3A_360] {strides = array<i32>} : memref<8x128xi32, #tpu.memory_space<vmem>>, vector<16xi32>,
        tpu.vector_store_idx %arg15[%get3A_361], %broadcast_in_dim3A_3 {add = true} : memref<10240xf32, #tpu.memory_space<vmem>>[vector<16xi32>], vector<16xf32>,
        %get3A_362 = arith.constant 4 : i32
        %get3A_363 = arith.index_cast %get3A_362 : i32 to index
        %get3A_364 = arith.constant 16 : index
        %get3A_365 = tpu.vector_load %arg10[%get3A_363, %get3A_364] {strides = array<i32>} : memref<8x128xi32, #tpu.memory_space<vmem>>, vector<16xi32>,
        tpu.vector_store_idx %arg15[%get3A_365], %broadcast_in_dim3A_3 {add = true} : memref<10240xf32, #tpu.memory_space<vmem>>[vector<16xi32>], vector<16xf32>,
        %get3A_366 = arith.constant 4 : i32
        %get3A_367 = arith.index_cast %get3A_366 : i32 to index
        %get3A_368 = arith.constant 32 : index
        %get3A_369 = tpu.vector_load %arg10[%get3A_367, %get3A_368] {strides = array<i32>} : memref<8x128xi32, #tpu.memory_space<vmem>>, vector<16xi32>,
        tpu.vector_store_idx %arg15[%get3A_369], %broadcast_in_dim3A_3 {add = true} : memref<10240xf32, #tpu.memory_space<vmem>>[vector<16xi32>], vector<16xf32>,
        %get3A_370 = arith.constant 4 : i32
        %get3A_371 = arith.index_cast %get3A_370 : i32 to index
        %get3A_372 = arith.constant 48 : index
        %get3A_373 = tpu.vector_load %arg10[%get3A_371, %get3A_372] {strides = array<i32>} : memref<8x128xi32, #tpu.memory_space<vmem>>, vector<16xi32>,
        tpu.vector_store_idx %arg15[%get3A_373], %broadcast_in_dim3A_3 {add = true} : memref<10240xf32, #tpu.memory_space<vmem>>[vector<16xi32>], vector<16xf32>,
        %get3A_374 = arith.constant 4 : i32
        %get3A_375 = arith.index_cast %get3A_374 : i32 to index
        %get3A_376 = arith.constant 64 : index
        %get3A_377 = tpu.vector_load %arg10[%get3A_375, %get3A_376] {strides = array<i32>} : memref<8x128xi32, #tpu.memory_space<vmem>>, vector<16xi32>,
        tpu.vector_store_idx %arg15[%get3A_377], %broadcast_in_dim3A_3 {add = true} : memref<10240xf32, #tpu.memory_space<vmem>>[vector<16xi32>], vector<16xf32>,
        %get3A_378 = arith.constant 4 : i32
        %get3A_379 = arith.index_cast %get3A_378 : i32 to index
        %get3A_380 = arith.constant 80 : index
        %get3A_381 = tpu.vector_load %arg10[%get3A_379, %get3A_380] {strides = array<i32>} : memref<8x128xi32, #tpu.memory_space<vmem>>, vector<16xi32>,
        tpu.vector_store_idx %arg15[%get3A_381], %broadcast_in_dim3A_3 {add = true} : memref<10240xf32, #tpu.memory_space<vmem>>[vector<16xi32>], vector<16xf32>,
        %get3A_382 = arith.constant 4 : i32
        %get3A_383 = arith.index_cast %get3A_382 : i32 to index
        %get3A_384 = arith.constant 96 : index
        %get3A_385 = tpu.vector_load %arg10[%get3A_383, %get3A_384] {strides = array<i32>} : memref<8x128xi32, #tpu.memory_space<vmem>>, vector<16xi32>,
        tpu.vector_store_idx %arg15[%get3A_385], %broadcast_in_dim3A_3 {add = true} : memref<10240xf32, #tpu.memory_space<vmem>>[vector<16xi32>], vector<16xf32>,
        %get3A_386 = arith.constant 4 : i32
        %get3A_387 = arith.index_cast %get3A_386 : i32 to index
        %get3A_388 = arith.constant 112 : index
        %get3A_389 = tpu.vector_load %arg10[%get3A_387, %get3A_388] {strides = array<i32>} : memref<8x128xi32, #tpu.memory_space<vmem>>, vector<16xi32>,
        tpu.vector_store_idx %arg15[%get3A_389], %broadcast_in_dim3A_3 {add = true} : memref<10240xf32, #tpu.memory_space<vmem>>[vector<16xi32>], vector<16xf32>,
        %dma_wait3A_390 = arith.constant 4 : i32
        %dma_wait3A_391 = arith.constant 0 : i32
        %dma_wait3A_392 = tpu.memref_slice %arg10[%dma_wait3A_390, %dma_wait3A_391] : memref<8x128xi32, #tpu.memory_space<vmem>> -> memref<1x128xi32, #tpu.memory_space<vmem>>
        %dma_wait3A_393 = tpu.memref_squeeze %dma_wait3A_392 : memref<1x128xi32, #tpu.memory_space<vmem>> -> memref<128xi32, #tpu.memory_space<vmem>>
        %dma_wait3A_394 = arith.constant 0 : i32
        %dma_wait3A_395 = arith.constant 0 : i32
        %dma_wait3A_396 = tpu.memref_slice %arg9[%dma_wait3A_394, %dma_wait3A_395] : memref<10240x128xf32, #tpu.memory_space<vmem_shared>> -> memref<10240x128xf32, #tpu.memory_space<vmem_shared>>
        tpu.wait_indirect_dma semaphore(%arg18 : memref<!tpu.dma_semaphore, #tpu.memory_space<semaphore_mem>>) src(%arg13 : memref<128x128xf32, #tpu.memory_space<vmem>>) dst(%dma_wait3A_396 : memref<10240x128xf32, #tpu.memory_space<vmem_shared>>)
        %add3A_397 = arith.constant 2 : i32
        %add3A_398 = arith.addi %add3A_343, %add3A_397 : i32
        %mul3A_399 = arith.constant 128 : i32
        %mul3A_400 = arith.muli %add3A_398, %mul3A_399 : i32
        %multiple_of3A_401 = tpu.assume_multiple %mul3A_400, 128 : i32
        %dma_start3A_402 = arith.constant 0 : i32
        %dma_start3A_403 = tpu.memref_slice %arg2[%multiple_of3A_401, %dma_start3A_402] : memref<320000x128xf32, #tpu.memory_space<hbm>> -> memref<128x128xf32, #tpu.memory_space<hbm>>
        %dma_start3A_404 = arith.constant 0 : i32
        %dma_start3A_405 = tpu.memref_slice %arg2[%multiple_of3A_401, %dma_start3A_404] : memref<320000x128xf32, #tpu.memory_space<hbm>> -> memref<128x128xf32, #tpu.memory_space<hbm>>
        tpu.enqueue_dma source(%dma_start3A_405 : memref<128x128xf32, #tpu.memory_space<hbm>>) target(%arg13 : memref<128x128xf32, #tpu.memory_space<vmem>>) target_semaphore(%arg16 : memref<!tpu.dma_semaphore, #tpu.memory_space<semaphore_mem>>)
        %mul3A_406 = arith.constant 8 : i32
        %mul3A_407 = arith.muli %add3A_25, %mul3A_406 : i32
        %add3A_408 = arith.constant 5 : i32
        %add3A_409 = arith.addi %mul3A_407, %add3A_408 : i32
        %mul3A_410 = arith.constant 128 : i32
        %mul3A_411 = arith.muli %add3A_409, %mul3A_410 : i32
        %multiple_of3A_412 = tpu.assume_multiple %mul3A_411, 128 : i32
        %dma_wait3A_413 = arith.constant 0 : i32
        %dma_wait3A_414 = tpu.memref_slice %arg2[%multiple_of3A_412, %dma_wait3A_413] : memref<320000x128xf32, #tpu.memory_space<hbm>> -> memref<128x128xf32, #tpu.memory_space<hbm>>
        %dma_wait3A_415 = arith.constant 0 : i32
        %dma_wait3A_416 = tpu.memref_slice %arg2[%multiple_of3A_412, %dma_wait3A_415] : memref<320000x128xf32, #tpu.memory_space<hbm>> -> memref<128x128xf32, #tpu.memory_space<hbm>>
        tpu.wait_dma2 semaphore(%arg17 : memref<!tpu.dma_semaphore, #tpu.memory_space<semaphore_mem>>) src(%dma_wait3A_416 : memref<128x128xf32, #tpu.memory_space<hbm>>) dst(%arg14 : memref<128x128xf32, #tpu.memory_space<vmem>>)
        %dma_start3A_417 = arith.constant 5 : i32
        %dma_start3A_418 = arith.constant 0 : i32
        %dma_start3A_419 = tpu.memref_slice %arg10[%dma_start3A_417, %dma_start3A_418] : memref<8x128xi32, #tpu.memory_space<vmem>> -> memref<1x128xi32, #tpu.memory_space<vmem>>
        %dma_start3A_420 = tpu.memref_squeeze %dma_start3A_419 : memref<1x128xi32, #tpu.memory_space<vmem>> -> memref<128xi32, #tpu.memory_space<vmem>>
        %dma_start3A_421 = arith.constant 0 : i32
        %dma_start3A_422 = arith.constant 0 : i32
        %dma_start3A_423 = tpu.memref_slice %arg9[%dma_start3A_421, %dma_start3A_422] : memref<10240x128xf32, #tpu.memory_space<vmem_shared>> -> memref<10240x128xf32, #tpu.memory_space<vmem_shared>>
        tpu.enqueue_indirect_dma source(%arg14 : memref<128x128xf32, #tpu.memory_space<vmem>>) target(%dma_start3A_423 : memref<10240x128xf32, #tpu.memory_space<vmem_shared>>) offsets(%dma_start3A_420 : memref<128xi32, #tpu.memory_space<vmem>>) semaphore(%arg19 : memref<!tpu.dma_semaphore, #tpu.memory_space<semaphore_mem>>) {add = true}
        %get3A_424 = arith.constant 5 : i32
        %get3A_425 = arith.index_cast %get3A_424 : i32 to index
        %get3A_426 = arith.constant 0 : index
        %get3A_427 = tpu.vector_load %arg10[%get3A_425, %get3A_426] {strides = array<i32>} : memref<8x128xi32, #tpu.memory_space<vmem>>, vector<16xi32>,
        tpu.vector_store_idx %arg15[%get3A_427], %broadcast_in_dim3A_3 {add = true} : memref<10240xf32, #tpu.memory_space<vmem>>[vector<16xi32>], vector<16xf32>,
        %get3A_428 = arith.constant 5 : i32
        %get3A_429 = arith.index_cast %get3A_428 : i32 to index
        %get3A_430 = arith.constant 16 : index
        %get3A_431 = tpu.vector_load %arg10[%get3A_429, %get3A_430] {strides = array<i32>} : memref<8x128xi32, #tpu.memory_space<vmem>>, vector<16xi32>,
        tpu.vector_store_idx %arg15[%get3A_431], %broadcast_in_dim3A_3 {add = true} : memref<10240xf32, #tpu.memory_space<vmem>>[vector<16xi32>], vector<16xf32>,
        %get3A_432 = arith.constant 5 : i32
        %get3A_433 = arith.index_cast %get3A_432 : i32 to index
        %get3A_434 = arith.constant 32 : index
        %get3A_435 = tpu.vector_load %arg10[%get3A_433, %get3A_434] {strides = array<i32>} : memref<8x128xi32, #tpu.memory_space<vmem>>, vector<16xi32>,
        tpu.vector_store_idx %arg15[%get3A_435], %broadcast_in_dim3A_3 {add = true} : memref<10240xf32, #tpu.memory_space<vmem>>[vector<16xi32>], vector<16xf32>,
        %get3A_436 = arith.constant 5 : i32
        %get3A_437 = arith.index_cast %get3A_436 : i32 to index
        %get3A_438 = arith.constant 48 : index
        %get3A_439 = tpu.vector_load %arg10[%get3A_437, %get3A_438] {strides = array<i32>} : memref<8x128xi32, #tpu.memory_space<vmem>>, vector<16xi32>,
        tpu.vector_store_idx %arg15[%get3A_439], %broadcast_in_dim3A_3 {add = true} : memref<10240xf32, #tpu.memory_space<vmem>>[vector<16xi32>], vector<16xf32>,
        %get3A_440 = arith.constant 5 : i32
        %get3A_441 = arith.index_cast %get3A_440 : i32 to index
        %get3A_442 = arith.constant 64 : index
        %get3A_443 = tpu.vector_load %arg10[%get3A_441, %get3A_442] {strides = array<i32>} : memref<8x128xi32, #tpu.memory_space<vmem>>, vector<16xi32>,
        tpu.vector_store_idx %arg15[%get3A_443], %broadcast_in_dim3A_3 {add = true} : memref<10240xf32, #tpu.memory_space<vmem>>[vector<16xi32>], vector<16xf32>,
        %get3A_444 = arith.constant 5 : i32
        %get3A_445 = arith.index_cast %get3A_444 : i32 to index
        %get3A_446 = arith.constant 80 : index
        %get3A_447 = tpu.vector_load %arg10[%get3A_445, %get3A_446] {strides = array<i32>} : memref<8x128xi32, #tpu.memory_space<vmem>>, vector<16xi32>,
        tpu.vector_store_idx %arg15[%get3A_447], %broadcast_in_dim3A_3 {add = true} : memref<10240xf32, #tpu.memory_space<vmem>>[vector<16xi32>], vector<16xf32>,
        %get3A_448 = arith.constant 5 : i32
        %get3A_449 = arith.index_cast %get3A_448 : i32 to index
        %get3A_450 = arith.constant 96 : index
        %get3A_451 = tpu.vector_load %arg10[%get3A_449, %get3A_450] {strides = array<i32>} : memref<8x128xi32, #tpu.memory_space<vmem>>, vector<16xi32>,
        tpu.vector_store_idx %arg15[%get3A_451], %broadcast_in_dim3A_3 {add = true} : memref<10240xf32, #tpu.memory_space<vmem>>[vector<16xi32>], vector<16xf32>,
        %get3A_452 = arith.constant 5 : i32
        %get3A_453 = arith.index_cast %get3A_452 : i32 to index
        %get3A_454 = arith.constant 112 : index
        %get3A_455 = tpu.vector_load %arg10[%get3A_453, %get3A_454] {strides = array<i32>} : memref<8x128xi32, #tpu.memory_space<vmem>>, vector<16xi32>,
        tpu.vector_store_idx %arg15[%get3A_455], %broadcast_in_dim3A_3 {add = true} : memref<10240xf32, #tpu.memory_space<vmem>>[vector<16xi32>], vector<16xf32>,
        %dma_wait3A_456 = arith.constant 5 : i32
        %dma_wait3A_457 = arith.constant 0 : i32
        %dma_wait3A_458 = tpu.memref_slice %arg10[%dma_wait3A_456, %dma_wait3A_457] : memref<8x128xi32, #tpu.memory_space<vmem>> -> memref<1x128xi32, #tpu.memory_space<vmem>>
        %dma_wait3A_459 = tpu.memref_squeeze %dma_wait3A_458 : memref<1x128xi32, #tpu.memory_space<vmem>> -> memref<128xi32, #tpu.memory_space<vmem>>
        %dma_wait3A_460 = arith.constant 0 : i32
        %dma_wait3A_461 = arith.constant 0 : i32
        %dma_wait3A_462 = tpu.memref_slice %arg9[%dma_wait3A_460, %dma_wait3A_461] : memref<10240x128xf32, #tpu.memory_space<vmem_shared>> -> memref<10240x128xf32, #tpu.memory_space<vmem_shared>>
        tpu.wait_indirect_dma semaphore(%arg19 : memref<!tpu.dma_semaphore, #tpu.memory_space<semaphore_mem>>) src(%arg14 : memref<128x128xf32, #tpu.memory_space<vmem>>) dst(%dma_wait3A_462 : memref<10240x128xf32, #tpu.memory_space<vmem_shared>>)
        %add3A_463 = arith.constant 2 : i32
        %add3A_464 = arith.addi %add3A_409, %add3A_463 : i32
        %mul3A_465 = arith.constant 128 : i32
        %mul3A_466 = arith.muli %add3A_464, %mul3A_465 : i32
        %multiple_of3A_467 = tpu.assume_multiple %mul3A_466, 128 : i32
        %dma_start3A_468 = arith.constant 0 : i32
        %dma_start3A_469 = tpu.memref_slice %arg2[%multiple_of3A_467, %dma_start3A_468] : memref<320000x128xf32, #tpu.memory_space<hbm>> -> memref<128x128xf32, #tpu.memory_space<hbm>>
        %dma_start3A_470 = arith.constant 0 : i32
        %dma_start3A_471 = tpu.memref_slice %arg2[%multiple_of3A_467, %dma_start3A_470] : memref<320000x128xf32, #tpu.memory_space<hbm>> -> memref<128x128xf32, #tpu.memory_space<hbm>>
        tpu.enqueue_dma source(%dma_start3A_471 : memref<128x128xf32, #tpu.memory_space<hbm>>) target(%arg14 : memref<128x128xf32, #tpu.memory_space<vmem>>) target_semaphore(%arg17 : memref<!tpu.dma_semaphore, #tpu.memory_space<semaphore_mem>>)
        %mul3A_472 = arith.constant 8 : i32
        %mul3A_473 = arith.muli %add3A_25, %mul3A_472 : i32
        %add3A_474 = arith.constant 6 : i32
        %add3A_475 = arith.addi %mul3A_473, %add3A_474 : i32
        %mul3A_476 = arith.constant 128 : i32
        %mul3A_477 = arith.muli %add3A_475, %mul3A_476 : i32
        %multiple_of3A_478 = tpu.assume_multiple %mul3A_477, 128 : i32
        %dma_wait3A_479 = arith.constant 0 : i32
        %dma_wait3A_480 = tpu.memref_slice %arg2[%multiple_of3A_478, %dma_wait3A_479] : memref<320000x128xf32, #tpu.memory_space<hbm>> -> memref<128x128xf32, #tpu.memory_space<hbm>>
        %dma_wait3A_481 = arith.constant 0 : i32
        %dma_wait3A_482 = tpu.memref_slice %arg2[%multiple_of3A_478, %dma_wait3A_481] : memref<320000x128xf32, #tpu.memory_space<hbm>> -> memref<128x128xf32, #tpu.memory_space<hbm>>
        tpu.wait_dma2 semaphore(%arg16 : memref<!tpu.dma_semaphore, #tpu.memory_space<semaphore_mem>>) src(%dma_wait3A_482 : memref<128x128xf32, #tpu.memory_space<hbm>>) dst(%arg13 : memref<128x128xf32, #tpu.memory_space<vmem>>)
        %dma_start3A_483 = arith.constant 6 : i32
        %dma_start3A_484 = arith.constant 0 : i32
        %dma_start3A_485 = tpu.memref_slice %arg10[%dma_start3A_483, %dma_start3A_484] : memref<8x128xi32, #tpu.memory_space<vmem>> -> memref<1x128xi32, #tpu.memory_space<vmem>>
        %dma_start3A_486 = tpu.memref_squeeze %dma_start3A_485 : memref<1x128xi32, #tpu.memory_space<vmem>> -> memref<128xi32, #tpu.memory_space<vmem>>
        %dma_start3A_487 = arith.constant 0 : i32
        %dma_start3A_488 = arith.constant 0 : i32
        %dma_start3A_489 = tpu.memref_slice %arg9[%dma_start3A_487, %dma_start3A_488] : memref<10240x128xf32, #tpu.memory_space<vmem_shared>> -> memref<10240x128xf32, #tpu.memory_space<vmem_shared>>
        tpu.enqueue_indirect_dma source(%arg13 : memref<128x128xf32, #tpu.memory_space<vmem>>) target(%dma_start3A_489 : memref<10240x128xf32, #tpu.memory_space<vmem_shared>>) offsets(%dma_start3A_486 : memref<128xi32, #tpu.memory_space<vmem>>) semaphore(%arg18 : memref<!tpu.dma_semaphore, #tpu.memory_space<semaphore_mem>>) {add = true}
        %get3A_490 = arith.constant 6 : i32
        %get3A_491 = arith.index_cast %get3A_490 : i32 to index
        %get3A_492 = arith.constant 0 : index
        %get3A_493 = tpu.vector_load %arg10[%get3A_491, %get3A_492] {strides = array<i32>} : memref<8x128xi32, #tpu.memory_space<vmem>>, vector<16xi32>,
        tpu.vector_store_idx %arg15[%get3A_493], %broadcast_in_dim3A_3 {add = true} : memref<10240xf32, #tpu.memory_space<vmem>>[vector<16xi32>], vector<16xf32>,
        %get3A_494 = arith.constant 6 : i32
        %get3A_495 = arith.index_cast %get3A_494 : i32 to index
        %get3A_496 = arith.constant 16 : index
        %get3A_497 = tpu.vector_load %arg10[%get3A_495, %get3A_496] {strides = array<i32>} : memref<8x128xi32, #tpu.memory_space<vmem>>, vector<16xi32>,
        tpu.vector_store_idx %arg15[%get3A_497], %broadcast_in_dim3A_3 {add = true} : memref<10240xf32, #tpu.memory_space<vmem>>[vector<16xi32>], vector<16xf32>,
        %get3A_498 = arith.constant 6 : i32
        %get3A_499 = arith.index_cast %get3A_498 : i32 to index
        %get3A_500 = arith.constant 32 : index
        %get3A_501 = tpu.vector_load %arg10[%get3A_499, %get3A_500] {strides = array<i32>} : memref<8x128xi32, #tpu.memory_space<vmem>>, vector<16xi32>,
        tpu.vector_store_idx %arg15[%get3A_501], %broadcast_in_dim3A_3 {add = true} : memref<10240xf32, #tpu.memory_space<vmem>>[vector<16xi32>], vector<16xf32>,
        %get3A_502 = arith.constant 6 : i32
        %get3A_503 = arith.index_cast %get3A_502 : i32 to index
        %get3A_504 = arith.constant 48 : index
        %get3A_505 = tpu.vector_load %arg10[%get3A_503, %get3A_504] {strides = array<i32>} : memref<8x128xi32, #tpu.memory_space<vmem>>, vector<16xi32>,
        tpu.vector_store_idx %arg15[%get3A_505], %broadcast_in_dim3A_3 {add = true} : memref<10240xf32, #tpu.memory_space<vmem>>[vector<16xi32>], vector<16xf32>,
        %get3A_506 = arith.constant 6 : i32
        %get3A_507 = arith.index_cast %get3A_506 : i32 to index
        %get3A_508 = arith.constant 64 : index
        %get3A_509 = tpu.vector_load %arg10[%get3A_507, %get3A_508] {strides = array<i32>} : memref<8x128xi32, #tpu.memory_space<vmem>>, vector<16xi32>,
        tpu.vector_store_idx %arg15[%get3A_509], %broadcast_in_dim3A_3 {add = true} : memref<10240xf32, #tpu.memory_space<vmem>>[vector<16xi32>], vector<16xf32>,
        %get3A_510 = arith.constant 6 : i32
        %get3A_511 = arith.index_cast %get3A_510 : i32 to index
        %get3A_512 = arith.constant 80 : index
        %get3A_513 = tpu.vector_load %arg10[%get3A_511, %get3A_512] {strides = array<i32>} : memref<8x128xi32, #tpu.memory_space<vmem>>, vector<16xi32>,
        tpu.vector_store_idx %arg15[%get3A_513], %broadcast_in_dim3A_3 {add = true} : memref<10240xf32, #tpu.memory_space<vmem>>[vector<16xi32>], vector<16xf32>,
        %get3A_514 = arith.constant 6 : i32
        %get3A_515 = arith.index_cast %get3A_514 : i32 to index
        %get3A_516 = arith.constant 96 : index
        %get3A_517 = tpu.vector_load %arg10[%get3A_515, %get3A_516] {strides = array<i32>} : memref<8x128xi32, #tpu.memory_space<vmem>>, vector<16xi32>,
        tpu.vector_store_idx %arg15[%get3A_517], %broadcast_in_dim3A_3 {add = true} : memref<10240xf32, #tpu.memory_space<vmem>>[vector<16xi32>], vector<16xf32>,
        %get3A_518 = arith.constant 6 : i32
        %get3A_519 = arith.index_cast %get3A_518 : i32 to index
        %get3A_520 = arith.constant 112 : index
        %get3A_521 = tpu.vector_load %arg10[%get3A_519, %get3A_520] {strides = array<i32>} : memref<8x128xi32, #tpu.memory_space<vmem>>, vector<16xi32>,
        tpu.vector_store_idx %arg15[%get3A_521], %broadcast_in_dim3A_3 {add = true} : memref<10240xf32, #tpu.memory_space<vmem>>[vector<16xi32>], vector<16xf32>,
        %dma_wait3A_522 = arith.constant 6 : i32
        %dma_wait3A_523 = arith.constant 0 : i32
        %dma_wait3A_524 = tpu.memref_slice %arg10[%dma_wait3A_522, %dma_wait3A_523] : memref<8x128xi32, #tpu.memory_space<vmem>> -> memref<1x128xi32, #tpu.memory_space<vmem>>
        %dma_wait3A_525 = tpu.memref_squeeze %dma_wait3A_524 : memref<1x128xi32, #tpu.memory_space<vmem>> -> memref<128xi32, #tpu.memory_space<vmem>>
        %dma_wait3A_526 = arith.constant 0 : i32
        %dma_wait3A_527 = arith.constant 0 : i32
        %dma_wait3A_528 = tpu.memref_slice %arg9[%dma_wait3A_526, %dma_wait3A_527] : memref<10240x128xf32, #tpu.memory_space<vmem_shared>> -> memref<10240x128xf32, #tpu.memory_space<vmem_shared>>
        tpu.wait_indirect_dma semaphore(%arg18 : memref<!tpu.dma_semaphore, #tpu.memory_space<semaphore_mem>>) src(%arg13 : memref<128x128xf32, #tpu.memory_space<vmem>>) dst(%dma_wait3A_528 : memref<10240x128xf32, #tpu.memory_space<vmem_shared>>)
        %mul3A_529 = arith.constant 8 : i32
        %mul3A_530 = arith.muli %add3A_25, %mul3A_529 : i32
        %add3A_531 = arith.constant 7 : i32
        %add3A_532 = arith.addi %mul3A_530, %add3A_531 : i32
        %mul3A_533 = arith.constant 128 : i32
        %mul3A_534 = arith.muli %add3A_532, %mul3A_533 : i32
        %multiple_of3A_535 = tpu.assume_multiple %mul3A_534, 128 : i32
        %dma_wait3A_536 = arith.constant 0 : i32
        %dma_wait3A_537 = tpu.memref_slice %arg2[%multiple_of3A_535, %dma_wait3A_536] : memref<320000x128xf32, #tpu.memory_space<hbm>> -> memref<128x128xf32, #tpu.memory_space<hbm>>
        %dma_wait3A_538 = arith.constant 0 : i32
        %dma_wait3A_539 = tpu.memref_slice %arg2[%multiple_of3A_535, %dma_wait3A_538] : memref<320000x128xf32, #tpu.memory_space<hbm>> -> memref<128x128xf32, #tpu.memory_space<hbm>>
        tpu.wait_dma2 semaphore(%arg17 : memref<!tpu.dma_semaphore, #tpu.memory_space<semaphore_mem>>) src(%dma_wait3A_539 : memref<128x128xf32, #tpu.memory_space<hbm>>) dst(%arg14 : memref<128x128xf32, #tpu.memory_space<vmem>>)
        %dma_start3A_540 = arith.constant 7 : i32
        %dma_start3A_541 = arith.constant 0 : i32
        %dma_start3A_542 = tpu.memref_slice %arg10[%dma_start3A_540, %dma_start3A_541] : memref<8x128xi32, #tpu.memory_space<vmem>> -> memref<1x128xi32, #tpu.memory_space<vmem>>
        %dma_start3A_543 = tpu.memref_squeeze %dma_start3A_542 : memref<1x128xi32, #tpu.memory_space<vmem>> -> memref<128xi32, #tpu.memory_space<vmem>>
        %dma_start3A_544 = arith.constant 0 : i32
        %dma_start3A_545 = arith.constant 0 : i32
        %dma_start3A_546 = tpu.memref_slice %arg9[%dma_start3A_544, %dma_start3A_545] : memref<10240x128xf32, #tpu.memory_space<vmem_shared>> -> memref<10240x128xf32, #tpu.memory_space<vmem_shared>>
        tpu.enqueue_indirect_dma source(%arg14 : memref<128x128xf32, #tpu.memory_space<vmem>>) target(%dma_start3A_546 : memref<10240x128xf32, #tpu.memory_space<vmem_shared>>) offsets(%dma_start3A_543 : memref<128xi32, #tpu.memory_space<vmem>>) semaphore(%arg19 : memref<!tpu.dma_semaphore, #tpu.memory_space<semaphore_mem>>) {add = true}
        %get3A_547 = arith.constant 7 : i32
        %get3A_548 = arith.index_cast %get3A_547 : i32 to index
        %get3A_549 = arith.constant 0 : index
        %get3A_550 = tpu.vector_load %arg10[%get3A_548, %get3A_549] {strides = array<i32>} : memref<8x128xi32, #tpu.memory_space<vmem>>, vector<16xi32>,
        tpu.vector_store_idx %arg15[%get3A_550], %broadcast_in_dim3A_3 {add = true} : memref<10240xf32, #tpu.memory_space<vmem>>[vector<16xi32>], vector<16xf32>,
        %get3A_551 = arith.constant 7 : i32
        %get3A_552 = arith.index_cast %get3A_551 : i32 to index
        %get3A_553 = arith.constant 16 : index
        %get3A_554 = tpu.vector_load %arg10[%get3A_552, %get3A_553] {strides = array<i32>} : memref<8x128xi32, #tpu.memory_space<vmem>>, vector<16xi32>,
        tpu.vector_store_idx %arg15[%get3A_554], %broadcast_in_dim3A_3 {add = true} : memref<10240xf32, #tpu.memory_space<vmem>>[vector<16xi32>], vector<16xf32>,
        %get3A_555 = arith.constant 7 : i32
        %get3A_556 = arith.index_cast %get3A_555 : i32 to index
        %get3A_557 = arith.constant 32 : index
        %get3A_558 = tpu.vector_load %arg10[%get3A_556, %get3A_557] {strides = array<i32>} : memref<8x128xi32, #tpu.memory_space<vmem>>, vector<16xi32>,
        tpu.vector_store_idx %arg15[%get3A_558], %broadcast_in_dim3A_3 {add = true} : memref<10240xf32, #tpu.memory_space<vmem>>[vector<16xi32>], vector<16xf32>,
        %get3A_559 = arith.constant 7 : i32
        %get3A_560 = arith.index_cast %get3A_559 : i32 to index
        %get3A_561 = arith.constant 48 : index
        %get3A_562 = tpu.vector_load %arg10[%get3A_560, %get3A_561] {strides = array<i32>} : memref<8x128xi32, #tpu.memory_space<vmem>>, vector<16xi32>,
        tpu.vector_store_idx %arg15[%get3A_562], %broadcast_in_dim3A_3 {add = true} : memref<10240xf32, #tpu.memory_space<vmem>>[vector<16xi32>], vector<16xf32>,
        %get3A_563 = arith.constant 7 : i32
        %get3A_564 = arith.index_cast %get3A_563 : i32 to index
        %get3A_565 = arith.constant 64 : index
        %get3A_566 = tpu.vector_load %arg10[%get3A_564, %get3A_565] {strides = array<i32>} : memref<8x128xi32, #tpu.memory_space<vmem>>, vector<16xi32>,
        tpu.vector_store_idx %arg15[%get3A_566], %broadcast_in_dim3A_3 {add = true} : memref<10240xf32, #tpu.memory_space<vmem>>[vector<16xi32>], vector<16xf32>,
        %get3A_567 = arith.constant 7 : i32
        %get3A_568 = arith.index_cast %get3A_567 : i32 to index
        %get3A_569 = arith.constant 80 : index
        %get3A_570 = tpu.vector_load %arg10[%get3A_568, %get3A_569] {strides = array<i32>} : memref<8x128xi32, #tpu.memory_space<vmem>>, vector<16xi32>,
        tpu.vector_store_idx %arg15[%get3A_570], %broadcast_in_dim3A_3 {add = true} : memref<10240xf32, #tpu.memory_space<vmem>>[vector<16xi32>], vector<16xf32>,
        %get3A_571 = arith.constant 7 : i32
        %get3A_572 = arith.index_cast %get3A_571 : i32 to index
        %get3A_573 = arith.constant 96 : index
        %get3A_574 = tpu.vector_load %arg10[%get3A_572, %get3A_573] {strides = array<i32>} : memref<8x128xi32, #tpu.memory_space<vmem>>, vector<16xi32>,
        tpu.vector_store_idx %arg15[%get3A_574], %broadcast_in_dim3A_3 {add = true} : memref<10240xf32, #tpu.memory_space<vmem>>[vector<16xi32>], vector<16xf32>,
        %get3A_575 = arith.constant 7 : i32
        %get3A_576 = arith.index_cast %get3A_575 : i32 to index
        %get3A_577 = arith.constant 112 : index
        %get3A_578 = tpu.vector_load %arg10[%get3A_576, %get3A_577] {strides = array<i32>} : memref<8x128xi32, #tpu.memory_space<vmem>>, vector<16xi32>,
        tpu.vector_store_idx %arg15[%get3A_578], %broadcast_in_dim3A_3 {add = true} : memref<10240xf32, #tpu.memory_space<vmem>>[vector<16xi32>], vector<16xf32>,
        %dma_wait3A_579 = arith.constant 7 : i32
        %dma_wait3A_580 = arith.constant 0 : i32
        %dma_wait3A_581 = tpu.memref_slice %arg10[%dma_wait3A_579, %dma_wait3A_580] : memref<8x128xi32, #tpu.memory_space<vmem>> -> memref<1x128xi32, #tpu.memory_space<vmem>>
        %dma_wait3A_582 = tpu.memref_squeeze %dma_wait3A_581 : memref<1x128xi32, #tpu.memory_space<vmem>> -> memref<128xi32, #tpu.memory_space<vmem>>
        %dma_wait3A_583 = arith.constant 0 : i32
        %dma_wait3A_584 = arith.constant 0 : i32
        %dma_wait3A_585 = tpu.memref_slice %arg9[%dma_wait3A_583, %dma_wait3A_584] : memref<10240x128xf32, #tpu.memory_space<vmem_shared>> -> memref<10240x128xf32, #tpu.memory_space<vmem_shared>>
        tpu.wait_indirect_dma semaphore(%arg19 : memref<!tpu.dma_semaphore, #tpu.memory_space<semaphore_mem>>) src(%arg14 : memref<128x128xf32, #tpu.memory_space<vmem>>) dst(%dma_wait3A_585 : memref<10240x128xf32, #tpu.memory_space<vmem_shared>>)
      } else {
      }
      %add3A_38 = arith.constant 64 : i32
      %add3A_39 = arith.addi %add3A_25, %add3A_38 : i32
      %lt3A_40 = arith.constant 312 : i32
      %lt3A_41 = arith.cmpi slt, %add3A_39, %lt3A_40 : i32
      %convert_element_type3A_42 = arith.extui %lt3A_41 : i1 to i32
      %cond3A_43 = arith.constant 0 : i32
      %cond3A_44 = arith.cmpi ne, %convert_element_type3A_42, %cond3A_43 : i32
      scf.if %cond3A_44 {
        %dma_start3A_50 = arith.constant 0 : i32
        %dma_start3A_51 = arith.constant 0 : i32
        %dma_start3A_52 = tpu.memref_slice %arg3[%add3A_39, %dma_start3A_50, %dma_start3A_51] : memref<312x8x128xi32, #tpu.memory_space<hbm>> -> memref<1x8x128xi32, #tpu.memory_space<hbm>>
        %dma_start3A_53 = tpu.memref_squeeze %dma_start3A_52 : memref<1x8x128xi32, #tpu.memory_space<hbm>> -> memref<8x128xi32, #tpu.memory_space<hbm>>
        %dma_start3A_54 = arith.constant 0 : i32
        %dma_start3A_55 = arith.constant 0 : i32
        %dma_start3A_56 = tpu.memref_slice %arg3[%add3A_39, %dma_start3A_54, %dma_start3A_55] : memref<312x8x128xi32, #tpu.memory_space<hbm>> -> memref<1x8x128xi32, #tpu.memory_space<hbm>>
        %dma_start3A_57 = tpu.memref_squeeze %dma_start3A_56 : memref<1x8x128xi32, #tpu.memory_space<hbm>> -> memref<8x128xi32, #tpu.memory_space<hbm>>
        tpu.enqueue_dma source(%dma_start3A_57 : memref<8x128xi32, #tpu.memory_space<hbm>>) target(%arg10 : memref<8x128xi32, #tpu.memory_space<vmem>>) target_semaphore(%arg20 : memref<!tpu.dma_semaphore, #tpu.memory_space<semaphore_mem>>)
      } else {
      }
      %lt3A_45 = arith.constant 312 : i32
      %lt3A_46 = arith.cmpi slt, %add3A_27, %lt3A_45 : i32
      %convert_element_type3A_47 = arith.extui %lt3A_46 : i1 to i32
      %cond3A_48 = arith.constant 0 : i32
      %cond3A_49 = arith.cmpi ne, %convert_element_type3A_47, %cond3A_48 : i32
      scf.if %cond3A_49 {
        %dma_wait3A = arith.constant 0 : i32
        %dma_wait3A_50 = arith.constant 0 : i32
        %dma_wait3A_51 = tpu.memref_slice %arg3[%add3A_27, %dma_wait3A, %dma_wait3A_50] : memref<312x8x128xi32, #tpu.memory_space<hbm>> -> memref<1x8x128xi32, #tpu.memory_space<hbm>>
        %dma_wait3A_52 = tpu.memref_squeeze %dma_wait3A_51 : memref<1x8x128xi32, #tpu.memory_space<hbm>> -> memref<8x128xi32, #tpu.memory_space<hbm>>
        %dma_wait3A_53 = arith.constant 0 : i32
        %dma_wait3A_54 = arith.constant 0 : i32
        %dma_wait3A_55 = tpu.memref_slice %arg3[%add3A_27, %dma_wait3A_53, %dma_wait3A_54] : memref<312x8x128xi32, #tpu.memory_space<hbm>> -> memref<1x8x128xi32, #tpu.memory_space<hbm>>
        %dma_wait3A_56 = tpu.memref_squeeze %dma_wait3A_55 : memref<1x8x128xi32, #tpu.memory_space<hbm>> -> memref<8x128xi32, #tpu.memory_space<hbm>>
        tpu.wait_dma2 semaphore(%arg21 : memref<!tpu.dma_semaphore, #tpu.memory_space<semaphore_mem>>) src(%dma_wait3A_56 : memref<8x128xi32, #tpu.memory_space<hbm>>) dst(%arg11 : memref<8x128xi32, #tpu.memory_space<vmem>>)
        %mul3A_57 = arith.constant 8 : i32
        %mul3A_58 = arith.muli %add3A_27, %mul3A_57 : i32
        %mul3A_59 = arith.constant 128 : i32
        %mul3A_60 = arith.muli %mul3A_58, %mul3A_59 : i32
        %multiple_of3A_61 = tpu.assume_multiple %mul3A_60, 128 : i32
        %dma_start3A_62 = arith.constant 0 : i32
        %dma_start3A_63 = tpu.memref_slice %arg2[%multiple_of3A_61, %dma_start3A_62] : memref<320000x128xf32, #tpu.memory_space<hbm>> -> memref<128x128xf32, #tpu.memory_space<hbm>>
        %dma_start3A_64 = arith.constant 0 : i32
        %dma_start3A_65 = tpu.memref_slice %arg2[%multiple_of3A_61, %dma_start3A_64] : memref<320000x128xf32, #tpu.memory_space<hbm>> -> memref<128x128xf32, #tpu.memory_space<hbm>>
        tpu.enqueue_dma source(%dma_start3A_65 : memref<128x128xf32, #tpu.memory_space<hbm>>) target(%arg13 : memref<128x128xf32, #tpu.memory_space<vmem>>) target_semaphore(%arg16 : memref<!tpu.dma_semaphore, #tpu.memory_space<semaphore_mem>>)
        %mul3A_66 = arith.constant 8 : i32
        %mul3A_67 = arith.muli %add3A_27, %mul3A_66 : i32
        %add3A_68 = arith.constant 1 : i32
        %add3A_69 = arith.addi %mul3A_67, %add3A_68 : i32
        %mul3A_70 = arith.constant 128 : i32
        %mul3A_71 = arith.muli %add3A_69, %mul3A_70 : i32
        %multiple_of3A_72 = tpu.assume_multiple %mul3A_71, 128 : i32
        %dma_start3A_73 = arith.constant 0 : i32
        %dma_start3A_74 = tpu.memref_slice %arg2[%multiple_of3A_72, %dma_start3A_73] : memref<320000x128xf32, #tpu.memory_space<hbm>> -> memref<128x128xf32, #tpu.memory_space<hbm>>
        %dma_start3A_75 = arith.constant 0 : i32
        %dma_start3A_76 = tpu.memref_slice %arg2[%multiple_of3A_72, %dma_start3A_75] : memref<320000x128xf32, #tpu.memory_space<hbm>> -> memref<128x128xf32, #tpu.memory_space<hbm>>
        tpu.enqueue_dma source(%dma_start3A_76 : memref<128x128xf32, #tpu.memory_space<hbm>>) target(%arg14 : memref<128x128xf32, #tpu.memory_space<vmem>>) target_semaphore(%arg17 : memref<!tpu.dma_semaphore, #tpu.memory_space<semaphore_mem>>)
        %mul3A_77 = arith.constant 8 : i32
        %mul3A_78 = arith.muli %add3A_27, %mul3A_77 : i32
        %add3A_79 = arith.constant 0 : i32
        %add3A_80 = arith.addi %mul3A_78, %add3A_79 : i32
        %mul3A_81 = arith.constant 128 : i32
        %mul3A_82 = arith.muli %add3A_80, %mul3A_81 : i32
        %multiple_of3A_83 = tpu.assume_multiple %mul3A_82, 128 : i32
        %dma_wait3A_84 = arith.constant 0 : i32
        %dma_wait3A_85 = tpu.memref_slice %arg2[%multiple_of3A_83, %dma_wait3A_84] : memref<320000x128xf32, #tpu.memory_space<hbm>> -> memref<128x128xf32, #tpu.memory_space<hbm>>
        %dma_wait3A_86 = arith.constant 0 : i32
        %dma_wait3A_87 = tpu.memref_slice %arg2[%multiple_of3A_83, %dma_wait3A_86] : memref<320000x128xf32, #tpu.memory_space<hbm>> -> memref<128x128xf32, #tpu.memory_space<hbm>>
        tpu.wait_dma2 semaphore(%arg16 : memref<!tpu.dma_semaphore, #tpu.memory_space<semaphore_mem>>) src(%dma_wait3A_87 : memref<128x128xf32, #tpu.memory_space<hbm>>) dst(%arg13 : memref<128x128xf32, #tpu.memory_space<vmem>>)
        %dma_start3A_88 = arith.constant 0 : i32
        %dma_start3A_89 = arith.constant 0 : i32
        %dma_start3A_90 = tpu.memref_slice %arg11[%dma_start3A_88, %dma_start3A_89] : memref<8x128xi32, #tpu.memory_space<vmem>> -> memref<1x128xi32, #tpu.memory_space<vmem>>
        %dma_start3A_91 = tpu.memref_squeeze %dma_start3A_90 : memref<1x128xi32, #tpu.memory_space<vmem>> -> memref<128xi32, #tpu.memory_space<vmem>>
        %dma_start3A_92 = arith.constant 0 : i32
        %dma_start3A_93 = arith.constant 0 : i32
        %dma_start3A_94 = tpu.memref_slice %arg9[%dma_start3A_92, %dma_start3A_93] : memref<10240x128xf32, #tpu.memory_space<vmem_shared>> -> memref<10240x128xf32, #tpu.memory_space<vmem_shared>>
        tpu.enqueue_indirect_dma source(%arg13 : memref<128x128xf32, #tpu.memory_space<vmem>>) target(%dma_start3A_94 : memref<10240x128xf32, #tpu.memory_space<vmem_shared>>) offsets(%dma_start3A_91 : memref<128xi32, #tpu.memory_space<vmem>>) semaphore(%arg18 : memref<!tpu.dma_semaphore, #tpu.memory_space<semaphore_mem>>) {add = true}
        %get3A = arith.constant 0 : i32
        %get3A_95 = arith.index_cast %get3A : i32 to index
        %get3A_96 = arith.constant 0 : index
        %get3A_97 = tpu.vector_load %arg11[%get3A_95, %get3A_96] {strides = array<i32>} : memref<8x128xi32, #tpu.memory_space<vmem>>, vector<16xi32>,
        tpu.vector_store_idx %arg15[%get3A_97], %broadcast_in_dim3A_3 {add = true} : memref<10240xf32, #tpu.memory_space<vmem>>[vector<16xi32>], vector<16xf32>,
        %get3A_98 = arith.constant 0 : i32
        %get3A_99 = arith.index_cast %get3A_98 : i32 to index
        %get3A_100 = arith.constant 16 : index
        %get3A_101 = tpu.vector_load %arg11[%get3A_99, %get3A_100] {strides = array<i32>} : memref<8x128xi32, #tpu.memory_space<vmem>>, vector<16xi32>,
        tpu.vector_store_idx %arg15[%get3A_101], %broadcast_in_dim3A_3 {add = true} : memref<10240xf32, #tpu.memory_space<vmem>>[vector<16xi32>], vector<16xf32>,
        %get3A_102 = arith.constant 0 : i32
        %get3A_103 = arith.index_cast %get3A_102 : i32 to index
        %get3A_104 = arith.constant 32 : index
        %get3A_105 = tpu.vector_load %arg11[%get3A_103, %get3A_104] {strides = array<i32>} : memref<8x128xi32, #tpu.memory_space<vmem>>, vector<16xi32>,
        tpu.vector_store_idx %arg15[%get3A_105], %broadcast_in_dim3A_3 {add = true} : memref<10240xf32, #tpu.memory_space<vmem>>[vector<16xi32>], vector<16xf32>,
        %get3A_106 = arith.constant 0 : i32
        %get3A_107 = arith.index_cast %get3A_106 : i32 to index
        %get3A_108 = arith.constant 48 : index
        %get3A_109 = tpu.vector_load %arg11[%get3A_107, %get3A_108] {strides = array<i32>} : memref<8x128xi32, #tpu.memory_space<vmem>>, vector<16xi32>,
        tpu.vector_store_idx %arg15[%get3A_109], %broadcast_in_dim3A_3 {add = true} : memref<10240xf32, #tpu.memory_space<vmem>>[vector<16xi32>], vector<16xf32>,
        %get3A_110 = arith.constant 0 : i32
        %get3A_111 = arith.index_cast %get3A_110 : i32 to index
        %get3A_112 = arith.constant 64 : index
        %get3A_113 = tpu.vector_load %arg11[%get3A_111, %get3A_112] {strides = array<i32>} : memref<8x128xi32, #tpu.memory_space<vmem>>, vector<16xi32>,
        tpu.vector_store_idx %arg15[%get3A_113], %broadcast_in_dim3A_3 {add = true} : memref<10240xf32, #tpu.memory_space<vmem>>[vector<16xi32>], vector<16xf32>,
        %get3A_114 = arith.constant 0 : i32
        %get3A_115 = arith.index_cast %get3A_114 : i32 to index
        %get3A_116 = arith.constant 80 : index
        %get3A_117 = tpu.vector_load %arg11[%get3A_115, %get3A_116] {strides = array<i32>} : memref<8x128xi32, #tpu.memory_space<vmem>>, vector<16xi32>,
        tpu.vector_store_idx %arg15[%get3A_117], %broadcast_in_dim3A_3 {add = true} : memref<10240xf32, #tpu.memory_space<vmem>>[vector<16xi32>], vector<16xf32>,
        %get3A_118 = arith.constant 0 : i32
        %get3A_119 = arith.index_cast %get3A_118 : i32 to index
        %get3A_120 = arith.constant 96 : index
        %get3A_121 = tpu.vector_load %arg11[%get3A_119, %get3A_120] {strides = array<i32>} : memref<8x128xi32, #tpu.memory_space<vmem>>, vector<16xi32>,
        tpu.vector_store_idx %arg15[%get3A_121], %broadcast_in_dim3A_3 {add = true} : memref<10240xf32, #tpu.memory_space<vmem>>[vector<16xi32>], vector<16xf32>,
        %get3A_122 = arith.constant 0 : i32
        %get3A_123 = arith.index_cast %get3A_122 : i32 to index
        %get3A_124 = arith.constant 112 : index
        %get3A_125 = tpu.vector_load %arg11[%get3A_123, %get3A_124] {strides = array<i32>} : memref<8x128xi32, #tpu.memory_space<vmem>>, vector<16xi32>,
        tpu.vector_store_idx %arg15[%get3A_125], %broadcast_in_dim3A_3 {add = true} : memref<10240xf32, #tpu.memory_space<vmem>>[vector<16xi32>], vector<16xf32>,
        %dma_wait3A_126 = arith.constant 0 : i32
        %dma_wait3A_127 = arith.constant 0 : i32
        %dma_wait3A_128 = tpu.memref_slice %arg11[%dma_wait3A_126, %dma_wait3A_127] : memref<8x128xi32, #tpu.memory_space<vmem>> -> memref<1x128xi32, #tpu.memory_space<vmem>>
        %dma_wait3A_129 = tpu.memref_squeeze %dma_wait3A_128 : memref<1x128xi32, #tpu.memory_space<vmem>> -> memref<128xi32, #tpu.memory_space<vmem>>
        %dma_wait3A_130 = arith.constant 0 : i32
        %dma_wait3A_131 = arith.constant 0 : i32
        %dma_wait3A_132 = tpu.memref_slice %arg9[%dma_wait3A_130, %dma_wait3A_131] : memref<10240x128xf32, #tpu.memory_space<vmem_shared>> -> memref<10240x128xf32, #tpu.memory_space<vmem_shared>>
        tpu.wait_indirect_dma semaphore(%arg18 : memref<!tpu.dma_semaphore, #tpu.memory_space<semaphore_mem>>) src(%arg13 : memref<128x128xf32, #tpu.memory_space<vmem>>) dst(%dma_wait3A_132 : memref<10240x128xf32, #tpu.memory_space<vmem_shared>>)
        %add3A_133 = arith.constant 2 : i32
        %add3A_134 = arith.addi %add3A_80, %add3A_133 : i32
        %mul3A_135 = arith.constant 128 : i32
        %mul3A_136 = arith.muli %add3A_134, %mul3A_135 : i32
        %multiple_of3A_137 = tpu.assume_multiple %mul3A_136, 128 : i32
        %dma_start3A_138 = arith.constant 0 : i32
        %dma_start3A_139 = tpu.memref_slice %arg2[%multiple_of3A_137, %dma_start3A_138] : memref<320000x128xf32, #tpu.memory_space<hbm>> -> memref<128x128xf32, #tpu.memory_space<hbm>>
        %dma_start3A_140 = arith.constant 0 : i32
        %dma_start3A_141 = tpu.memref_slice %arg2[%multiple_of3A_137, %dma_start3A_140] : memref<320000x128xf32, #tpu.memory_space<hbm>> -> memref<128x128xf32, #tpu.memory_space<hbm>>
        tpu.enqueue_dma source(%dma_start3A_141 : memref<128x128xf32, #tpu.memory_space<hbm>>) target(%arg13 : memref<128x128xf32, #tpu.memory_space<vmem>>) target_semaphore(%arg16 : memref<!tpu.dma_semaphore, #tpu.memory_space<semaphore_mem>>)
        %mul3A_142 = arith.constant 8 : i32
        %mul3A_143 = arith.muli %add3A_27, %mul3A_142 : i32
        %add3A_144 = arith.constant 1 : i32
        %add3A_145 = arith.addi %mul3A_143, %add3A_144 : i32
        %mul3A_146 = arith.constant 128 : i32
        %mul3A_147 = arith.muli %add3A_145, %mul3A_146 : i32
        %multiple_of3A_148 = tpu.assume_multiple %mul3A_147, 128 : i32
        %dma_wait3A_149 = arith.constant 0 : i32
        %dma_wait3A_150 = tpu.memref_slice %arg2[%multiple_of3A_148, %dma_wait3A_149] : memref<320000x128xf32, #tpu.memory_space<hbm>> -> memref<128x128xf32, #tpu.memory_space<hbm>>
        %dma_wait3A_151 = arith.constant 0 : i32
        %dma_wait3A_152 = tpu.memref_slice %arg2[%multiple_of3A_148, %dma_wait3A_151] : memref<320000x128xf32, #tpu.memory_space<hbm>> -> memref<128x128xf32, #tpu.memory_space<hbm>>
        tpu.wait_dma2 semaphore(%arg17 : memref<!tpu.dma_semaphore, #tpu.memory_space<semaphore_mem>>) src(%dma_wait3A_152 : memref<128x128xf32, #tpu.memory_space<hbm>>) dst(%arg14 : memref<128x128xf32, #tpu.memory_space<vmem>>)
        %dma_start3A_153 = arith.constant 1 : i32
        %dma_start3A_154 = arith.constant 0 : i32
        %dma_start3A_155 = tpu.memref_slice %arg11[%dma_start3A_153, %dma_start3A_154] : memref<8x128xi32, #tpu.memory_space<vmem>> -> memref<1x128xi32, #tpu.memory_space<vmem>>
        %dma_start3A_156 = tpu.memref_squeeze %dma_start3A_155 : memref<1x128xi32, #tpu.memory_space<vmem>> -> memref<128xi32, #tpu.memory_space<vmem>>
        %dma_start3A_157 = arith.constant 0 : i32
        %dma_start3A_158 = arith.constant 0 : i32
        %dma_start3A_159 = tpu.memref_slice %arg9[%dma_start3A_157, %dma_start3A_158] : memref<10240x128xf32, #tpu.memory_space<vmem_shared>> -> memref<10240x128xf32, #tpu.memory_space<vmem_shared>>
        tpu.enqueue_indirect_dma source(%arg14 : memref<128x128xf32, #tpu.memory_space<vmem>>) target(%dma_start3A_159 : memref<10240x128xf32, #tpu.memory_space<vmem_shared>>) offsets(%dma_start3A_156 : memref<128xi32, #tpu.memory_space<vmem>>) semaphore(%arg19 : memref<!tpu.dma_semaphore, #tpu.memory_space<semaphore_mem>>) {add = true}
        %get3A_160 = arith.constant 1 : i32
        %get3A_161 = arith.index_cast %get3A_160 : i32 to index
        %get3A_162 = arith.constant 0 : index
        %get3A_163 = tpu.vector_load %arg11[%get3A_161, %get3A_162] {strides = array<i32>} : memref<8x128xi32, #tpu.memory_space<vmem>>, vector<16xi32>,
        tpu.vector_store_idx %arg15[%get3A_163], %broadcast_in_dim3A_3 {add = true} : memref<10240xf32, #tpu.memory_space<vmem>>[vector<16xi32>], vector<16xf32>,
        %get3A_164 = arith.constant 1 : i32
        %get3A_165 = arith.index_cast %get3A_164 : i32 to index
        %get3A_166 = arith.constant 16 : index
        %get3A_167 = tpu.vector_load %arg11[%get3A_165, %get3A_166] {strides = array<i32>} : memref<8x128xi32, #tpu.memory_space<vmem>>, vector<16xi32>,
        tpu.vector_store_idx %arg15[%get3A_167], %broadcast_in_dim3A_3 {add = true} : memref<10240xf32, #tpu.memory_space<vmem>>[vector<16xi32>], vector<16xf32>,
        %get3A_168 = arith.constant 1 : i32
        %get3A_169 = arith.index_cast %get3A_168 : i32 to index
        %get3A_170 = arith.constant 32 : index
        %get3A_171 = tpu.vector_load %arg11[%get3A_169, %get3A_170] {strides = array<i32>} : memref<8x128xi32, #tpu.memory_space<vmem>>, vector<16xi32>,
        tpu.vector_store_idx %arg15[%get3A_171], %broadcast_in_dim3A_3 {add = true} : memref<10240xf32, #tpu.memory_space<vmem>>[vector<16xi32>], vector<16xf32>,
        %get3A_172 = arith.constant 1 : i32
        %get3A_173 = arith.index_cast %get3A_172 : i32 to index
        %get3A_174 = arith.constant 48 : index
        %get3A_175 = tpu.vector_load %arg11[%get3A_173, %get3A_174] {strides = array<i32>} : memref<8x128xi32, #tpu.memory_space<vmem>>, vector<16xi32>,
        tpu.vector_store_idx %arg15[%get3A_175], %broadcast_in_dim3A_3 {add = true} : memref<10240xf32, #tpu.memory_space<vmem>>[vector<16xi32>], vector<16xf32>,
        %get3A_176 = arith.constant 1 : i32
        %get3A_177 = arith.index_cast %get3A_176 : i32 to index
        %get3A_178 = arith.constant 64 : index
        %get3A_179 = tpu.vector_load %arg11[%get3A_177, %get3A_178] {strides = array<i32>} : memref<8x128xi32, #tpu.memory_space<vmem>>, vector<16xi32>,
        tpu.vector_store_idx %arg15[%get3A_179], %broadcast_in_dim3A_3 {add = true} : memref<10240xf32, #tpu.memory_space<vmem>>[vector<16xi32>], vector<16xf32>,
        %get3A_180 = arith.constant 1 : i32
        %get3A_181 = arith.index_cast %get3A_180 : i32 to index
        %get3A_182 = arith.constant 80 : index
        %get3A_183 = tpu.vector_load %arg11[%get3A_181, %get3A_182] {strides = array<i32>} : memref<8x128xi32, #tpu.memory_space<vmem>>, vector<16xi32>,
        tpu.vector_store_idx %arg15[%get3A_183], %broadcast_in_dim3A_3 {add = true} : memref<10240xf32, #tpu.memory_space<vmem>>[vector<16xi32>], vector<16xf32>,
        %get3A_184 = arith.constant 1 : i32
        %get3A_185 = arith.index_cast %get3A_184 : i32 to index
        %get3A_186 = arith.constant 96 : index
        %get3A_187 = tpu.vector_load %arg11[%get3A_185, %get3A_186] {strides = array<i32>} : memref<8x128xi32, #tpu.memory_space<vmem>>, vector<16xi32>,
        tpu.vector_store_idx %arg15[%get3A_187], %broadcast_in_dim3A_3 {add = true} : memref<10240xf32, #tpu.memory_space<vmem>>[vector<16xi32>], vector<16xf32>,
        %get3A_188 = arith.constant 1 : i32
        %get3A_189 = arith.index_cast %get3A_188 : i32 to index
        %get3A_190 = arith.constant 112 : index
        %get3A_191 = tpu.vector_load %arg11[%get3A_189, %get3A_190] {strides = array<i32>} : memref<8x128xi32, #tpu.memory_space<vmem>>, vector<16xi32>,
        tpu.vector_store_idx %arg15[%get3A_191], %broadcast_in_dim3A_3 {add = true} : memref<10240xf32, #tpu.memory_space<vmem>>[vector<16xi32>], vector<16xf32>,
        %dma_wait3A_192 = arith.constant 1 : i32
        %dma_wait3A_193 = arith.constant 0 : i32
        %dma_wait3A_194 = tpu.memref_slice %arg11[%dma_wait3A_192, %dma_wait3A_193] : memref<8x128xi32, #tpu.memory_space<vmem>> -> memref<1x128xi32, #tpu.memory_space<vmem>>
        %dma_wait3A_195 = tpu.memref_squeeze %dma_wait3A_194 : memref<1x128xi32, #tpu.memory_space<vmem>> -> memref<128xi32, #tpu.memory_space<vmem>>
        %dma_wait3A_196 = arith.constant 0 : i32
        %dma_wait3A_197 = arith.constant 0 : i32
        %dma_wait3A_198 = tpu.memref_slice %arg9[%dma_wait3A_196, %dma_wait3A_197] : memref<10240x128xf32, #tpu.memory_space<vmem_shared>> -> memref<10240x128xf32, #tpu.memory_space<vmem_shared>>
        tpu.wait_indirect_dma semaphore(%arg19 : memref<!tpu.dma_semaphore, #tpu.memory_space<semaphore_mem>>) src(%arg14 : memref<128x128xf32, #tpu.memory_space<vmem>>) dst(%dma_wait3A_198 : memref<10240x128xf32, #tpu.memory_space<vmem_shared>>)
        %add3A_199 = arith.constant 2 : i32
        %add3A_200 = arith.addi %add3A_145, %add3A_199 : i32
        %mul3A_201 = arith.constant 128 : i32
        %mul3A_202 = arith.muli %add3A_200, %mul3A_201 : i32
        %multiple_of3A_203 = tpu.assume_multiple %mul3A_202, 128 : i32
        %dma_start3A_204 = arith.constant 0 : i32
        %dma_start3A_205 = tpu.memref_slice %arg2[%multiple_of3A_203, %dma_start3A_204] : memref<320000x128xf32, #tpu.memory_space<hbm>> -> memref<128x128xf32, #tpu.memory_space<hbm>>
        %dma_start3A_206 = arith.constant 0 : i32
        %dma_start3A_207 = tpu.memref_slice %arg2[%multiple_of3A_203, %dma_start3A_206] : memref<320000x128xf32, #tpu.memory_space<hbm>> -> memref<128x128xf32, #tpu.memory_space<hbm>>
        tpu.enqueue_dma source(%dma_start3A_207 : memref<128x128xf32, #tpu.memory_space<hbm>>) target(%arg14 : memref<128x128xf32, #tpu.memory_space<vmem>>) target_semaphore(%arg17 : memref<!tpu.dma_semaphore, #tpu.memory_space<semaphore_mem>>)
        %mul3A_208 = arith.constant 8 : i32
        %mul3A_209 = arith.muli %add3A_27, %mul3A_208 : i32
        %add3A_210 = arith.constant 2 : i32
        %add3A_211 = arith.addi %mul3A_209, %add3A_210 : i32
        %mul3A_212 = arith.constant 128 : i32
        %mul3A_213 = arith.muli %add3A_211, %mul3A_212 : i32
        %multiple_of3A_214 = tpu.assume_multiple %mul3A_213, 128 : i32
        %dma_wait3A_215 = arith.constant 0 : i32
        %dma_wait3A_216 = tpu.memref_slice %arg2[%multiple_of3A_214, %dma_wait3A_215] : memref<320000x128xf32, #tpu.memory_space<hbm>> -> memref<128x128xf32, #tpu.memory_space<hbm>>
        %dma_wait3A_217 = arith.constant 0 : i32
        %dma_wait3A_218 = tpu.memref_slice %arg2[%multiple_of3A_214, %dma_wait3A_217] : memref<320000x128xf32, #tpu.memory_space<hbm>> -> memref<128x128xf32, #tpu.memory_space<hbm>>
        tpu.wait_dma2 semaphore(%arg16 : memref<!tpu.dma_semaphore, #tpu.memory_space<semaphore_mem>>) src(%dma_wait3A_218 : memref<128x128xf32, #tpu.memory_space<hbm>>) dst(%arg13 : memref<128x128xf32, #tpu.memory_space<vmem>>)
        %dma_start3A_219 = arith.constant 2 : i32
        %dma_start3A_220 = arith.constant 0 : i32
        %dma_start3A_221 = tpu.memref_slice %arg11[%dma_start3A_219, %dma_start3A_220] : memref<8x128xi32, #tpu.memory_space<vmem>> -> memref<1x128xi32, #tpu.memory_space<vmem>>
        %dma_start3A_222 = tpu.memref_squeeze %dma_start3A_221 : memref<1x128xi32, #tpu.memory_space<vmem>> -> memref<128xi32, #tpu.memory_space<vmem>>
        %dma_start3A_223 = arith.constant 0 : i32
        %dma_start3A_224 = arith.constant 0 : i32
        %dma_start3A_225 = tpu.memref_slice %arg9[%dma_start3A_223, %dma_start3A_224] : memref<10240x128xf32, #tpu.memory_space<vmem_shared>> -> memref<10240x128xf32, #tpu.memory_space<vmem_shared>>
        tpu.enqueue_indirect_dma source(%arg13 : memref<128x128xf32, #tpu.memory_space<vmem>>) target(%dma_start3A_225 : memref<10240x128xf32, #tpu.memory_space<vmem_shared>>) offsets(%dma_start3A_222 : memref<128xi32, #tpu.memory_space<vmem>>) semaphore(%arg18 : memref<!tpu.dma_semaphore, #tpu.memory_space<semaphore_mem>>) {add = true}
        %get3A_226 = arith.constant 2 : i32
        %get3A_227 = arith.index_cast %get3A_226 : i32 to index
        %get3A_228 = arith.constant 0 : index
        %get3A_229 = tpu.vector_load %arg11[%get3A_227, %get3A_228] {strides = array<i32>} : memref<8x128xi32, #tpu.memory_space<vmem>>, vector<16xi32>,
        tpu.vector_store_idx %arg15[%get3A_229], %broadcast_in_dim3A_3 {add = true} : memref<10240xf32, #tpu.memory_space<vmem>>[vector<16xi32>], vector<16xf32>,
        %get3A_230 = arith.constant 2 : i32
        %get3A_231 = arith.index_cast %get3A_230 : i32 to index
        %get3A_232 = arith.constant 16 : index
        %get3A_233 = tpu.vector_load %arg11[%get3A_231, %get3A_232] {strides = array<i32>} : memref<8x128xi32, #tpu.memory_space<vmem>>, vector<16xi32>,
        tpu.vector_store_idx %arg15[%get3A_233], %broadcast_in_dim3A_3 {add = true} : memref<10240xf32, #tpu.memory_space<vmem>>[vector<16xi32>], vector<16xf32>,
        %get3A_234 = arith.constant 2 : i32
        %get3A_235 = arith.index_cast %get3A_234 : i32 to index
        %get3A_236 = arith.constant 32 : index
        %get3A_237 = tpu.vector_load %arg11[%get3A_235, %get3A_236] {strides = array<i32>} : memref<8x128xi32, #tpu.memory_space<vmem>>, vector<16xi32>,
        tpu.vector_store_idx %arg15[%get3A_237], %broadcast_in_dim3A_3 {add = true} : memref<10240xf32, #tpu.memory_space<vmem>>[vector<16xi32>], vector<16xf32>,
        %get3A_238 = arith.constant 2 : i32
        %get3A_239 = arith.index_cast %get3A_238 : i32 to index
        %get3A_240 = arith.constant 48 : index
        %get3A_241 = tpu.vector_load %arg11[%get3A_239, %get3A_240] {strides = array<i32>} : memref<8x128xi32, #tpu.memory_space<vmem>>, vector<16xi32>,
        tpu.vector_store_idx %arg15[%get3A_241], %broadcast_in_dim3A_3 {add = true} : memref<10240xf32, #tpu.memory_space<vmem>>[vector<16xi32>], vector<16xf32>,
        %get3A_242 = arith.constant 2 : i32
        %get3A_243 = arith.index_cast %get3A_242 : i32 to index
        %get3A_244 = arith.constant 64 : index
        %get3A_245 = tpu.vector_load %arg11[%get3A_243, %get3A_244] {strides = array<i32>} : memref<8x128xi32, #tpu.memory_space<vmem>>, vector<16xi32>,
        tpu.vector_store_idx %arg15[%get3A_245], %broadcast_in_dim3A_3 {add = true} : memref<10240xf32, #tpu.memory_space<vmem>>[vector<16xi32>], vector<16xf32>,
        %get3A_246 = arith.constant 2 : i32
        %get3A_247 = arith.index_cast %get3A_246 : i32 to index
        %get3A_248 = arith.constant 80 : index
        %get3A_249 = tpu.vector_load %arg11[%get3A_247, %get3A_248] {strides = array<i32>} : memref<8x128xi32, #tpu.memory_space<vmem>>, vector<16xi32>,
        tpu.vector_store_idx %arg15[%get3A_249], %broadcast_in_dim3A_3 {add = true} : memref<10240xf32, #tpu.memory_space<vmem>>[vector<16xi32>], vector<16xf32>,
        %get3A_250 = arith.constant 2 : i32
        %get3A_251 = arith.index_cast %get3A_250 : i32 to index
        %get3A_252 = arith.constant 96 : index
        %get3A_253 = tpu.vector_load %arg11[%get3A_251, %get3A_252] {strides = array<i32>} : memref<8x128xi32, #tpu.memory_space<vmem>>, vector<16xi32>,
        tpu.vector_store_idx %arg15[%get3A_253], %broadcast_in_dim3A_3 {add = true} : memref<10240xf32, #tpu.memory_space<vmem>>[vector<16xi32>], vector<16xf32>,
        %get3A_254 = arith.constant 2 : i32
        %get3A_255 = arith.index_cast %get3A_254 : i32 to index
        %get3A_256 = arith.constant 112 : index
        %get3A_257 = tpu.vector_load %arg11[%get3A_255, %get3A_256] {strides = array<i32>} : memref<8x128xi32, #tpu.memory_space<vmem>>, vector<16xi32>,
        tpu.vector_store_idx %arg15[%get3A_257], %broadcast_in_dim3A_3 {add = true} : memref<10240xf32, #tpu.memory_space<vmem>>[vector<16xi32>], vector<16xf32>,
        %dma_wait3A_258 = arith.constant 2 : i32
        %dma_wait3A_259 = arith.constant 0 : i32
        %dma_wait3A_260 = tpu.memref_slice %arg11[%dma_wait3A_258, %dma_wait3A_259] : memref<8x128xi32, #tpu.memory_space<vmem>> -> memref<1x128xi32, #tpu.memory_space<vmem>>
        %dma_wait3A_261 = tpu.memref_squeeze %dma_wait3A_260 : memref<1x128xi32, #tpu.memory_space<vmem>> -> memref<128xi32, #tpu.memory_space<vmem>>
        %dma_wait3A_262 = arith.constant 0 : i32
        %dma_wait3A_263 = arith.constant 0 : i32
        %dma_wait3A_264 = tpu.memref_slice %arg9[%dma_wait3A_262, %dma_wait3A_263] : memref<10240x128xf32, #tpu.memory_space<vmem_shared>> -> memref<10240x128xf32, #tpu.memory_space<vmem_shared>>
        tpu.wait_indirect_dma semaphore(%arg18 : memref<!tpu.dma_semaphore, #tpu.memory_space<semaphore_mem>>) src(%arg13 : memref<128x128xf32, #tpu.memory_space<vmem>>) dst(%dma_wait3A_264 : memref<10240x128xf32, #tpu.memory_space<vmem_shared>>)
        %add3A_265 = arith.constant 2 : i32
        %add3A_266 = arith.addi %add3A_211, %add3A_265 : i32
        %mul3A_267 = arith.constant 128 : i32
        %mul3A_268 = arith.muli %add3A_266, %mul3A_267 : i32
        %multiple_of3A_269 = tpu.assume_multiple %mul3A_268, 128 : i32
        %dma_start3A_270 = arith.constant 0 : i32
        %dma_start3A_271 = tpu.memref_slice %arg2[%multiple_of3A_269, %dma_start3A_270] : memref<320000x128xf32, #tpu.memory_space<hbm>> -> memref<128x128xf32, #tpu.memory_space<hbm>>
        %dma_start3A_272 = arith.constant 0 : i32
        %dma_start3A_273 = tpu.memref_slice %arg2[%multiple_of3A_269, %dma_start3A_272] : memref<320000x128xf32, #tpu.memory_space<hbm>> -> memref<128x128xf32, #tpu.memory_space<hbm>>
        tpu.enqueue_dma source(%dma_start3A_273 : memref<128x128xf32, #tpu.memory_space<hbm>>) target(%arg13 : memref<128x128xf32, #tpu.memory_space<vmem>>) target_semaphore(%arg16 : memref<!tpu.dma_semaphore, #tpu.memory_space<semaphore_mem>>)
        %mul3A_274 = arith.constant 8 : i32
        %mul3A_275 = arith.muli %add3A_27, %mul3A_274 : i32
        %add3A_276 = arith.constant 3 : i32
        %add3A_277 = arith.addi %mul3A_275, %add3A_276 : i32
        %mul3A_278 = arith.constant 128 : i32
        %mul3A_279 = arith.muli %add3A_277, %mul3A_278 : i32
        %multiple_of3A_280 = tpu.assume_multiple %mul3A_279, 128 : i32
        %dma_wait3A_281 = arith.constant 0 : i32
        %dma_wait3A_282 = tpu.memref_slice %arg2[%multiple_of3A_280, %dma_wait3A_281] : memref<320000x128xf32, #tpu.memory_space<hbm>> -> memref<128x128xf32, #tpu.memory_space<hbm>>
        %dma_wait3A_283 = arith.constant 0 : i32
        %dma_wait3A_284 = tpu.memref_slice %arg2[%multiple_of3A_280, %dma_wait3A_283] : memref<320000x128xf32, #tpu.memory_space<hbm>> -> memref<128x128xf32, #tpu.memory_space<hbm>>
        tpu.wait_dma2 semaphore(%arg17 : memref<!tpu.dma_semaphore, #tpu.memory_space<semaphore_mem>>) src(%dma_wait3A_284 : memref<128x128xf32, #tpu.memory_space<hbm>>) dst(%arg14 : memref<128x128xf32, #tpu.memory_space<vmem>>)
        %dma_start3A_285 = arith.constant 3 : i32
        %dma_start3A_286 = arith.constant 0 : i32
        %dma_start3A_287 = tpu.memref_slice %arg11[%dma_start3A_285, %dma_start3A_286] : memref<8x128xi32, #tpu.memory_space<vmem>> -> memref<1x128xi32, #tpu.memory_space<vmem>>
        %dma_start3A_288 = tpu.memref_squeeze %dma_start3A_287 : memref<1x128xi32, #tpu.memory_space<vmem>> -> memref<128xi32, #tpu.memory_space<vmem>>
        %dma_start3A_289 = arith.constant 0 : i32
        %dma_start3A_290 = arith.constant 0 : i32
        %dma_start3A_291 = tpu.memref_slice %arg9[%dma_start3A_289, %dma_start3A_290] : memref<10240x128xf32, #tpu.memory_space<vmem_shared>> -> memref<10240x128xf32, #tpu.memory_space<vmem_shared>>
        tpu.enqueue_indirect_dma source(%arg14 : memref<128x128xf32, #tpu.memory_space<vmem>>) target(%dma_start3A_291 : memref<10240x128xf32, #tpu.memory_space<vmem_shared>>) offsets(%dma_start3A_288 : memref<128xi32, #tpu.memory_space<vmem>>) semaphore(%arg19 : memref<!tpu.dma_semaphore, #tpu.memory_space<semaphore_mem>>) {add = true}
        %get3A_292 = arith.constant 3 : i32
        %get3A_293 = arith.index_cast %get3A_292 : i32 to index
        %get3A_294 = arith.constant 0 : index
        %get3A_295 = tpu.vector_load %arg11[%get3A_293, %get3A_294] {strides = array<i32>} : memref<8x128xi32, #tpu.memory_space<vmem>>, vector<16xi32>,
        tpu.vector_store_idx %arg15[%get3A_295], %broadcast_in_dim3A_3 {add = true} : memref<10240xf32, #tpu.memory_space<vmem>>[vector<16xi32>], vector<16xf32>,
        %get3A_296 = arith.constant 3 : i32
        %get3A_297 = arith.index_cast %get3A_296 : i32 to index
        %get3A_298 = arith.constant 16 : index
        %get3A_299 = tpu.vector_load %arg11[%get3A_297, %get3A_298] {strides = array<i32>} : memref<8x128xi32, #tpu.memory_space<vmem>>, vector<16xi32>,
        tpu.vector_store_idx %arg15[%get3A_299], %broadcast_in_dim3A_3 {add = true} : memref<10240xf32, #tpu.memory_space<vmem>>[vector<16xi32>], vector<16xf32>,
        %get3A_300 = arith.constant 3 : i32
        %get3A_301 = arith.index_cast %get3A_300 : i32 to index
        %get3A_302 = arith.constant 32 : index
        %get3A_303 = tpu.vector_load %arg11[%get3A_301, %get3A_302] {strides = array<i32>} : memref<8x128xi32, #tpu.memory_space<vmem>>, vector<16xi32>,
        tpu.vector_store_idx %arg15[%get3A_303], %broadcast_in_dim3A_3 {add = true} : memref<10240xf32, #tpu.memory_space<vmem>>[vector<16xi32>], vector<16xf32>,
        %get3A_304 = arith.constant 3 : i32
        %get3A_305 = arith.index_cast %get3A_304 : i32 to index
        %get3A_306 = arith.constant 48 : index
        %get3A_307 = tpu.vector_load %arg11[%get3A_305, %get3A_306] {strides = array<i32>} : memref<8x128xi32, #tpu.memory_space<vmem>>, vector<16xi32>,
        tpu.vector_store_idx %arg15[%get3A_307], %broadcast_in_dim3A_3 {add = true} : memref<10240xf32, #tpu.memory_space<vmem>>[vector<16xi32>], vector<16xf32>,
        %get3A_308 = arith.constant 3 : i32
        %get3A_309 = arith.index_cast %get3A_308 : i32 to index
        %get3A_310 = arith.constant 64 : index
        %get3A_311 = tpu.vector_load %arg11[%get3A_309, %get3A_310] {strides = array<i32>} : memref<8x128xi32, #tpu.memory_space<vmem>>, vector<16xi32>,
        tpu.vector_store_idx %arg15[%get3A_311], %broadcast_in_dim3A_3 {add = true} : memref<10240xf32, #tpu.memory_space<vmem>>[vector<16xi32>], vector<16xf32>,
        %get3A_312 = arith.constant 3 : i32
        %get3A_313 = arith.index_cast %get3A_312 : i32 to index
        %get3A_314 = arith.constant 80 : index
        %get3A_315 = tpu.vector_load %arg11[%get3A_313, %get3A_314] {strides = array<i32>} : memref<8x128xi32, #tpu.memory_space<vmem>>, vector<16xi32>,
        tpu.vector_store_idx %arg15[%get3A_315], %broadcast_in_dim3A_3 {add = true} : memref<10240xf32, #tpu.memory_space<vmem>>[vector<16xi32>], vector<16xf32>,
        %get3A_316 = arith.constant 3 : i32
        %get3A_317 = arith.index_cast %get3A_316 : i32 to index
        %get3A_318 = arith.constant 96 : index
        %get3A_319 = tpu.vector_load %arg11[%get3A_317, %get3A_318] {strides = array<i32>} : memref<8x128xi32, #tpu.memory_space<vmem>>, vector<16xi32>,
        tpu.vector_store_idx %arg15[%get3A_319], %broadcast_in_dim3A_3 {add = true} : memref<10240xf32, #tpu.memory_space<vmem>>[vector<16xi32>], vector<16xf32>,
        %get3A_320 = arith.constant 3 : i32
        %get3A_321 = arith.index_cast %get3A_320 : i32 to index
        %get3A_322 = arith.constant 112 : index
        %get3A_323 = tpu.vector_load %arg11[%get3A_321, %get3A_322] {strides = array<i32>} : memref<8x128xi32, #tpu.memory_space<vmem>>, vector<16xi32>,
        tpu.vector_store_idx %arg15[%get3A_323], %broadcast_in_dim3A_3 {add = true} : memref<10240xf32, #tpu.memory_space<vmem>>[vector<16xi32>], vector<16xf32>,
        %dma_wait3A_324 = arith.constant 3 : i32
        %dma_wait3A_325 = arith.constant 0 : i32
        %dma_wait3A_326 = tpu.memref_slice %arg11[%dma_wait3A_324, %dma_wait3A_325] : memref<8x128xi32, #tpu.memory_space<vmem>> -> memref<1x128xi32, #tpu.memory_space<vmem>>
        %dma_wait3A_327 = tpu.memref_squeeze %dma_wait3A_326 : memref<1x128xi32, #tpu.memory_space<vmem>> -> memref<128xi32, #tpu.memory_space<vmem>>
        %dma_wait3A_328 = arith.constant 0 : i32
        %dma_wait3A_329 = arith.constant 0 : i32
        %dma_wait3A_330 = tpu.memref_slice %arg9[%dma_wait3A_328, %dma_wait3A_329] : memref<10240x128xf32, #tpu.memory_space<vmem_shared>> -> memref<10240x128xf32, #tpu.memory_space<vmem_shared>>
        tpu.wait_indirect_dma semaphore(%arg19 : memref<!tpu.dma_semaphore, #tpu.memory_space<semaphore_mem>>) src(%arg14 : memref<128x128xf32, #tpu.memory_space<vmem>>) dst(%dma_wait3A_330 : memref<10240x128xf32, #tpu.memory_space<vmem_shared>>)
        %add3A_331 = arith.constant 2 : i32
        %add3A_332 = arith.addi %add3A_277, %add3A_331 : i32
        %mul3A_333 = arith.constant 128 : i32
        %mul3A_334 = arith.muli %add3A_332, %mul3A_333 : i32
        %multiple_of3A_335 = tpu.assume_multiple %mul3A_334, 128 : i32
        %dma_start3A_336 = arith.constant 0 : i32
        %dma_start3A_337 = tpu.memref_slice %arg2[%multiple_of3A_335, %dma_start3A_336] : memref<320000x128xf32, #tpu.memory_space<hbm>> -> memref<128x128xf32, #tpu.memory_space<hbm>>
        %dma_start3A_338 = arith.constant 0 : i32
        %dma_start3A_339 = tpu.memref_slice %arg2[%multiple_of3A_335, %dma_start3A_338] : memref<320000x128xf32, #tpu.memory_space<hbm>> -> memref<128x128xf32, #tpu.memory_space<hbm>>
        tpu.enqueue_dma source(%dma_start3A_339 : memref<128x128xf32, #tpu.memory_space<hbm>>) target(%arg14 : memref<128x128xf32, #tpu.memory_space<vmem>>) target_semaphore(%arg17 : memref<!tpu.dma_semaphore, #tpu.memory_space<semaphore_mem>>)
        %mul3A_340 = arith.constant 8 : i32
        %mul3A_341 = arith.muli %add3A_27, %mul3A_340 : i32
        %add3A_342 = arith.constant 4 : i32
        %add3A_343 = arith.addi %mul3A_341, %add3A_342 : i32
        %mul3A_344 = arith.constant 128 : i32
        %mul3A_345 = arith.muli %add3A_343, %mul3A_344 : i32
        %multiple_of3A_346 = tpu.assume_multiple %mul3A_345, 128 : i32
        %dma_wait3A_347 = arith.constant 0 : i32
        %dma_wait3A_348 = tpu.memref_slice %arg2[%multiple_of3A_346, %dma_wait3A_347] : memref<320000x128xf32, #tpu.memory_space<hbm>> -> memref<128x128xf32, #tpu.memory_space<hbm>>
        %dma_wait3A_349 = arith.constant 0 : i32
        %dma_wait3A_350 = tpu.memref_slice %arg2[%multiple_of3A_346, %dma_wait3A_349] : memref<320000x128xf32, #tpu.memory_space<hbm>> -> memref<128x128xf32, #tpu.memory_space<hbm>>
        tpu.wait_dma2 semaphore(%arg16 : memref<!tpu.dma_semaphore, #tpu.memory_space<semaphore_mem>>) src(%dma_wait3A_350 : memref<128x128xf32, #tpu.memory_space<hbm>>) dst(%arg13 : memref<128x128xf32, #tpu.memory_space<vmem>>)
        %dma_start3A_351 = arith.constant 4 : i32
        %dma_start3A_352 = arith.constant 0 : i32
        %dma_start3A_353 = tpu.memref_slice %arg11[%dma_start3A_351, %dma_start3A_352] : memref<8x128xi32, #tpu.memory_space<vmem>> -> memref<1x128xi32, #tpu.memory_space<vmem>>
        %dma_start3A_354 = tpu.memref_squeeze %dma_start3A_353 : memref<1x128xi32, #tpu.memory_space<vmem>> -> memref<128xi32, #tpu.memory_space<vmem>>
        %dma_start3A_355 = arith.constant 0 : i32
        %dma_start3A_356 = arith.constant 0 : i32
        %dma_start3A_357 = tpu.memref_slice %arg9[%dma_start3A_355, %dma_start3A_356] : memref<10240x128xf32, #tpu.memory_space<vmem_shared>> -> memref<10240x128xf32, #tpu.memory_space<vmem_shared>>
        tpu.enqueue_indirect_dma source(%arg13 : memref<128x128xf32, #tpu.memory_space<vmem>>) target(%dma_start3A_357 : memref<10240x128xf32, #tpu.memory_space<vmem_shared>>) offsets(%dma_start3A_354 : memref<128xi32, #tpu.memory_space<vmem>>) semaphore(%arg18 : memref<!tpu.dma_semaphore, #tpu.memory_space<semaphore_mem>>) {add = true}
        %get3A_358 = arith.constant 4 : i32
        %get3A_359 = arith.index_cast %get3A_358 : i32 to index
        %get3A_360 = arith.constant 0 : index
        %get3A_361 = tpu.vector_load %arg11[%get3A_359, %get3A_360] {strides = array<i32>} : memref<8x128xi32, #tpu.memory_space<vmem>>, vector<16xi32>,
        tpu.vector_store_idx %arg15[%get3A_361], %broadcast_in_dim3A_3 {add = true} : memref<10240xf32, #tpu.memory_space<vmem>>[vector<16xi32>], vector<16xf32>,
        %get3A_362 = arith.constant 4 : i32
        %get3A_363 = arith.index_cast %get3A_362 : i32 to index
        %get3A_364 = arith.constant 16 : index
        %get3A_365 = tpu.vector_load %arg11[%get3A_363, %get3A_364] {strides = array<i32>} : memref<8x128xi32, #tpu.memory_space<vmem>>, vector<16xi32>,
        tpu.vector_store_idx %arg15[%get3A_365], %broadcast_in_dim3A_3 {add = true} : memref<10240xf32, #tpu.memory_space<vmem>>[vector<16xi32>], vector<16xf32>,
        %get3A_366 = arith.constant 4 : i32
        %get3A_367 = arith.index_cast %get3A_366 : i32 to index
        %get3A_368 = arith.constant 32 : index
        %get3A_369 = tpu.vector_load %arg11[%get3A_367, %get3A_368] {strides = array<i32>} : memref<8x128xi32, #tpu.memory_space<vmem>>, vector<16xi32>,
        tpu.vector_store_idx %arg15[%get3A_369], %broadcast_in_dim3A_3 {add = true} : memref<10240xf32, #tpu.memory_space<vmem>>[vector<16xi32>], vector<16xf32>,
        %get3A_370 = arith.constant 4 : i32
        %get3A_371 = arith.index_cast %get3A_370 : i32 to index
        %get3A_372 = arith.constant 48 : index
        %get3A_373 = tpu.vector_load %arg11[%get3A_371, %get3A_372] {strides = array<i32>} : memref<8x128xi32, #tpu.memory_space<vmem>>, vector<16xi32>,
        tpu.vector_store_idx %arg15[%get3A_373], %broadcast_in_dim3A_3 {add = true} : memref<10240xf32, #tpu.memory_space<vmem>>[vector<16xi32>], vector<16xf32>,
        %get3A_374 = arith.constant 4 : i32
        %get3A_375 = arith.index_cast %get3A_374 : i32 to index
        %get3A_376 = arith.constant 64 : index
        %get3A_377 = tpu.vector_load %arg11[%get3A_375, %get3A_376] {strides = array<i32>} : memref<8x128xi32, #tpu.memory_space<vmem>>, vector<16xi32>,
        tpu.vector_store_idx %arg15[%get3A_377], %broadcast_in_dim3A_3 {add = true} : memref<10240xf32, #tpu.memory_space<vmem>>[vector<16xi32>], vector<16xf32>,
        %get3A_378 = arith.constant 4 : i32
        %get3A_379 = arith.index_cast %get3A_378 : i32 to index
        %get3A_380 = arith.constant 80 : index
        %get3A_381 = tpu.vector_load %arg11[%get3A_379, %get3A_380] {strides = array<i32>} : memref<8x128xi32, #tpu.memory_space<vmem>>, vector<16xi32>,
        tpu.vector_store_idx %arg15[%get3A_381], %broadcast_in_dim3A_3 {add = true} : memref<10240xf32, #tpu.memory_space<vmem>>[vector<16xi32>], vector<16xf32>,
        %get3A_382 = arith.constant 4 : i32
        %get3A_383 = arith.index_cast %get3A_382 : i32 to index
        %get3A_384 = arith.constant 96 : index
        %get3A_385 = tpu.vector_load %arg11[%get3A_383, %get3A_384] {strides = array<i32>} : memref<8x128xi32, #tpu.memory_space<vmem>>, vector<16xi32>,
        tpu.vector_store_idx %arg15[%get3A_385], %broadcast_in_dim3A_3 {add = true} : memref<10240xf32, #tpu.memory_space<vmem>>[vector<16xi32>], vector<16xf32>,
        %get3A_386 = arith.constant 4 : i32
        %get3A_387 = arith.index_cast %get3A_386 : i32 to index
        %get3A_388 = arith.constant 112 : index
        %get3A_389 = tpu.vector_load %arg11[%get3A_387, %get3A_388] {strides = array<i32>} : memref<8x128xi32, #tpu.memory_space<vmem>>, vector<16xi32>,
        tpu.vector_store_idx %arg15[%get3A_389], %broadcast_in_dim3A_3 {add = true} : memref<10240xf32, #tpu.memory_space<vmem>>[vector<16xi32>], vector<16xf32>,
        %dma_wait3A_390 = arith.constant 4 : i32
        %dma_wait3A_391 = arith.constant 0 : i32
        %dma_wait3A_392 = tpu.memref_slice %arg11[%dma_wait3A_390, %dma_wait3A_391] : memref<8x128xi32, #tpu.memory_space<vmem>> -> memref<1x128xi32, #tpu.memory_space<vmem>>
        %dma_wait3A_393 = tpu.memref_squeeze %dma_wait3A_392 : memref<1x128xi32, #tpu.memory_space<vmem>> -> memref<128xi32, #tpu.memory_space<vmem>>
        %dma_wait3A_394 = arith.constant 0 : i32
        %dma_wait3A_395 = arith.constant 0 : i32
        %dma_wait3A_396 = tpu.memref_slice %arg9[%dma_wait3A_394, %dma_wait3A_395] : memref<10240x128xf32, #tpu.memory_space<vmem_shared>> -> memref<10240x128xf32, #tpu.memory_space<vmem_shared>>
        tpu.wait_indirect_dma semaphore(%arg18 : memref<!tpu.dma_semaphore, #tpu.memory_space<semaphore_mem>>) src(%arg13 : memref<128x128xf32, #tpu.memory_space<vmem>>) dst(%dma_wait3A_396 : memref<10240x128xf32, #tpu.memory_space<vmem_shared>>)
        %add3A_397 = arith.constant 2 : i32
        %add3A_398 = arith.addi %add3A_343, %add3A_397 : i32
        %mul3A_399 = arith.constant 128 : i32
        %mul3A_400 = arith.muli %add3A_398, %mul3A_399 : i32
        %multiple_of3A_401 = tpu.assume_multiple %mul3A_400, 128 : i32
        %dma_start3A_402 = arith.constant 0 : i32
        %dma_start3A_403 = tpu.memref_slice %arg2[%multiple_of3A_401, %dma_start3A_402] : memref<320000x128xf32, #tpu.memory_space<hbm>> -> memref<128x128xf32, #tpu.memory_space<hbm>>
        %dma_start3A_404 = arith.constant 0 : i32
        %dma_start3A_405 = tpu.memref_slice %arg2[%multiple_of3A_401, %dma_start3A_404] : memref<320000x128xf32, #tpu.memory_space<hbm>> -> memref<128x128xf32, #tpu.memory_space<hbm>>
        tpu.enqueue_dma source(%dma_start3A_405 : memref<128x128xf32, #tpu.memory_space<hbm>>) target(%arg13 : memref<128x128xf32, #tpu.memory_space<vmem>>) target_semaphore(%arg16 : memref<!tpu.dma_semaphore, #tpu.memory_space<semaphore_mem>>)
        %mul3A_406 = arith.constant 8 : i32
        %mul3A_407 = arith.muli %add3A_27, %mul3A_406 : i32
        %add3A_408 = arith.constant 5 : i32
        %add3A_409 = arith.addi %mul3A_407, %add3A_408 : i32
        %mul3A_410 = arith.constant 128 : i32
        %mul3A_411 = arith.muli %add3A_409, %mul3A_410 : i32
        %multiple_of3A_412 = tpu.assume_multiple %mul3A_411, 128 : i32
        %dma_wait3A_413 = arith.constant 0 : i32
        %dma_wait3A_414 = tpu.memref_slice %arg2[%multiple_of3A_412, %dma_wait3A_413] : memref<320000x128xf32, #tpu.memory_space<hbm>> -> memref<128x128xf32, #tpu.memory_space<hbm>>
        %dma_wait3A_415 = arith.constant 0 : i32
        %dma_wait3A_416 = tpu.memref_slice %arg2[%multiple_of3A_412, %dma_wait3A_415] : memref<320000x128xf32, #tpu.memory_space<hbm>> -> memref<128x128xf32, #tpu.memory_space<hbm>>
        tpu.wait_dma2 semaphore(%arg17 : memref<!tpu.dma_semaphore, #tpu.memory_space<semaphore_mem>>) src(%dma_wait3A_416 : memref<128x128xf32, #tpu.memory_space<hbm>>) dst(%arg14 : memref<128x128xf32, #tpu.memory_space<vmem>>)
        %dma_start3A_417 = arith.constant 5 : i32
        %dma_start3A_418 = arith.constant 0 : i32
        %dma_start3A_419 = tpu.memref_slice %arg11[%dma_start3A_417, %dma_start3A_418] : memref<8x128xi32, #tpu.memory_space<vmem>> -> memref<1x128xi32, #tpu.memory_space<vmem>>
        %dma_start3A_420 = tpu.memref_squeeze %dma_start3A_419 : memref<1x128xi32, #tpu.memory_space<vmem>> -> memref<128xi32, #tpu.memory_space<vmem>>
        %dma_start3A_421 = arith.constant 0 : i32
        %dma_start3A_422 = arith.constant 0 : i32
        %dma_start3A_423 = tpu.memref_slice %arg9[%dma_start3A_421, %dma_start3A_422] : memref<10240x128xf32, #tpu.memory_space<vmem_shared>> -> memref<10240x128xf32, #tpu.memory_space<vmem_shared>>
        tpu.enqueue_indirect_dma source(%arg14 : memref<128x128xf32, #tpu.memory_space<vmem>>) target(%dma_start3A_423 : memref<10240x128xf32, #tpu.memory_space<vmem_shared>>) offsets(%dma_start3A_420 : memref<128xi32, #tpu.memory_space<vmem>>) semaphore(%arg19 : memref<!tpu.dma_semaphore, #tpu.memory_space<semaphore_mem>>) {add = true}
        %get3A_424 = arith.constant 5 : i32
        %get3A_425 = arith.index_cast %get3A_424 : i32 to index
        %get3A_426 = arith.constant 0 : index
        %get3A_427 = tpu.vector_load %arg11[%get3A_425, %get3A_426] {strides = array<i32>} : memref<8x128xi32, #tpu.memory_space<vmem>>, vector<16xi32>,
        tpu.vector_store_idx %arg15[%get3A_427], %broadcast_in_dim3A_3 {add = true} : memref<10240xf32, #tpu.memory_space<vmem>>[vector<16xi32>], vector<16xf32>,
        %get3A_428 = arith.constant 5 : i32
        %get3A_429 = arith.index_cast %get3A_428 : i32 to index
        %get3A_430 = arith.constant 16 : index
        %get3A_431 = tpu.vector_load %arg11[%get3A_429, %get3A_430] {strides = array<i32>} : memref<8x128xi32, #tpu.memory_space<vmem>>, vector<16xi32>,
        tpu.vector_store_idx %arg15[%get3A_431], %broadcast_in_dim3A_3 {add = true} : memref<10240xf32, #tpu.memory_space<vmem>>[vector<16xi32>], vector<16xf32>,
        %get3A_432 = arith.constant 5 : i32
        %get3A_433 = arith.index_cast %get3A_432 : i32 to index
        %get3A_434 = arith.constant 32 : index
        %get3A_435 = tpu.vector_load %arg11[%get3A_433, %get3A_434] {strides = array<i32>} : memref<8x128xi32, #tpu.memory_space<vmem>>, vector<16xi32>,
        tpu.vector_store_idx %arg15[%get3A_435], %broadcast_in_dim3A_3 {add = true} : memref<10240xf32, #tpu.memory_space<vmem>>[vector<16xi32>], vector<16xf32>,
        %get3A_436 = arith.constant 5 : i32
        %get3A_437 = arith.index_cast %get3A_436 : i32 to index
        %get3A_438 = arith.constant 48 : index
        %get3A_439 = tpu.vector_load %arg11[%get3A_437, %get3A_438] {strides = array<i32>} : memref<8x128xi32, #tpu.memory_space<vmem>>, vector<16xi32>,
        tpu.vector_store_idx %arg15[%get3A_439], %broadcast_in_dim3A_3 {add = true} : memref<10240xf32, #tpu.memory_space<vmem>>[vector<16xi32>], vector<16xf32>,
        %get3A_440 = arith.constant 5 : i32
        %get3A_441 = arith.index_cast %get3A_440 : i32 to index
        %get3A_442 = arith.constant 64 : index
        %get3A_443 = tpu.vector_load %arg11[%get3A_441, %get3A_442] {strides = array<i32>} : memref<8x128xi32, #tpu.memory_space<vmem>>, vector<16xi32>,
        tpu.vector_store_idx %arg15[%get3A_443], %broadcast_in_dim3A_3 {add = true} : memref<10240xf32, #tpu.memory_space<vmem>>[vector<16xi32>], vector<16xf32>,
        %get3A_444 = arith.constant 5 : i32
        %get3A_445 = arith.index_cast %get3A_444 : i32 to index
        %get3A_446 = arith.constant 80 : index
        %get3A_447 = tpu.vector_load %arg11[%get3A_445, %get3A_446] {strides = array<i32>} : memref<8x128xi32, #tpu.memory_space<vmem>>, vector<16xi32>,
        tpu.vector_store_idx %arg15[%get3A_447], %broadcast_in_dim3A_3 {add = true} : memref<10240xf32, #tpu.memory_space<vmem>>[vector<16xi32>], vector<16xf32>,
        %get3A_448 = arith.constant 5 : i32
        %get3A_449 = arith.index_cast %get3A_448 : i32 to index
        %get3A_450 = arith.constant 96 : index
        %get3A_451 = tpu.vector_load %arg11[%get3A_449, %get3A_450] {strides = array<i32>} : memref<8x128xi32, #tpu.memory_space<vmem>>, vector<16xi32>,
        tpu.vector_store_idx %arg15[%get3A_451], %broadcast_in_dim3A_3 {add = true} : memref<10240xf32, #tpu.memory_space<vmem>>[vector<16xi32>], vector<16xf32>,
        %get3A_452 = arith.constant 5 : i32
        %get3A_453 = arith.index_cast %get3A_452 : i32 to index
        %get3A_454 = arith.constant 112 : index
        %get3A_455 = tpu.vector_load %arg11[%get3A_453, %get3A_454] {strides = array<i32>} : memref<8x128xi32, #tpu.memory_space<vmem>>, vector<16xi32>,
        tpu.vector_store_idx %arg15[%get3A_455], %broadcast_in_dim3A_3 {add = true} : memref<10240xf32, #tpu.memory_space<vmem>>[vector<16xi32>], vector<16xf32>,
        %dma_wait3A_456 = arith.constant 5 : i32
        %dma_wait3A_457 = arith.constant 0 : i32
        %dma_wait3A_458 = tpu.memref_slice %arg11[%dma_wait3A_456, %dma_wait3A_457] : memref<8x128xi32, #tpu.memory_space<vmem>> -> memref<1x128xi32, #tpu.memory_space<vmem>>
        %dma_wait3A_459 = tpu.memref_squeeze %dma_wait3A_458 : memref<1x128xi32, #tpu.memory_space<vmem>> -> memref<128xi32, #tpu.memory_space<vmem>>
        %dma_wait3A_460 = arith.constant 0 : i32
        %dma_wait3A_461 = arith.constant 0 : i32
        %dma_wait3A_462 = tpu.memref_slice %arg9[%dma_wait3A_460, %dma_wait3A_461] : memref<10240x128xf32, #tpu.memory_space<vmem_shared>> -> memref<10240x128xf32, #tpu.memory_space<vmem_shared>>
        tpu.wait_indirect_dma semaphore(%arg19 : memref<!tpu.dma_semaphore, #tpu.memory_space<semaphore_mem>>) src(%arg14 : memref<128x128xf32, #tpu.memory_space<vmem>>) dst(%dma_wait3A_462 : memref<10240x128xf32, #tpu.memory_space<vmem_shared>>)
        %add3A_463 = arith.constant 2 : i32
        %add3A_464 = arith.addi %add3A_409, %add3A_463 : i32
        %mul3A_465 = arith.constant 128 : i32
        %mul3A_466 = arith.muli %add3A_464, %mul3A_465 : i32
        %multiple_of3A_467 = tpu.assume_multiple %mul3A_466, 128 : i32
        %dma_start3A_468 = arith.constant 0 : i32
        %dma_start3A_469 = tpu.memref_slice %arg2[%multiple_of3A_467, %dma_start3A_468] : memref<320000x128xf32, #tpu.memory_space<hbm>> -> memref<128x128xf32, #tpu.memory_space<hbm>>
        %dma_start3A_470 = arith.constant 0 : i32
        %dma_start3A_471 = tpu.memref_slice %arg2[%multiple_of3A_467, %dma_start3A_470] : memref<320000x128xf32, #tpu.memory_space<hbm>> -> memref<128x128xf32, #tpu.memory_space<hbm>>
        tpu.enqueue_dma source(%dma_start3A_471 : memref<128x128xf32, #tpu.memory_space<hbm>>) target(%arg14 : memref<128x128xf32, #tpu.memory_space<vmem>>) target_semaphore(%arg17 : memref<!tpu.dma_semaphore, #tpu.memory_space<semaphore_mem>>)
        %mul3A_472 = arith.constant 8 : i32
        %mul3A_473 = arith.muli %add3A_27, %mul3A_472 : i32
        %add3A_474 = arith.constant 6 : i32
        %add3A_475 = arith.addi %mul3A_473, %add3A_474 : i32
        %mul3A_476 = arith.constant 128 : i32
        %mul3A_477 = arith.muli %add3A_475, %mul3A_476 : i32
        %multiple_of3A_478 = tpu.assume_multiple %mul3A_477, 128 : i32
        %dma_wait3A_479 = arith.constant 0 : i32
        %dma_wait3A_480 = tpu.memref_slice %arg2[%multiple_of3A_478, %dma_wait3A_479] : memref<320000x128xf32, #tpu.memory_space<hbm>> -> memref<128x128xf32, #tpu.memory_space<hbm>>
        %dma_wait3A_481 = arith.constant 0 : i32
        %dma_wait3A_482 = tpu.memref_slice %arg2[%multiple_of3A_478, %dma_wait3A_481] : memref<320000x128xf32, #tpu.memory_space<hbm>> -> memref<128x128xf32, #tpu.memory_space<hbm>>
        tpu.wait_dma2 semaphore(%arg16 : memref<!tpu.dma_semaphore, #tpu.memory_space<semaphore_mem>>) src(%dma_wait3A_482 : memref<128x128xf32, #tpu.memory_space<hbm>>) dst(%arg13 : memref<128x128xf32, #tpu.memory_space<vmem>>)
        %dma_start3A_483 = arith.constant 6 : i32
        %dma_start3A_484 = arith.constant 0 : i32
        %dma_start3A_485 = tpu.memref_slice %arg11[%dma_start3A_483, %dma_start3A_484] : memref<8x128xi32, #tpu.memory_space<vmem>> -> memref<1x128xi32, #tpu.memory_space<vmem>>
        %dma_start3A_486 = tpu.memref_squeeze %dma_start3A_485 : memref<1x128xi32, #tpu.memory_space<vmem>> -> memref<128xi32, #tpu.memory_space<vmem>>
        %dma_start3A_487 = arith.constant 0 : i32
        %dma_start3A_488 = arith.constant 0 : i32
        %dma_start3A_489 = tpu.memref_slice %arg9[%dma_start3A_487, %dma_start3A_488] : memref<10240x128xf32, #tpu.memory_space<vmem_shared>> -> memref<10240x128xf32, #tpu.memory_space<vmem_shared>>
        tpu.enqueue_indirect_dma source(%arg13 : memref<128x128xf32, #tpu.memory_space<vmem>>) target(%dma_start3A_489 : memref<10240x128xf32, #tpu.memory_space<vmem_shared>>) offsets(%dma_start3A_486 : memref<128xi32, #tpu.memory_space<vmem>>) semaphore(%arg18 : memref<!tpu.dma_semaphore, #tpu.memory_space<semaphore_mem>>) {add = true}
        %get3A_490 = arith.constant 6 : i32
        %get3A_491 = arith.index_cast %get3A_490 : i32 to index
        %get3A_492 = arith.constant 0 : index
        %get3A_493 = tpu.vector_load %arg11[%get3A_491, %get3A_492] {strides = array<i32>} : memref<8x128xi32, #tpu.memory_space<vmem>>, vector<16xi32>,
        tpu.vector_store_idx %arg15[%get3A_493], %broadcast_in_dim3A_3 {add = true} : memref<10240xf32, #tpu.memory_space<vmem>>[vector<16xi32>], vector<16xf32>,
        %get3A_494 = arith.constant 6 : i32
        %get3A_495 = arith.index_cast %get3A_494 : i32 to index
        %get3A_496 = arith.constant 16 : index
        %get3A_497 = tpu.vector_load %arg11[%get3A_495, %get3A_496] {strides = array<i32>} : memref<8x128xi32, #tpu.memory_space<vmem>>, vector<16xi32>,
        tpu.vector_store_idx %arg15[%get3A_497], %broadcast_in_dim3A_3 {add = true} : memref<10240xf32, #tpu.memory_space<vmem>>[vector<16xi32>], vector<16xf32>,
        %get3A_498 = arith.constant 6 : i32
        %get3A_499 = arith.index_cast %get3A_498 : i32 to index
        %get3A_500 = arith.constant 32 : index
        %get3A_501 = tpu.vector_load %arg11[%get3A_499, %get3A_500] {strides = array<i32>} : memref<8x128xi32, #tpu.memory_space<vmem>>, vector<16xi32>,
        tpu.vector_store_idx %arg15[%get3A_501], %broadcast_in_dim3A_3 {add = true} : memref<10240xf32, #tpu.memory_space<vmem>>[vector<16xi32>], vector<16xf32>,
        %get3A_502 = arith.constant 6 : i32
        %get3A_503 = arith.index_cast %get3A_502 : i32 to index
        %get3A_504 = arith.constant 48 : index
        %get3A_505 = tpu.vector_load %arg11[%get3A_503, %get3A_504] {strides = array<i32>} : memref<8x128xi32, #tpu.memory_space<vmem>>, vector<16xi32>,
        tpu.vector_store_idx %arg15[%get3A_505], %broadcast_in_dim3A_3 {add = true} : memref<10240xf32, #tpu.memory_space<vmem>>[vector<16xi32>], vector<16xf32>,
        %get3A_506 = arith.constant 6 : i32
        %get3A_507 = arith.index_cast %get3A_506 : i32 to index
        %get3A_508 = arith.constant 64 : index
        %get3A_509 = tpu.vector_load %arg11[%get3A_507, %get3A_508] {strides = array<i32>} : memref<8x128xi32, #tpu.memory_space<vmem>>, vector<16xi32>,
        tpu.vector_store_idx %arg15[%get3A_509], %broadcast_in_dim3A_3 {add = true} : memref<10240xf32, #tpu.memory_space<vmem>>[vector<16xi32>], vector<16xf32>,
        %get3A_510 = arith.constant 6 : i32
        %get3A_511 = arith.index_cast %get3A_510 : i32 to index
        %get3A_512 = arith.constant 80 : index
        %get3A_513 = tpu.vector_load %arg11[%get3A_511, %get3A_512] {strides = array<i32>} : memref<8x128xi32, #tpu.memory_space<vmem>>, vector<16xi32>,
        tpu.vector_store_idx %arg15[%get3A_513], %broadcast_in_dim3A_3 {add = true} : memref<10240xf32, #tpu.memory_space<vmem>>[vector<16xi32>], vector<16xf32>,
        %get3A_514 = arith.constant 6 : i32
        %get3A_515 = arith.index_cast %get3A_514 : i32 to index
        %get3A_516 = arith.constant 96 : index
        %get3A_517 = tpu.vector_load %arg11[%get3A_515, %get3A_516] {strides = array<i32>} : memref<8x128xi32, #tpu.memory_space<vmem>>, vector<16xi32>,
        tpu.vector_store_idx %arg15[%get3A_517], %broadcast_in_dim3A_3 {add = true} : memref<10240xf32, #tpu.memory_space<vmem>>[vector<16xi32>], vector<16xf32>,
        %get3A_518 = arith.constant 6 : i32
        %get3A_519 = arith.index_cast %get3A_518 : i32 to index
        %get3A_520 = arith.constant 112 : index
        %get3A_521 = tpu.vector_load %arg11[%get3A_519, %get3A_520] {strides = array<i32>} : memref<8x128xi32, #tpu.memory_space<vmem>>, vector<16xi32>,
        tpu.vector_store_idx %arg15[%get3A_521], %broadcast_in_dim3A_3 {add = true} : memref<10240xf32, #tpu.memory_space<vmem>>[vector<16xi32>], vector<16xf32>,
        %dma_wait3A_522 = arith.constant 6 : i32
        %dma_wait3A_523 = arith.constant 0 : i32
        %dma_wait3A_524 = tpu.memref_slice %arg11[%dma_wait3A_522, %dma_wait3A_523] : memref<8x128xi32, #tpu.memory_space<vmem>> -> memref<1x128xi32, #tpu.memory_space<vmem>>
        %dma_wait3A_525 = tpu.memref_squeeze %dma_wait3A_524 : memref<1x128xi32, #tpu.memory_space<vmem>> -> memref<128xi32, #tpu.memory_space<vmem>>
        %dma_wait3A_526 = arith.constant 0 : i32
        %dma_wait3A_527 = arith.constant 0 : i32
        %dma_wait3A_528 = tpu.memref_slice %arg9[%dma_wait3A_526, %dma_wait3A_527] : memref<10240x128xf32, #tpu.memory_space<vmem_shared>> -> memref<10240x128xf32, #tpu.memory_space<vmem_shared>>
        tpu.wait_indirect_dma semaphore(%arg18 : memref<!tpu.dma_semaphore, #tpu.memory_space<semaphore_mem>>) src(%arg13 : memref<128x128xf32, #tpu.memory_space<vmem>>) dst(%dma_wait3A_528 : memref<10240x128xf32, #tpu.memory_space<vmem_shared>>)
        %mul3A_529 = arith.constant 8 : i32
        %mul3A_530 = arith.muli %add3A_27, %mul3A_529 : i32
        %add3A_531 = arith.constant 7 : i32
        %add3A_532 = arith.addi %mul3A_530, %add3A_531 : i32
        %mul3A_533 = arith.constant 128 : i32
        %mul3A_534 = arith.muli %add3A_532, %mul3A_533 : i32
        %multiple_of3A_535 = tpu.assume_multiple %mul3A_534, 128 : i32
        %dma_wait3A_536 = arith.constant 0 : i32
        %dma_wait3A_537 = tpu.memref_slice %arg2[%multiple_of3A_535, %dma_wait3A_536] : memref<320000x128xf32, #tpu.memory_space<hbm>> -> memref<128x128xf32, #tpu.memory_space<hbm>>
        %dma_wait3A_538 = arith.constant 0 : i32
        %dma_wait3A_539 = tpu.memref_slice %arg2[%multiple_of3A_535, %dma_wait3A_538] : memref<320000x128xf32, #tpu.memory_space<hbm>> -> memref<128x128xf32, #tpu.memory_space<hbm>>
        tpu.wait_dma2 semaphore(%arg17 : memref<!tpu.dma_semaphore, #tpu.memory_space<semaphore_mem>>) src(%dma_wait3A_539 : memref<128x128xf32, #tpu.memory_space<hbm>>) dst(%arg14 : memref<128x128xf32, #tpu.memory_space<vmem>>)
        %dma_start3A_540 = arith.constant 7 : i32
        %dma_start3A_541 = arith.constant 0 : i32
        %dma_start3A_542 = tpu.memref_slice %arg11[%dma_start3A_540, %dma_start3A_541] : memref<8x128xi32, #tpu.memory_space<vmem>> -> memref<1x128xi32, #tpu.memory_space<vmem>>
        %dma_start3A_543 = tpu.memref_squeeze %dma_start3A_542 : memref<1x128xi32, #tpu.memory_space<vmem>> -> memref<128xi32, #tpu.memory_space<vmem>>
        %dma_start3A_544 = arith.constant 0 : i32
        %dma_start3A_545 = arith.constant 0 : i32
        %dma_start3A_546 = tpu.memref_slice %arg9[%dma_start3A_544, %dma_start3A_545] : memref<10240x128xf32, #tpu.memory_space<vmem_shared>> -> memref<10240x128xf32, #tpu.memory_space<vmem_shared>>
        tpu.enqueue_indirect_dma source(%arg14 : memref<128x128xf32, #tpu.memory_space<vmem>>) target(%dma_start3A_546 : memref<10240x128xf32, #tpu.memory_space<vmem_shared>>) offsets(%dma_start3A_543 : memref<128xi32, #tpu.memory_space<vmem>>) semaphore(%arg19 : memref<!tpu.dma_semaphore, #tpu.memory_space<semaphore_mem>>) {add = true}
        %get3A_547 = arith.constant 7 : i32
        %get3A_548 = arith.index_cast %get3A_547 : i32 to index
        %get3A_549 = arith.constant 0 : index
        %get3A_550 = tpu.vector_load %arg11[%get3A_548, %get3A_549] {strides = array<i32>} : memref<8x128xi32, #tpu.memory_space<vmem>>, vector<16xi32>,
        tpu.vector_store_idx %arg15[%get3A_550], %broadcast_in_dim3A_3 {add = true} : memref<10240xf32, #tpu.memory_space<vmem>>[vector<16xi32>], vector<16xf32>,
        %get3A_551 = arith.constant 7 : i32
        %get3A_552 = arith.index_cast %get3A_551 : i32 to index
        %get3A_553 = arith.constant 16 : index
        %get3A_554 = tpu.vector_load %arg11[%get3A_552, %get3A_553] {strides = array<i32>} : memref<8x128xi32, #tpu.memory_space<vmem>>, vector<16xi32>,
        tpu.vector_store_idx %arg15[%get3A_554], %broadcast_in_dim3A_3 {add = true} : memref<10240xf32, #tpu.memory_space<vmem>>[vector<16xi32>], vector<16xf32>,
        %get3A_555 = arith.constant 7 : i32
        %get3A_556 = arith.index_cast %get3A_555 : i32 to index
        %get3A_557 = arith.constant 32 : index
        %get3A_558 = tpu.vector_load %arg11[%get3A_556, %get3A_557] {strides = array<i32>} : memref<8x128xi32, #tpu.memory_space<vmem>>, vector<16xi32>,
        tpu.vector_store_idx %arg15[%get3A_558], %broadcast_in_dim3A_3 {add = true} : memref<10240xf32, #tpu.memory_space<vmem>>[vector<16xi32>], vector<16xf32>,
        %get3A_559 = arith.constant 7 : i32
        %get3A_560 = arith.index_cast %get3A_559 : i32 to index
        %get3A_561 = arith.constant 48 : index
        %get3A_562 = tpu.vector_load %arg11[%get3A_560, %get3A_561] {strides = array<i32>} : memref<8x128xi32, #tpu.memory_space<vmem>>, vector<16xi32>,
        tpu.vector_store_idx %arg15[%get3A_562], %broadcast_in_dim3A_3 {add = true} : memref<10240xf32, #tpu.memory_space<vmem>>[vector<16xi32>], vector<16xf32>,
        %get3A_563 = arith.constant 7 : i32
        %get3A_564 = arith.index_cast %get3A_563 : i32 to index
        %get3A_565 = arith.constant 64 : index
        %get3A_566 = tpu.vector_load %arg11[%get3A_564, %get3A_565] {strides = array<i32>} : memref<8x128xi32, #tpu.memory_space<vmem>>, vector<16xi32>,
        tpu.vector_store_idx %arg15[%get3A_566], %broadcast_in_dim3A_3 {add = true} : memref<10240xf32, #tpu.memory_space<vmem>>[vector<16xi32>], vector<16xf32>,
        %get3A_567 = arith.constant 7 : i32
        %get3A_568 = arith.index_cast %get3A_567 : i32 to index
        %get3A_569 = arith.constant 80 : index
        %get3A_570 = tpu.vector_load %arg11[%get3A_568, %get3A_569] {strides = array<i32>} : memref<8x128xi32, #tpu.memory_space<vmem>>, vector<16xi32>,
        tpu.vector_store_idx %arg15[%get3A_570], %broadcast_in_dim3A_3 {add = true} : memref<10240xf32, #tpu.memory_space<vmem>>[vector<16xi32>], vector<16xf32>,
        %get3A_571 = arith.constant 7 : i32
        %get3A_572 = arith.index_cast %get3A_571 : i32 to index
        %get3A_573 = arith.constant 96 : index
        %get3A_574 = tpu.vector_load %arg11[%get3A_572, %get3A_573] {strides = array<i32>} : memref<8x128xi32, #tpu.memory_space<vmem>>, vector<16xi32>,
        tpu.vector_store_idx %arg15[%get3A_574], %broadcast_in_dim3A_3 {add = true} : memref<10240xf32, #tpu.memory_space<vmem>>[vector<16xi32>], vector<16xf32>,
        %get3A_575 = arith.constant 7 : i32
        %get3A_576 = arith.index_cast %get3A_575 : i32 to index
        %get3A_577 = arith.constant 112 : index
        %get3A_578 = tpu.vector_load %arg11[%get3A_576, %get3A_577] {strides = array<i32>} : memref<8x128xi32, #tpu.memory_space<vmem>>, vector<16xi32>,
        tpu.vector_store_idx %arg15[%get3A_578], %broadcast_in_dim3A_3 {add = true} : memref<10240xf32, #tpu.memory_space<vmem>>[vector<16xi32>], vector<16xf32>,
        %dma_wait3A_579 = arith.constant 7 : i32
        %dma_wait3A_580 = arith.constant 0 : i32
        %dma_wait3A_581 = tpu.memref_slice %arg11[%dma_wait3A_579, %dma_wait3A_580] : memref<8x128xi32, #tpu.memory_space<vmem>> -> memref<1x128xi32, #tpu.memory_space<vmem>>
        %dma_wait3A_582 = tpu.memref_squeeze %dma_wait3A_581 : memref<1x128xi32, #tpu.memory_space<vmem>> -> memref<128xi32, #tpu.memory_space<vmem>>
        %dma_wait3A_583 = arith.constant 0 : i32
        %dma_wait3A_584 = arith.constant 0 : i32
        %dma_wait3A_585 = tpu.memref_slice %arg9[%dma_wait3A_583, %dma_wait3A_584] : memref<10240x128xf32, #tpu.memory_space<vmem_shared>> -> memref<10240x128xf32, #tpu.memory_space<vmem_shared>>
        tpu.wait_indirect_dma semaphore(%arg19 : memref<!tpu.dma_semaphore, #tpu.memory_space<semaphore_mem>>) src(%arg14 : memref<128x128xf32, #tpu.memory_space<vmem>>) dst(%dma_wait3A_585 : memref<10240x128xf32, #tpu.memory_space<vmem_shared>>)
      } else {
      }
    }
    %scan3A_15 = arith.constant 5 : i32
    %lt3A = arith.constant 4 : i32
    %lt3A_16 = arith.cmpi slt, %add3A, %lt3A : i32
    %convert_element_type3A = arith.extui %lt3A_16 : i1 to i32
    %cond3A = arith.constant 0 : i32
    %cond3A_17 = arith.cmpi ne, %convert_element_type3A, %cond3A : i32
    scf.if %cond3A_17 {
      "tpu.region"() ({
        %run_scoped3A_58 = tpu.sem_alloc : memref<!tpu.dma_semaphore, #tpu.memory_space<semaphore_mem>>
        %dma_start3A_59 = arith.constant 0 : i32
        %dma_start3A_60 = arith.constant 0 : i32
        %dma_start3A_61 = tpu.memref_slice %arg4[%add3A, %dma_start3A_59, %dma_start3A_60] : memref<4x1x128xi32, #tpu.memory_space<hbm>> -> memref<1x1x128xi32, #tpu.memory_space<hbm>>
        %dma_start3A_62 = tpu.memref_squeeze %dma_start3A_61 : memref<1x1x128xi32, #tpu.memory_space<hbm>> -> memref<1x128xi32, #tpu.memory_space<hbm>>
        %dma_start3A_63 = arith.constant 0 : i32
        %dma_start3A_64 = arith.constant 0 : i32
        %dma_start3A_65 = tpu.memref_slice %arg4[%add3A, %dma_start3A_63, %dma_start3A_64] : memref<4x1x128xi32, #tpu.memory_space<hbm>> -> memref<1x1x128xi32, #tpu.memory_space<hbm>>
        %dma_start3A_66 = tpu.memref_squeeze %dma_start3A_65 : memref<1x1x128xi32, #tpu.memory_space<hbm>> -> memref<1x128xi32, #tpu.memory_space<hbm>>
        tpu.enqueue_dma source(%dma_start3A_66 : memref<1x128xi32, #tpu.memory_space<hbm>>) target(%arg12 : memref<1x128xi32, #tpu.memory_space<vmem>>) target_semaphore(%run_scoped3A_58 : memref<!tpu.dma_semaphore, #tpu.memory_space<semaphore_mem>>)
        %dma_wait3A = arith.constant 0 : i32
        %dma_wait3A_67 = arith.constant 0 : i32
        %dma_wait3A_68 = tpu.memref_slice %arg4[%add3A, %dma_wait3A, %dma_wait3A_67] : memref<4x1x128xi32, #tpu.memory_space<hbm>> -> memref<1x1x128xi32, #tpu.memory_space<hbm>>
        %dma_wait3A_69 = tpu.memref_squeeze %dma_wait3A_68 : memref<1x1x128xi32, #tpu.memory_space<hbm>> -> memref<1x128xi32, #tpu.memory_space<hbm>>
        %dma_wait3A_70 = arith.constant 0 : i32
        %dma_wait3A_71 = arith.constant 0 : i32
        %dma_wait3A_72 = tpu.memref_slice %arg4[%add3A, %dma_wait3A_70, %dma_wait3A_71] : memref<4x1x128xi32, #tpu.memory_space<hbm>> -> memref<1x1x128xi32, #tpu.memory_space<hbm>>
        %dma_wait3A_73 = tpu.memref_squeeze %dma_wait3A_72 : memref<1x1x128xi32, #tpu.memory_space<hbm>> -> memref<1x128xi32, #tpu.memory_space<hbm>>
        tpu.wait_dma2 semaphore(%run_scoped3A_58 : memref<!tpu.dma_semaphore, #tpu.memory_space<semaphore_mem>>) src(%dma_wait3A_73 : memref<1x128xi32, #tpu.memory_space<hbm>>) dst(%arg12 : memref<1x128xi32, #tpu.memory_space<vmem>>)
        tpu.yield
      }) : () -> ()
      %add3A_22 = arith.constant 2496 : i32
      %add3A_23 = arith.addi %add3A_22, %add3A : i32
      %mul3A_24 = arith.constant 128 : i32
      %mul3A_25 = arith.muli %add3A_23, %mul3A_24 : i32
      %multiple_of3A_26 = tpu.assume_multiple %mul3A_25, 128 : i32
      "tpu.region"() ({
        %run_scoped3A_58 = tpu.sem_alloc : memref<!tpu.dma_semaphore, #tpu.memory_space<semaphore_mem>>
        %dma_start3A_59 = arith.constant 0 : i32
        %dma_start3A_60 = tpu.memref_slice %arg2[%multiple_of3A_26, %dma_start3A_59] : memref<320000x128xf32, #tpu.memory_space<hbm>> -> memref<128x128xf32, #tpu.memory_space<hbm>>
        %dma_start3A_61 = arith.constant 0 : i32
        %dma_start3A_62 = tpu.memref_slice %arg2[%multiple_of3A_26, %dma_start3A_61] : memref<320000x128xf32, #tpu.memory_space<hbm>> -> memref<128x128xf32, #tpu.memory_space<hbm>>
        tpu.enqueue_dma source(%dma_start3A_62 : memref<128x128xf32, #tpu.memory_space<hbm>>) target(%arg13 : memref<128x128xf32, #tpu.memory_space<vmem>>) target_semaphore(%run_scoped3A_58 : memref<!tpu.dma_semaphore, #tpu.memory_space<semaphore_mem>>)
        %dma_wait3A = arith.constant 0 : i32
        %dma_wait3A_63 = tpu.memref_slice %arg2[%multiple_of3A_26, %dma_wait3A] : memref<320000x128xf32, #tpu.memory_space<hbm>> -> memref<128x128xf32, #tpu.memory_space<hbm>>
        %dma_wait3A_64 = arith.constant 0 : i32
        %dma_wait3A_65 = tpu.memref_slice %arg2[%multiple_of3A_26, %dma_wait3A_64] : memref<320000x128xf32, #tpu.memory_space<hbm>> -> memref<128x128xf32, #tpu.memory_space<hbm>>
        tpu.wait_dma2 semaphore(%run_scoped3A_58 : memref<!tpu.dma_semaphore, #tpu.memory_space<semaphore_mem>>) src(%dma_wait3A_65 : memref<128x128xf32, #tpu.memory_space<hbm>>) dst(%arg13 : memref<128x128xf32, #tpu.memory_space<vmem>>)
        tpu.yield
      }) : () -> ()
      %run_scoped3A = arith.constant 0 : i32
      "tpu.region"() ({
        %run_scoped3A_58 = tpu.sem_alloc : memref<!tpu.dma_semaphore, #tpu.memory_space<semaphore_mem>>
        %dma_start3A_59 = arith.constant 0 : i32
        %dma_start3A_60 = tpu.memref_slice %arg12[%run_scoped3A, %dma_start3A_59] : memref<1x128xi32, #tpu.memory_space<vmem>> -> memref<1x128xi32, #tpu.memory_space<vmem>>
        %dma_start3A_61 = tpu.memref_squeeze %dma_start3A_60 : memref<1x128xi32, #tpu.memory_space<vmem>> -> memref<128xi32, #tpu.memory_space<vmem>>
        %dma_start3A_62 = arith.constant 0 : i32
        %dma_start3A_63 = arith.constant 0 : i32
        %dma_start3A_64 = tpu.memref_slice %arg9[%dma_start3A_62, %dma_start3A_63] : memref<10240x128xf32, #tpu.memory_space<vmem_shared>> -> memref<10240x128xf32, #tpu.memory_space<vmem_shared>>
        tpu.enqueue_indirect_dma source(%arg13 : memref<128x128xf32, #tpu.memory_space<vmem>>) target(%dma_start3A_64 : memref<10240x128xf32, #tpu.memory_space<vmem_shared>>) offsets(%dma_start3A_61 : memref<128xi32, #tpu.memory_space<vmem>>) semaphore(%run_scoped3A_58 : memref<!tpu.dma_semaphore, #tpu.memory_space<semaphore_mem>>) {add = true}
        %dma_wait3A = arith.constant 0 : i32
        %dma_wait3A_65 = tpu.memref_slice %arg12[%run_scoped3A, %dma_wait3A] : memref<1x128xi32, #tpu.memory_space<vmem>> -> memref<1x128xi32, #tpu.memory_space<vmem>>
        %dma_wait3A_66 = tpu.memref_squeeze %dma_wait3A_65 : memref<1x128xi32, #tpu.memory_space<vmem>> -> memref<128xi32, #tpu.memory_space<vmem>>
        %dma_wait3A_67 = arith.constant 0 : i32
        %dma_wait3A_68 = arith.constant 0 : i32
        %dma_wait3A_69 = tpu.memref_slice %arg9[%dma_wait3A_67, %dma_wait3A_68] : memref<10240x128xf32, #tpu.memory_space<vmem_shared>> -> memref<10240x128xf32, #tpu.memory_space<vmem_shared>>
        tpu.wait_indirect_dma semaphore(%run_scoped3A_58 : memref<!tpu.dma_semaphore, #tpu.memory_space<semaphore_mem>>) src(%arg13 : memref<128x128xf32, #tpu.memory_space<vmem>>) dst(%dma_wait3A_69 : memref<10240x128xf32, #tpu.memory_space<vmem_shared>>)
        tpu.yield
      }) : () -> ()
      %get3A = arith.constant 0 : i32
      %get3A_27 = arith.index_cast %get3A : i32 to index
      %get3A_28 = arith.constant 0 : index
      %get3A_29 = tpu.vector_load %arg12[%get3A_27, %get3A_28] {strides = array<i32>} : memref<1x128xi32, #tpu.memory_space<vmem>>, vector<16xi32>,
      tpu.vector_store_idx %arg15[%get3A_29], %broadcast_in_dim3A_3 {add = true} : memref<10240xf32, #tpu.memory_space<vmem>>[vector<16xi32>], vector<16xf32>,
      %get3A_30 = arith.constant 0 : i32
      %get3A_31 = arith.index_cast %get3A_30 : i32 to index
      %get3A_32 = arith.constant 16 : index
      %get3A_33 = tpu.vector_load %arg12[%get3A_31, %get3A_32] {strides = array<i32>} : memref<1x128xi32, #tpu.memory_space<vmem>>, vector<16xi32>,
      tpu.vector_store_idx %arg15[%get3A_33], %broadcast_in_dim3A_3 {add = true} : memref<10240xf32, #tpu.memory_space<vmem>>[vector<16xi32>], vector<16xf32>,
      %get3A_34 = arith.constant 0 : i32
      %get3A_35 = arith.index_cast %get3A_34 : i32 to index
      %get3A_36 = arith.constant 32 : index
      %get3A_37 = tpu.vector_load %arg12[%get3A_35, %get3A_36] {strides = array<i32>} : memref<1x128xi32, #tpu.memory_space<vmem>>, vector<16xi32>,
      tpu.vector_store_idx %arg15[%get3A_37], %broadcast_in_dim3A_3 {add = true} : memref<10240xf32, #tpu.memory_space<vmem>>[vector<16xi32>], vector<16xf32>,
      %get3A_38 = arith.constant 0 : i32
      %get3A_39 = arith.index_cast %get3A_38 : i32 to index
      %get3A_40 = arith.constant 48 : index
      %get3A_41 = tpu.vector_load %arg12[%get3A_39, %get3A_40] {strides = array<i32>} : memref<1x128xi32, #tpu.memory_space<vmem>>, vector<16xi32>,
      tpu.vector_store_idx %arg15[%get3A_41], %broadcast_in_dim3A_3 {add = true} : memref<10240xf32, #tpu.memory_space<vmem>>[vector<16xi32>], vector<16xf32>,
      %get3A_42 = arith.constant 0 : i32
      %get3A_43 = arith.index_cast %get3A_42 : i32 to index
      %get3A_44 = arith.constant 64 : index
      %get3A_45 = tpu.vector_load %arg12[%get3A_43, %get3A_44] {strides = array<i32>} : memref<1x128xi32, #tpu.memory_space<vmem>>, vector<16xi32>,
      tpu.vector_store_idx %arg15[%get3A_45], %broadcast_in_dim3A_3 {add = true} : memref<10240xf32, #tpu.memory_space<vmem>>[vector<16xi32>], vector<16xf32>,
      %get3A_46 = arith.constant 0 : i32
      %get3A_47 = arith.index_cast %get3A_46 : i32 to index
      %get3A_48 = arith.constant 80 : index
      %get3A_49 = tpu.vector_load %arg12[%get3A_47, %get3A_48] {strides = array<i32>} : memref<1x128xi32, #tpu.memory_space<vmem>>, vector<16xi32>,
      tpu.vector_store_idx %arg15[%get3A_49], %broadcast_in_dim3A_3 {add = true} : memref<10240xf32, #tpu.memory_space<vmem>>[vector<16xi32>], vector<16xf32>,
      %get3A_50 = arith.constant 0 : i32
      %get3A_51 = arith.index_cast %get3A_50 : i32 to index
      %get3A_52 = arith.constant 96 : index
      %get3A_53 = tpu.vector_load %arg12[%get3A_51, %get3A_52] {strides = array<i32>} : memref<1x128xi32, #tpu.memory_space<vmem>>, vector<16xi32>,
      tpu.vector_store_idx %arg15[%get3A_53], %broadcast_in_dim3A_3 {add = true} : memref<10240xf32, #tpu.memory_space<vmem>>[vector<16xi32>], vector<16xf32>,
      %get3A_54 = arith.constant 0 : i32
      %get3A_55 = arith.index_cast %get3A_54 : i32 to index
      %get3A_56 = arith.constant 112 : index
      %get3A_57 = tpu.vector_load %arg12[%get3A_55, %get3A_56] {strides = array<i32>} : memref<1x128xi32, #tpu.memory_space<vmem>>, vector<16xi32>,
      tpu.vector_store_idx %arg15[%get3A_57], %broadcast_in_dim3A_3 {add = true} : memref<10240xf32, #tpu.memory_space<vmem>>[vector<16xi32>], vector<16xf32>,
    } else {
    }
    %barrier3A_18 = arith.constant 0 : index
    tpu.barrier barrier_id(%barrier3A_18)
    "tpu.region"() ({
      %run_scoped3A = tpu.sem_alloc : memref<!tpu.dma_semaphore, #tpu.memory_space<semaphore_mem>>
      %dma_start3A_22 = arith.constant 0 : i32
      %dma_start3A_23 = tpu.memref_slice %arg7[%arg0, %multiple_of3A, %dma_start3A_22] : memref<2x10240x128xf32, #tpu.memory_space<hbm>> -> memref<1x640x128xf32, #tpu.memory_space<hbm>>
      %dma_start3A_24 = tpu.memref_squeeze %dma_start3A_23 : memref<1x640x128xf32, #tpu.memory_space<hbm>> -> memref<640x128xf32, #tpu.memory_space<hbm>>
      %dma_start3A_25 = arith.constant 0 : i32
      %dma_start3A_26 = tpu.memref_slice %arg9[%multiple_of3A, %dma_start3A_25] : memref<10240x128xf32, #tpu.memory_space<vmem_shared>> -> memref<640x128xf32, #tpu.memory_space<vmem_shared>>
      tpu.enqueue_dma source(%dma_start3A_26 : memref<640x128xf32, #tpu.memory_space<vmem_shared>>) target(%dma_start3A_24 : memref<640x128xf32, #tpu.memory_space<hbm>>) target_semaphore(%run_scoped3A : memref<!tpu.dma_semaphore, #tpu.memory_space<semaphore_mem>>)
      %dma_wait3A = arith.constant 0 : i32
      %dma_wait3A_27 = tpu.memref_slice %arg7[%arg0, %multiple_of3A, %dma_wait3A] : memref<2x10240x128xf32, #tpu.memory_space<hbm>> -> memref<1x640x128xf32, #tpu.memory_space<hbm>>
      %dma_wait3A_28 = tpu.memref_squeeze %dma_wait3A_27 : memref<1x640x128xf32, #tpu.memory_space<hbm>> -> memref<640x128xf32, #tpu.memory_space<hbm>>
      %dma_wait3A_29 = arith.constant 0 : i32
      %dma_wait3A_30 = tpu.memref_slice %arg9[%multiple_of3A, %dma_wait3A_29] : memref<10240x128xf32, #tpu.memory_space<vmem_shared>> -> memref<640x128xf32, #tpu.memory_space<vmem_shared>>
      tpu.wait_dma2 semaphore(%run_scoped3A : memref<!tpu.dma_semaphore, #tpu.memory_space<semaphore_mem>>) src(%dma_wait3A_30 : memref<640x128xf32, #tpu.memory_space<vmem_shared>>) dst(%dma_wait3A_28 : memref<640x128xf32, #tpu.memory_space<hbm>>)
      tpu.yield
    }) : () -> ()
    %mul3A_19 = arith.constant 10240 : i32
    %mul3A_20 = arith.muli %add3A, %mul3A_19 : i32
    %multiple_of3A_21 = tpu.assume_multiple %mul3A_20, 10240 : i32
    "tpu.region"() ({
      %run_scoped3A = tpu.sem_alloc : memref<!tpu.dma_semaphore, #tpu.memory_space<semaphore_mem>>
      %dma_start3A_22 = tpu.memref_slice %arg8[%multiple_of3A_21] : memref<327680xf32, #tpu.memory_space<hbm>> -> memref<10240xf32, #tpu.memory_space<hbm>>
      %dma_start3A_23 = tpu.memref_slice %arg8[%multiple_of3A_21] : memref<327680xf32, #tpu.memory_space<hbm>> -> memref<10240xf32, #tpu.memory_space<hbm>>
      tpu.enqueue_dma source(%arg15 : memref<10240xf32, #tpu.memory_space<vmem>>) target(%dma_start3A_23 : memref<10240xf32, #tpu.memory_space<hbm>>) target_semaphore(%run_scoped3A : memref<!tpu.dma_semaphore, #tpu.memory_space<semaphore_mem>>)
      %dma_wait3A = tpu.memref_slice %arg8[%multiple_of3A_21] : memref<327680xf32, #tpu.memory_space<hbm>> -> memref<10240xf32, #tpu.memory_space<hbm>>
      %dma_wait3A_24 = tpu.memref_slice %arg8[%multiple_of3A_21] : memref<327680xf32, #tpu.memory_space<hbm>> -> memref<10240xf32, #tpu.memory_space<hbm>>
      tpu.wait_dma2 semaphore(%run_scoped3A : memref<!tpu.dma_semaphore, #tpu.memory_space<semaphore_mem>>) src(%arg15 : memref<10240xf32, #tpu.memory_space<vmem>>) dst(%dma_wait3A_24 : memref<10240xf32, #tpu.memory_space<hbm>>)
      tpu.yield
    }) : () -> ()
    return
  }
}

module attributes {stable_mosaic.version = 14 : i64} {
  func.func @_tc_body(%arg0: i32, %arg1: memref<2x1024x128xf32, #tpu.memory_space<vmem>>, %arg2: memref<32x8x128xf32, #tpu.memory_space<vmem>>, %arg3: memref<128x128xf32, #tpu.memory_space<vmem>>, %arg4: memref<1x128xf32, #tpu.memory_space<vmem>>, %arg5: memref<1024x128xf32, #tpu.memory_space<vmem>>) attributes {dimension_semantics = [#tpu.dimension_semantics<arbitrary>], iteration_bounds = array<i64: 10>, scalar_prefetch = 0 : i64, scratch_operands = 0 : i64, tpu.core_type = #tpu.core_type<tc>, window_params = [{transform_indices = @transform_0, window_bounds = array<i64: 2, 1024, 128>}, {transform_indices = @transform_1, window_bounds = array<i64: 32, 8, 128>}, {pipeline_mode = #tpu.pipeline_mode<synchronous>, transform_indices = @transform_2, window_bounds = array<i64: 128, 128>}, {pipeline_mode = #tpu.pipeline_mode<synchronous>, transform_indices = @transform_3, window_bounds = array<i64: 1, 128>}, {transform_indices = @transform_4, window_bounds = array<i64: 1024, 128>}]} {
    %get3A = arith.constant 0 : index
    %get3A_0 = arith.constant 0 : index
    %get3A_1 = arith.constant 0 : index
    %get3A_2 = vector.load %arg1[%get3A, %get3A_0, %get3A_1] : memref<2x1024x128xf32, #tpu.memory_space<vmem>>, vector<1x1024x128xf32>
    %get3A_3 = vector.shape_cast %get3A_2 : vector<1x1024x128xf32> to vector<1024x128xf32>
    %get3A_4 = arith.constant 1 : index
    %get3A_5 = arith.constant 0 : index
    %get3A_6 = arith.constant 0 : index
    %get3A_7 = vector.load %arg1[%get3A_4, %get3A_5, %get3A_6] : memref<2x1024x128xf32, #tpu.memory_space<vmem>>, vector<1x1024x128xf32>
    %get3A_8 = vector.shape_cast %get3A_7 : vector<1x1024x128xf32> to vector<1024x128xf32>
    %add3A = arith.addf %get3A_3, %get3A_8 : vector<1024x128xf32>
    %get3A_9 = arith.constant 0 : index
    %get3A_10 = arith.constant 0 : index
    %get3A_11 = arith.constant 0 : index
    %get3A_12 = vector.load %arg2[%get3A_9, %get3A_10, %get3A_11] : memref<32x8x128xf32, #tpu.memory_space<vmem>>, vector<32x8x128xf32>
    %reduce_sum3A = arith.constant dense<0.000000e+00> : vector<8x128xf32>
    %reduce_sum3A_13 = vector.multi_reduction <add>, %get3A_12, %reduce_sum3A [0] : vector<32x8x128xf32> to vector<8x128xf32>
    %iota3A = tpu.iota {dimensions = array<i32: 0>} : vector<1024x8xi32>
    %jit3A = arith.constant 128 : i32
    %div3A = vector.broadcast %jit3A : i32 to vector<1024x8xi32>
    %div3A_14 = arith.divsi %iota3A, %div3A : vector<1024x8xi32>
    %sign3A = arith.constant 0 : i32
    %sign3A_15 = vector.broadcast %sign3A : i32 to vector<1024x8xi32>
    %sign3A_16 = arith.cmpi sgt, %iota3A, %sign3A_15 : vector<1024x8xi32>
    %sign3A_17 = arith.extui %sign3A_16 : vector<1024x8xi1> to vector<1024x8xi32>
    %sign3A_18 = arith.constant 0 : i32
    %sign3A_19 = vector.broadcast %sign3A_18 : i32 to vector<1024x8xi32>
    %sign3A_20 = arith.cmpi slt, %iota3A, %sign3A_19 : vector<1024x8xi32>
    %sign3A_21 = arith.extui %sign3A_20 : vector<1024x8xi1> to vector<1024x8xi32>
    %sign3A_22 = arith.subi %sign3A_17, %sign3A_21 : vector<1024x8xi32>
    %sign3A_23 = arith.constant 0 : i32
    %sign3A_24 = arith.cmpi sgt, %jit3A, %sign3A_23 : i32
    %sign3A_25 = arith.extui %sign3A_24 : i1 to i32
    %sign3A_26 = arith.constant 0 : i32
    %sign3A_27 = arith.cmpi slt, %jit3A, %sign3A_26 : i32
    %sign3A_28 = arith.extui %sign3A_27 : i1 to i32
    %sign3A_29 = arith.subi %sign3A_25, %sign3A_28 : i32
    %ne3A = vector.broadcast %sign3A_29 : i32 to vector<1024x8xi32>
    %ne3A_30 = arith.cmpi ne, %sign3A_22, %ne3A : vector<1024x8xi32>
    %rem3A = vector.broadcast %jit3A : i32 to vector<1024x8xi32>
    %rem3A_31 = arith.remsi %iota3A, %rem3A : vector<1024x8xi32>
    %ne3A_32 = arith.constant 0 : i32
    %ne3A_33 = vector.broadcast %ne3A_32 : i32 to vector<1024x8xi32>
    %ne3A_34 = arith.cmpi ne, %rem3A_31, %ne3A_33 : vector<1024x8xi32>
    %and3A = arith.andi %ne3A_30, %ne3A_34 : vector<1024x8xi1>
    %sub3A = arith.constant 1 : i32
    %sub3A_35 = vector.broadcast %sub3A : i32 to vector<1024x8xi32>
    %sub3A_36 = arith.subi %div3A_14, %sub3A_35 : vector<1024x8xi32>
    %select_n3A = arith.select %and3A, %sub3A_36, %div3A_14 : vector<1024x8xi1>, vector<1024x8xi32>
    %iota3A_37 = tpu.iota {dimensions = array<i32: 1>} : vector<1024x8xi32>
    %eq3A = arith.cmpi eq, %iota3A_37, %select_n3A : vector<1024x8xi32>
    %convert_element_type3A = arith.extui %eq3A : vector<1024x8xi1> to vector<1024x8xi32>
    %convert_element_type3A_38 = arith.sitofp %convert_element_type3A : vector<1024x8xi32> to vector<1024x8xf32>
    %dot_general3A = arith.constant dense<0.000000e+00> : vector<1024x128xf32>
    %dot_general3A_39 = tpu.matmul %convert_element_type3A_38, %reduce_sum3A_13, %dot_general3A {dimension_numbers = #tpu.dot_dimension_numbers<[1], [0], [0], [1], [0, 0, 1, 1], [], []>, transpose_lhs_hint = false} : vector<1024x8xf32>, vector<8x128xf32>, vector<1024x128xf32> -> vector<1024x128xf32>
    %iota3A_40 = tpu.iota {dimensions = array<i32: 1>} : vector<1024x128xi32>
    %iota3A_41 = tpu.iota {dimensions = array<i32: 0>} : vector<1024x128xi32>
    %jit3A_42 = arith.constant 128 : i32
    %eq3A_43 = arith.constant 0 : i32
    %eq3A_44 = arith.cmpi eq, %jit3A_42, %eq3A_43 : i32
    %jit3A_45 = arith.constant 1 : i32
    %select_n3A_46 = arith.select %eq3A_44, %jit3A_45, %jit3A_42 : i32
    %rem3A_47 = vector.broadcast %select_n3A_46 : i32 to vector<1024x128xi32>
    %rem3A_48 = arith.remsi %iota3A_41, %rem3A_47 : vector<1024x128xi32>
    %ne3A_49 = arith.constant 0 : i32
    %ne3A_50 = vector.broadcast %ne3A_49 : i32 to vector<1024x128xi32>
    %ne3A_51 = arith.cmpi ne, %rem3A_48, %ne3A_50 : vector<1024x128xi32>
    %lt3A = arith.constant 0 : i32
    %lt3A_52 = vector.broadcast %lt3A : i32 to vector<1024x128xi32>
    %lt3A_53 = arith.cmpi slt, %rem3A_48, %lt3A_52 : vector<1024x128xi32>
    %lt3A_54 = arith.constant 0 : i32
    %lt3A_55 = arith.cmpi slt, %select_n3A_46, %lt3A_54 : i32
    %ne3A_56 = vector.broadcast %lt3A_55 : i1 to vector<1024x128xi1>
    %ne3A_57 = vector.broadcast %ne3A_56 : vector<1024x128xi1> to vector<1024x128xi1>
    %ne3A_58 = arith.xori %lt3A_53, %ne3A_57 : vector<1024x128xi1>
    %and3A_59 = arith.andi %ne3A_58, %ne3A_51 : vector<1024x128xi1>
    %add3A_60 = vector.broadcast %select_n3A_46 : i32 to vector<1024x128xi32>
    %add3A_61 = arith.addi %rem3A_48, %add3A_60 : vector<1024x128xi32>
    %select_n3A_62 = arith.select %and3A_59, %add3A_61, %rem3A_48 : vector<1024x128xi1>, vector<1024x128xi32>
    %eq3A_63 = arith.cmpi eq, %iota3A_40, %select_n3A_62 : vector<1024x128xi32>
    %jit3A_64 = arith.constant 0.000000e+00 : f32
    %broadcast_in_dim3A = vector.broadcast %jit3A_64 : f32 to vector<1024x128xf32>
    %select_n3A_65 = arith.select %eq3A_63, %dot_general3A_39, %broadcast_in_dim3A : vector<1024x128xi1>, vector<1024x128xf32>
    %reduce_sum3A_66 = arith.constant dense<0.000000e+00> : vector<1024xf32>
    %reduce_sum3A_67 = vector.multi_reduction <add>, %select_n3A_65, %reduce_sum3A_66 [1] : vector<1024x128xf32> to vector<1024xf32>
    %broadcast_in_dim3A_68 = vector.shape_cast %reduce_sum3A_67 : vector<1024xf32> to vector<1024x1xf32>
    %max3A = arith.constant 1.000000e+00 : f32
    %max3A_69 = vector.broadcast %max3A : f32 to vector<1024x1xf32>
    %max3A_70 = arith.maximumf %broadcast_in_dim3A_68, %max3A_69 : vector<1024x1xf32>
    %div3A_71 = vector.broadcast %max3A_70 : vector<1024x1xf32> to vector<1024x128xf32>
    %div3A_72 = arith.divf %add3A, %div3A_71 : vector<1024x128xf32>
    %get3A_73 = arith.constant 0 : index
    %get3A_74 = arith.constant 0 : index
    %get3A_75 = vector.load %arg3[%get3A_73, %get3A_74] : memref<128x128xf32, #tpu.memory_space<vmem>>, vector<128x128xf32>
    %dot_general3A_76 = arith.constant dense<0.000000e+00> : vector<1024x128xf32>
    %dot_general3A_77 = tpu.matmul %div3A_72, %get3A_75, %dot_general3A_76 {dimension_numbers = #tpu.dot_dimension_numbers<[1], [1], [0], [0], [0, 0, 1, 0], [], []>, transpose_lhs_hint = false} : vector<1024x128xf32>, vector<128x128xf32>, vector<1024x128xf32> -> vector<1024x128xf32>
    %get3A_78 = arith.constant 0 : index
    %get3A_79 = arith.constant 0 : index
    %get3A_80 = vector.load %arg4[%get3A_78, %get3A_79] : memref<1x128xf32, #tpu.memory_space<vmem>>, vector<1x128xf32>
    %add3A_81 = vector.broadcast %get3A_80 : vector<1x128xf32> to vector<1024x128xf32>
    %add3A_82 = arith.addf %dot_general3A_77, %add3A_81 : vector<1024x128xf32>
    %max3A_83 = arith.constant 0.000000e+00 : f32
    %max3A_84 = vector.broadcast %max3A_83 : f32 to vector<1024x128xf32>
    %max3A_85 = arith.maximumf %add3A_82, %max3A_84 : vector<1024x128xf32>
    %swap3A = arith.constant 0 : index
    %swap3A_86 = arith.constant 0 : index
    %swap3A_87 = vector.load %arg5[%swap3A, %swap3A_86] : memref<1024x128xf32, #tpu.memory_space<vmem>>, vector<1024x128xf32>
    tpu.vector_store %arg5[%swap3A, %swap3A_86], %max3A_85 {strides = array<i32>} : memref<1024x128xf32, #tpu.memory_space<vmem>>, vector<1024x128xf32>,
    return
  }
  func.func @transform_0(%arg0: i32) -> (i32, i32, i32) {
    %c0_i32 = arith.constant 0 : i32
    %c0_i32_0 = arith.constant 0 : i32
    %c0_i32_1 = arith.constant 0 : i32
    return %c0_i32, %arg0, %c0_i32_0 : i32, i32, i32
  }
  func.func @transform_1(%arg0: i32) -> (i32, i32, i32) {
    %c0_i32 = arith.constant 0 : i32
    %c0_i32_0 = arith.constant 0 : i32
    %c0_i32_1 = arith.constant 0 : i32
    return %c0_i32, %arg0, %c0_i32_0 : i32, i32, i32
  }
  func.func @transform_2(%arg0: i32) -> (i32, i32) {
    %c0_i32 = arith.constant 0 : i32
    %c0_i32_0 = arith.constant 0 : i32
    %c0_i32_1 = arith.constant 0 : i32
    return %c0_i32, %c0_i32_0 : i32, i32
  }
  func.func @transform_3(%arg0: i32) -> (i32, i32) {
    %c0_i32 = arith.constant 0 : i32
    %c0_i32_0 = arith.constant 0 : i32
    %c0_i32_1 = arith.constant 0 : i32
    return %c0_i32, %c0_i32_0 : i32, i32
  }
  func.func @transform_4(%arg0: i32) -> (i32, i32) {
    %c0_i32 = arith.constant 0 : i32
    %c0_i32_0 = arith.constant 0 : i32
    return %arg0, %c0_i32 : i32, i32
  }
}

</mosaic_0001>

<sc_bundles>
// kernel: kernel.4.cloned.1.call-start
scs
__scs_entry_jumppad:
0x0: {  	(pc) =	sbr.rel $0x88, $3  }
0x1: {  	(tag) =	ssettag $0x0;
	lr =	simm.s32 $0x1  }
0x2: {  	[smem:$0x3F9D] =	sst lr;
	_ =	strace $0xD0000000  }
0x3: {  	_ = 	snop  }
0x4: {  	_ = 	snop  }
0x5: {  	_ = 	snop  }
0x6: {  	_ = 	snop  }
0x7: {  	_ = 	snop  }
__scs_overlays_trampoline_lowered:
0x8: {  	[smem:$0x3FAC] =	sst s0  }
0x9: {  	[smem:$0x3FAD] =	sst s1  }
0xa: {  	[smem:$0x3FAE] =	sst s2  }
0xb: {  	[smem:$0x3FAF] =	sst s3  }
0xc: {  	[smem:$0x3FB0] =	sst s4  }
0xd: {  	[smem:$0x3FB1] =	sst s5  }
0xe: {  	[smem:$0x3FB2] =	sst s6  }
0xf: {  	[smem:$0x3FB3] =	sst s7  }
0x10: {  	[smem:$0x3FB4] =	sst s8  }
0x11: {  	[smem:$0x3FB5] =	sst s9;
	s0 =	simm.s32 @!p0 $0x0  }
0x12: {  	s1 =	sld [smem:$0x3F9B];
	s0 =	simm.s32 @p0 $0x1  }
0x13: {  	[smem:$0x3FB6] =	sst s0;
	s0 =	simm.s32 @!p1 $0x0  }
0x14: {  	s2 =	sld [smem:$0x3F9A];
	s0 =	simm.s32 @p1 $0x1  }
0x15: {  	[smem:$0x3FB7] =	sst s0;
	s0 =	simm.s32 @!p2 $0x0  }
0x16: {  	s3 =	sld [smem:$0x3FDB];
	s0 =	simm.s32 @p2 $0x1  }
0x17: {  	s4 =	simm.s32 $0x1BF5;
	[smem:$0x3FB9] =	sst s0  }
0x18: {  	s0 =	sld [smem:$0x3F9C];
	_ =	swait.ge [sflag:s4], $0x0  }
0x19: {  	s7 =	sld [smem:$0x3F9D]  }
0x1a: {  	s8 =	sadd.s32 $0xFFFFE003, lr  }
0x1b: {  	s9 =	sadd.s32 $0xFFFFFEF7, lr;
	s5 =	simm.s32 $0xFFFFFFFF;
	p2 =	slt.u32 s8, $0xFFFFF086  }
0x1c: {  	p1 =	slt.u32 s9, $0xF7A;
	s5 =	simm.s32 @!p2 $0x0  }
0x1d: {  	s5 =	simm.s32 @p1 $0x1;
	p0 =	seq.s32 s7, s2  }
0x1e: {  	s7 =	smul.u32 @!p0 $0xF7A, s2;
	p2 =	seq.s32 @!p0 s5, $0x0  }
0x1f: {  	s9 =	smul.u32 $0xF7A, s1;
	s8 =	simm.s32 @!p0 $0x1BF5;
	p2 =	por !p2, p0  }
0x20: {  	[sflag:s8] =	ssyncset.s32 @!p0 $0xFFFFF086;
	s6 =	sadd.s32 @!p0 s3, s7;
	s7 =	simm.s32 @!p0 $0x108  }
0x21: {  	s3 =	sadd.s32 s3, s9;
	s6 =	sadd.s32 @!p0 $0x88, s6;
	s7 =	simm.s32 @p2 $0x1082  }
0x22: {  	[simem:s7], [sflag:s8] =	dma.local @!p0 [hbm:s6], $0xF7A  }
0x23: {  	s9 =	sor.u32 $0xD0000000, s2;
	s6 =	simm.s32 $0x108;
	_ =	swait.ge @!p0 [sflag:s8], $0x0  }
0x24: {  	s3 =	sadd.s32 $0x88, s3;
	s6 =	simm.s32 @!p1 $0x1082;
	[sflag:s4] =	ssyncset.s32 $0xFFFFF086  }
0x25: {  	[simem:s6], [sflag:s4] =	dma.local [hbm:s3], $0xF7A  }
0x26: {  	[smem:$0x3F9D] =	sst s1;
	(tag) =	ssettag s2;
	_ =	strace s9  }
0x27: {  	s1 =	sld [smem:$0x3FAD]  }
0x28: {  	s2 =	sld [smem:$0x3FAE]  }
0x29: {  	s4 =	sld [smem:$0x3FB0]  }
0x2a: {  	p0 =	seq.s32 s5, $0x0;
	s5 =	sld [smem:$0x3FB1]  }
0x2b: {  	s6 =	sld [smem:$0x3FB2]  }
0x2c: {  	s7 =	sld [smem:$0x3FB3]  }
0x2d: {  	s3 =	simm.s32 $0x108;
	s8 =	sld [smem:$0x3FB4]  }
0x2e: {  	s3 =	simm.s32 @!p0 $0x1082;
	s9 =	sld [smem:$0x3FB5]  }
0x2f: {  	lr =	sadd.s32 s0, s3;
	s0 =	sld [smem:$0x3FAC]  }
0x30: {  	s3 =	sld [smem:$0x3FAF]  }
0x31: {  	[smem:$0x3FB8] =	sst s10  }
0x32: {  	s10 =	sld [smem:$0x3FB6];
	_ =	sdelay $0x3  }
0x33: {  	p0 =	seq.s32 s10, $0x1;
	s10 =	sld [smem:$0x3FB8];
	_ =	sdelay $0x3  }
0x34: {  	[smem:$0x3FB8] =	sst s10  }
0x35: {  	s10 =	sld [smem:$0x3FB7];
	_ =	sdelay $0x3  }
0x36: {  	p1 =	seq.s32 s10, $0x1;
	s10 =	sld [smem:$0x3FB8];
	_ =	sdelay $0x3  }
0x37: {  	[smem:$0x3FB8] =	sst s10  }
0x38: {  	s10 =	sld [smem:$0x3FB9]  }
0x39: {  	_ = 	snop;
	(pc) =	sbr.ind lr, $3  }
0x3a: {  	_ = 	snop  }
0x3b: {  	_ = 	snop  }
0x3c: {  	p2 =	seq.s32 s10, $0x1;
	s10 =	sld [smem:$0x3FB8]  }
0x3d: {  	_ =	shalt  }
0x3e: {  	_ =	shalt  }
0x3f: {  	_ =	shalt  }
0x40: {  	_ =	shalt  }
0x41: {  	_ =	shalt  }
0x42: {  	_ =	shalt  }
0x43: {  	_ =	shalt  }
0x44: {  	_ =	shalt  }
0x45: {  	_ =	shalt  }
0x46: {  	_ =	shalt  }
0x47: {  	_ =	shalt  }
0x48: {  	_ =	shalt  }
0x49: {  	_ =	shalt  }
0x4a: {  	_ =	shalt  }
0x4b: {  	_ =	shalt  }
0x4c: {  	_ =	shalt  }
0x4d: {  	_ =	shalt  }
0x4e: {  	_ =	shalt  }
0x4f: {  	_ =	shalt  }
0x50: {  	_ =	shalt  }
0x51: {  	_ =	shalt  }
0x52: {  	_ =	shalt  }
0x53: {  	_ =	shalt  }
0x54: {  	_ =	shalt  }
0x55: {  	_ =	shalt  }
0x56: {  	_ =	shalt  }
0x57: {  	_ =	shalt  }
0x58: {  	_ =	shalt  }
0x59: {  	_ =	shalt  }
0x5a: {  	_ =	shalt  }
0x5b: {  	_ =	shalt  }
0x5c: {  	_ =	shalt  }
0x5d: {  	_ =	shalt  }
0x5e: {  	_ =	shalt  }
0x5f: {  	_ =	shalt  }
0x60: {  	_ =	shalt  }
0x61: {  	_ =	shalt  }
0x62: {  	_ =	shalt  }
0x63: {  	_ =	shalt  }
0x64: {  	_ =	shalt  }
0x65: {  	_ =	shalt  }
0x66: {  	_ =	shalt  }
0x67: {  	_ =	shalt  }
0x68: {  	_ =	shalt  }
0x69: {  	_ =	shalt  }
0x6a: {  	_ =	shalt  }
0x6b: {  	_ =	shalt  }
0x6c: {  	_ =	shalt  }
0x6d: {  	_ =	shalt  }
0x6e: {  	_ =	shalt  }
0x6f: {  	_ =	shalt  }
0x70: {  	_ =	shalt  }
0x71: {  	_ =	shalt  }
0x72: {  	_ =	shalt  }
0x73: {  	_ =	shalt  }
0x74: {  	_ =	shalt  }
0x75: {  	_ =	shalt  }
0x76: {  	_ =	shalt  }
0x77: {  	_ =	shalt  }
0x78: {  	_ =	shalt  }
0x79: {  	_ =	shalt  }
0x7a: {  	_ =	shalt  }
0x7b: {  	_ =	shalt  }
0x7c: {  	_ =	shalt  }
0x7d: {  	_ =	shalt  }
0x7e: {  	_ =	shalt  }
0x7f: {  	_ =	shalt  }
0x80: {  	_ =	shalt  }
0x81: {  	_ =	shalt  }
0x82: {  	_ =	shalt  }
0x83: {  	_ =	shalt  }
0x84: {  	_ =	shalt  }
0x85: {  	_ =	shalt  }
0x86: {  	_ =	shalt  }
0x87: {  	_ =	shalt  }
.Lfunc_end0:
.L_simem_size_0:
called_computation_lowered:
.L_overlay_start_0:
0x88: {  	s2 =	sld [smem:$0x3FD9]  }
0x89: {  	s3 =	sld [smem:$0x3FFE];
	_ =	sdelay $0x1  }
0x8a: {  	s1 =	srdreg.scid  }
0x8b: {  	s0 =	sand.u32 $0x1, s1  }
0x8c: {  	s17 =	sshll.u32 s0, $0xA;
	s2 =	sadd.s32 s3, s2  }
0x8d: {  	s2 =	sadd.s32 s2, s17  }
0x8e: {  	[smem:$0x3FC4] =	sst s2  }
0x8f: {  	_ = 	snop  }
0x90: {  	s2 =	sld [smem:$0x3FC9]  }
0x91: {  	s18 =	sld [smem:$0x3FD0];
	(tm) =	ssettm $0x1  }
0x92: {  	s4 =	sld [smem:$0x3FFB];
	_ =	sdelay $0x3  }
0x93: {  	_ =	strace s4  }
0x94: {  	s4 =	sld [smem:$0x3FFC];
	_ =	sdelay $0x3  }
0x95: {  	_ =	strace s4  }
0x96: {  	s4 =	sld [smem:$0x3FFD];
	_ =	sdelay $0x3  }
0x97: {  	_ =	strace s4  }
0x98: {  	_ =	strace $0x8FFFFFFF  }
0x99: {  	s19 =	sld [smem:$0x3FDB];
	_ =	sdelay $0x1  }
0x9a: {  	s5 =	simm.s32 $_scs_section_size  }
0x9b: {  	s6 =	simm.s32 $_size__tile_overlayer_lowered;
	s7 =	simm.s32 $_tile_overlayer_lowered  }
0x9c: {  	s22 =	simm.s32 $0x1BFF;
	s21 =	sshll.u32 s7, $0x1;
	s4 =	sadd.s32 s5, s19  }
0x9d: {  	s8 =	simm.s32 $0x0;
	s20 =	sshll.u32 s6, $0x1;
	s6 =	sadd.s32 s21, s4  }
0x9e: {  	[timem:s8], [sflag:s22] =	dma.local [hbm:s6], s20  }
0x9f: {  	_ =	swait.ge [sflag:s22], s20  }
0xa0: {  	s5 =	ssub.s32 $0x0, s20;
	[sflag:s22] =	ssyncset.done $0x0  }
0xa1: {  	[sflag:s22] =	ssyncadd.s32 s5;
	_ =	sdelay $0x1  }
0xa2: {  	s23 =	simm.s32 $0x1B8B  }
0xa3: {  	_ =	swait.ge [sflag:s23], $0x1  }
0xa4: {  	[sflag:s23] =	ssyncset.done $0x0  }
0xa5: {  	s25 =	simm.s32 $0x1B8E;
	s24 =	sld [smem:$0x3FFE];
	[sflag:s23] =	ssyncadd.s32 $0xFFFFFFFF  }
0xa6: {  	s26 =	simm.s32 $execute0_lowered;
	[smem:$0x3FD2] =	sst s25  }
0xa7: {  	s6 =	sshll.u32 s26, $0x1;
	_ =	strace $0x80000046;
	[dreg:$0x1] =	wrdreg $0xFFFFFFFF  }
0xa8: {  	s28 =	simm.s32 $_size_execute0_lowered;
	s4 =	sadd.s32 s4, s6;
	[dreg:$0x0] =	wrdreg $0x0  }
0xa9: {  	s6 =	sshll.u32 s28, $0x1;
	[dreg:$0x2] =	wrdreg s4  }
0xaa: {  	[dreg:$0x3] =	wrdreg s6  }
0xab: {  	[dreg:$0x4] =	wrdreg $0xC0  }
0xac: {  	_ =	task [dreg:s8], $0x5FFFF  }
0xad: {  	[dreg:$0x1] =	wrdreg $0xFFFFFFFF  }
0xae: {  	[dreg:$0x0] =	wrdreg $0x60  }
0xaf: {  	[dreg:$0x2] =	wrdreg s2  }
0xb0: {  	[dreg:$0x3] =	wrdreg s24  }
0xb1: {  	[dreg:$0x4] =	wrdreg s18  }
0xb2: {  	[dreg:$0x5] =	wrdreg $0x0  }
0xb3: {  	[dreg:$0x6] =	wrdreg $0x9  }
0xb4: {  	_ =	task.clear_ibuf [dreg:s8], $0x7FFFF;
	_ =	strace $0x90000046  }
0xb5: {  	s29 =	simm.s32 $0x9;
	_ =	strace $0x80000048  }
0xb6: {  	_ =	swait.ge [sflag:s29], $0x1  }
0xb7: {  	[sflag:s29] =	ssyncadd.s32 $0xFFFFFFFF  }
0xb8: {  	_ =	strace $0x90000048  }
0xb9: {  	_ =	sfence  }
0xba: {  	s30 =	sld [smem:$0x0];
	_ =	sdelay $0x2  }
0xbb: {  	s31 =	sshll.u32 s1, $0xD;
	s1 =	sshrl.u32 s1, $0x2  }
0xbc: {  	s3 =	sand.u32 $0x4000, s31;
	s1 =	sadd.s32 s1, s30  }
0xbd: {  	s0 =	sor.u32 s3, s0;
	s1 =	sshll.u32 s1, $0x11  }
0xbe: {  	s0 =	sor.u32 s1, s0  }
0xbf: {  	s0 =	sadd.s32 $0x8F2B, s0  }
0xc0: {  	[sflag:s0] =	ssyncadd.remote.s32 $0x1  }
0xc1: {  	_ =	sfence.sel $0xFFFF  }
0xc2: {  	[dreg:$0x0] =	wrdreg $0xFFFFFFFF;
	(pc) =	sbr.abs _section_cstart, $3  }
0xc3: {  	[dreg:$0x1] =	wrdreg $0xFFFFFFFF  }
0xc4: {  	_ =	task.clear_ibuf [dreg:s8], $0x2FFFF;
	_ =	strace $0x9FFFFFFF  }
0xc5: {  	(tm) =	ssettm $0x7FFFFFFF  }
tec
execute0_lowered:
.L_overlay_start_1:
0x0: {  	(tag) =	ssettag $0x1  }
0x1: {  	s0 =	rddreg [dreg:$0x0]  }
0x2: {  	s2 =	rddreg [dreg:$0x1]  }
0x3: {  	s4 =	rddreg [dreg:$0x2]  }
0x4: {  	s1 =	rddreg [dreg:$0x3]  }
0x5: {  	s3 =	simm.s32 $0x0;
	s5 =	srdreg.scid;
	s13 =	stileid.u32  }
0x6: {  	s28 =	simm.s32 $0x14080;
	s29 =	simm.s32 $0x4;
	s30 =	simm.s32 $0x14100  }
0x7: {  	s31 =	simm.s32 $0x14180;
	[smem:$0x7FF] =	sst s3;
	s5 =	sand.u32 $0x1, s5  }
0x8: {  	s7 =	sshll.u32 s13, $0x4;
	s8 =	smul.u32 $0x14000, s13;
	s9 =	sadd.s32 $0x1000, s2  }
0x9: {  	s10 =	sadd.s32 $0xB400, s2;
	s11 =	sadd.s32 $0xAE00, s2;
	s18 =	sshll.u32 s13, $0x6  }
0xa: {  	s19 =	sshll.u32 s13, $0xB;
	s24 =	sshll.u32 s13, $0x7;
	s25 =	sshll.u32 s13, $0xE  }
0xb: {  	s6 =	smul.u32 $0x140000, s5;
	_ =	strace $0x80000047;
	[dreg:$0x5] =	wrdreg s10  }
0xc: {  	s7 =	sadd.s32 s7, s2;
	[dreg:$0x6] =	wrdreg s11;
	s12 =	ssub.s32 $0x2, s5  }
0xd: {  	s11 =	smul.u32 $0x50000, s13;
	s16 =	sshll.u32 s5, $0x4;
	s10 =	sadd.s32 s19, s0  }
0xe: {  	s23 =	sshll.u32 s5, $0xB;
	s5 =	sshll.u32 s5, $0x12;
	s19 =	simm.s32 $0x14000  }
0xf: {  	s14 =	sshrl.u32 s12, $0x1;
	s7 =	sadd.s32 $0xAC00, s7;
	s21 =	sadd.s32 $0x4E0000, s10  }
0x10: {  	s0 =	sadd.s32 s5, s0;
	s5 =	simm.s32 $0x14380;
	s6 =	sadd.s32 s8, s6  }
0x11: {  	s15 =	ssub.s32 s12, s14;
	s14 =	sor.u32 s13, s16;
	[dreg:$0xa] =	wrdreg s7  }
0x12: {  	s17 =	sshrl.u32 s11, $0x2;
	s16 =	sor.u32 $0x1C07, s18;
	[dreg:$0xb] =	wrdreg s21  }
0x13: {  	s18 =	simm.s32 $0x1C880;
	s21 =	simm.s32 $0x14880;
	s13 =	simm.s32 $0x14600  }
0x14: {  	s7 =	simm.s32 $0x14780;
	s6 =	sshrl.u32 s6, $0x3;
	s8 =	sadd.s32 s17, s1  }
0x15: {  	s20 =	sshll.u32 s14, $0x7;
	s12 =	smul.u32 $0x500, s14;
	s26 =	smax.u32 s15, $0x1  }
0x16: {  	s15 =	sadd.s32 s25, s0;
	s25 =	simm.s32 $0x3;
	[dreg:$0x7] =	wrdreg s14  }
0x17: {  	p0 =	sgt.u32 s14, $0x3;
	s0 =	simm.s32 $0x14200;
	s14 =	simm.s32 $0x14680  }
0x18: {  	[dreg:$0x8] =	wrdreg s16;
	s2 =	sadd.s32 s6, s2;
	s11 =	sadd.s32 s9, s20  }
0x19: {  	[dreg:$0xe] =	wrdreg s26;
	s10 =	sshrl.u32 s8, $0x3;
	s20 =	simm.s32 $0x5  }
0x1a: {  	s26 =	simm.s32 $0x2;
	s8 =	simm.s32 $0x6;
	s6 =	simm.s32 $0x14700  }
0x1b: {  	[dreg:$0x9] =	wrdreg s11;
	s2 =	sadd.s32 $0xDC00, s2;
	s22 =	sadd.s32 s4, s12  }
.Ltmp0:
0x1c: {  	s11 =	simm.s32 $0x7;
	[dreg:$0x10] =	wrdreg s10;
	(pc) =	sbr.rel .LBB2_1-.Ltmp0, $4  }
0x1d: {  	s4 =	simm.s32 $0x14300;
	[dreg:$0xc] =	wrdreg s2;
	s2 =	sadd.s32 s23, s9  }
0x1e: {  	s12 =	simm.s32 $0x0;
	[dreg:$0xd] =	wrdreg s22;
	s2 =	sadd.s32 s24, s2  }
0x1f: {  	s22 =	simm.s32 $0x18880;
	s23 =	simm.s32 $0x1;
	s2 =	sadd.s32 $0x2000, s2  }
0x20: {  	v0 =	vimm.f32 $1.000000000e+00;
	s24 =	simm.s32 $0x80;
	[dreg:$0xf] =	wrdreg s2;
	s2 =	simm.s32 $0x14280  }
.LBB2_7:
0x21: {  	s9 =	simm.s32 @!p0 $0x0;
	s10 =	simm.s32 @!p0 $0x14800;
	s11 =	rddreg [dreg:$0xa]  }
0x22: {  	[tilespmem:s10], [sflag:$0x7] =	stream.linear.gather @!p0 [hbm4b:s11+s9], $0x80, $0x38;
	[tilespmem:$0x1F080] =	vst v63  }
0x23: {  	s11 =	simm.s32 @!p0 $0x7  }
0x24: {  	_ =	swait.ge @!p0 [sflag:s11], $0x80  }
0x25: {  	[sflag:s11] =	ssyncset.done @!p0 $0x0  }
0x26: {  	s12 =	simm.s32 @!p0 $0x14880;
	s16 =	rddreg [dreg:$0xb];
	[sflag:s11] =	ssyncadd.s32 @!p0 $0xFFFFFF80  }
0x27: {  	[tilespmem:s12], [sflag:$0x7] =	stream.linear.gather @!p0 [hbm4b:s16+s9], $0x4000, $0x38;
	[tilespmem:$0x1F080] =	vst v63  }
0x28: {  	_ =	swait.ge @!p0 [sflag:s11], $0x4000  }
0x29: {  	[sflag:s11] =	ssyncset.done @!p0 $0x0  }
0x2a: {  	s9 =	simm.s32 @!p0 $0x80;
	[sflag:s11] =	ssyncadd.s32 @!p0 $0xFFFFC000  }
0x2b: {  	[spmem:s1] =	stream.indirect.scatter.add.f32 @!p0 [tilespmem:s12], [sflag:$0x7], $0x80, s10, s9, $0xb8;
	[tilespmem:$0x1F080] =	vst v63  }
0x2c: {  	_ =	swait.ge @!p0 [sflag:s11], $0x4000  }
0x2d: {  	[sflag:s11] =	ssyncset.done @!p0 $0x0  }
0x2e: {  	[sflag:s11] =	ssyncadd.s32 @!p0 $0xFFFFC000  }
0x2f: {  	v1 =	vld @!p0 [tilespmem:$0x14800];
	_ =	sdelay $0x6  }
0x30: {  	v2 =	vimm.f32 @!p0 $1.000000000e+00;
	s9 =	simm.s32 @!p0 $0x1C880  }
0x31: {  	[tilespmem:v1+s9+$0x0] =	vst.idx.add.f32.msk @!p0 $0xffff, v2  }
0x32: {  	v1 =	vld @!p0 [tilespmem:$0x14810];
	_ =	sdelay $0x7  }
0x33: {  	[tilespmem:v1+s9+$0x0] =	vst.idx.add.f32.msk @!p0 $0xffff, v2  }
0x34: {  	v1 =	vld @!p0 [tilespmem:$0x14820];
	_ =	sdelay $0x7  }
0x35: {  	[tilespmem:v1+s9+$0x0] =	vst.idx.add.f32.msk @!p0 $0xffff, v2  }
0x36: {  	v1 =	vld @!p0 [tilespmem:$0x14830];
	_ =	sdelay $0x7  }
0x37: {  	[tilespmem:v1+s9+$0x0] =	vst.idx.add.f32.msk @!p0 $0xffff, v2  }
0x38: {  	v1 =	vld @!p0 [tilespmem:$0x14840];
	_ =	sdelay $0x7  }
0x39: {  	[tilespmem:v1+s9+$0x0] =	vst.idx.add.f32.msk @!p0 $0xffff, v2  }
0x3a: {  	v1 =	vld @!p0 [tilespmem:$0x14850];
	_ =	sdelay $0x7  }
0x3b: {  	[tilespmem:v1+s9+$0x0] =	vst.idx.add.f32.msk @!p0 $0xffff, v2  }
0x3c: {  	v1 =	vld @!p0 [tilespmem:$0x14860];
	_ =	sdelay $0x7  }
0x3d: {  	[tilespmem:v1+s9+$0x0] =	vst.idx.add.f32.msk @!p0 $0xffff, v2  }
0x3e: {  	v1 =	vld @!p0 [tilespmem:$0x14870];
	_ =	sdelay $0x7  }
0x3f: {  	[tilespmem:v1+s9+$0x0] =	vst.idx.add.f32.msk @!p0 $0xffff, v2  }
0x40: {  	[bflag:$0x0] =	sbarrier.arrive $0xFFFF  }
0x41: {  	s16 =	rddreg [dreg:$0x8]  }
0x42: {  	s12 =	rddreg [dreg:$0xc]  }
0x43: {  	s11 =	simm.s32 $0x7;
	s10 =	rddreg [dreg:$0x10]  }
0x44: {  	[hbm:s12], [sflag:s16] =	dma.local [spmem:s10], $0x2800  }
0x45: {  	_ =	swait.ge [sflag:s11], $0x2800  }
0x46: {  	[sflag:s11] =	ssyncset.done $0x0  }
0x47: {  	s17 =	rddreg [dreg:$0xd];
	[sflag:s11] =	ssyncadd.s32 $0xFFFFD800  }
0x48: {  	[hbm4b:s17+s3] =	stream.linear.scatter [tilespmem:s18], [sflag:$0x7], $0x2800, $0x38;
	[tilespmem:$0x1F080] =	vst v63  }
0x49: {  	_ =	swait.ge [sflag:s11], $0x2800  }
0x4a: {  	s9 =	rddreg [dreg:$0x11]  }
0x4b: {  	s17 =	rddreg [dreg:$0xe];
	s12 =	sadd.s32 $0x1, s9  }
0x4c: {  	p1 =	sne.s32 s12, s17  }
.Ltmp1:
0x4d: {  	_ = 	snop;
	(pc) =	sbr.rel @!p1 .LBB2_8-.Ltmp1, $3  }
0x4e: {  	_ =	sdelay $0x1  }
0x4f: {  	[sflag:s11] =	ssyncset.done $0x0  }
0x50: {  	[sflag:s11] =	ssyncadd.s32 $0xFFFFD800  }
.LBB2_1:
0x51: {  	[dreg:$0x11] =	wrdreg s12  }
0x52: {  	s9 =	rddreg [dreg:$0x5]  }
0x53: {  	[spmem:s10], [sflag:s16] =	dma.local [hbm:s9], $0x2800  }
0x54: {  	_ =	swait.ge [sflag:s11], $0x2800  }
0x55: {  	[sflag:s11] =	ssyncset.done $0x0  }
0x56: {  	s16 =	rddreg [dreg:$0x6];
	[sflag:s11] =	ssyncadd.s32 $0xFFFFD800  }
0x57: {  	[tilespmem:s18], [sflag:$0x7] =	stream.linear.gather [hbm4b:s16+s3], $0x2800, $0x38;
	[tilespmem:$0x1F080] =	vst v63  }
0x58: {  	_ =	swait.ge [sflag:s11], $0x2800  }
0x59: {  	[sflag:s11] =	ssyncset.done $0x0  }
0x5a: {  	[sflag:s11] =	ssyncadd.s32 $0xFFFFD800  }
.Ltmp2:
0x5b: {  	[bflag:$0x0] =	sbarrier.arrive $0xFFFF;
	(pc) =	sbr.rel .LBB2_2-.Ltmp2, $4  }
0x5c: {  	s17 =	rddreg [dreg:$0x9]  }
0x5d: {  	s16 =	rddreg [dreg:$0xf]  }
0x5e: {  	[tilespmem:s19], [sflag:$0x5] =	stream.linear.gather [hbm4b:s17+s3], $0x400, $0x38;
	[tilespmem:$0x1F080] =	vst v63  }
0x5f: {  	s9 =	simm.s32 $0x0;
	s17 =	rddreg [dreg:$0x7]  }
.LBB2_3:
0x60: {  	[tilespmem:s19], [sflag:$0x5] =	stream.linear.gather [hbm4b:s16+s3], $0x400, $0x38;
	[tilespmem:$0x1F080] =	vst v63  }
.LBB2_5:
0x61: {  	_ =	swait.ge [sflag:s8], $0x400  }
0x62: {  	[sflag:s8] =	ssyncset.done $0x0  }
0x63: {  	s11 =	sadd.s32 $0x80000, s10;
	[sflag:s8] =	ssyncadd.s32 $0xFFFFFC00  }
0x64: {  	[tilespmem:s21], [sflag:$0x1] =	stream.linear.gather [hbm4b:s11+s3], $0x4000, $0x38;
	[tilespmem:$0x1F080] =	vst v63  }
0x65: {  	s12 =	sadd.s32 $0x80800, s10  }
0x66: {  	[tilespmem:s22], [sflag:$0x2] =	stream.linear.gather [hbm4b:s12+s3], $0x4000, $0x38;
	[tilespmem:$0x1F080] =	vst v63  }
0x67: {  	_ =	swait.ge [sflag:s23], $0x4000  }
0x68: {  	[sflag:s23] =	ssyncset.done $0x0  }
0x69: {  	s12 =	simm.s32 $0x14400;
	[sflag:s23] =	ssyncadd.s32 $0xFFFFC000  }
0x6a: {  	[spmem:s1] =	stream.indirect.scatter.add.f32 [tilespmem:s21], [sflag:$0x3], $0x80, s12, s24, $0xb8;
	[tilespmem:$0x1F080] =	vst v63  }
0x6b: {  	v1 =	vld [tilespmem:$0x14400];
	_ =	sdelay $0x7  }
0x6c: {  	[tilespmem:v1+s18+$0x0] =	vst.idx.add.f32.msk $0xffff, v0  }
0x6d: {  	v1 =	vld [tilespmem:$0x14410];
	_ =	sdelay $0x7  }
0x6e: {  	[tilespmem:v1+s18+$0x0] =	vst.idx.add.f32.msk $0xffff, v0  }
0x6f: {  	v1 =	vld [tilespmem:$0x14420];
	_ =	sdelay $0x7  }
0x70: {  	[tilespmem:v1+s18+$0x0] =	vst.idx.add.f32.msk $0xffff, v0  }
0x71: {  	v1 =	vld [tilespmem:$0x14430];
	_ =	sdelay $0x7  }
0x72: {  	[tilespmem:v1+s18+$0x0] =	vst.idx.add.f32.msk $0xffff, v0  }
0x73: {  	v1 =	vld [tilespmem:$0x14440];
	_ =	sdelay $0x7  }
0x74: {  	[tilespmem:v1+s18+$0x0] =	vst.idx.add.f32.msk $0xffff, v0  }
0x75: {  	v1 =	vld [tilespmem:$0x14450];
	_ =	sdelay $0x7  }
0x76: {  	[tilespmem:v1+s18+$0x0] =	vst.idx.add.f32.msk $0xffff, v0  }
0x77: {  	v1 =	vld [tilespmem:$0x14460];
	_ =	sdelay $0x7  }
0x78: {  	[tilespmem:v1+s18+$0x0] =	vst.idx.add.f32.msk $0xffff, v0  }
0x79: {  	v1 =	vld [tilespmem:$0x14470];
	_ =	sdelay $0x7  }
0x7a: {  	[tilespmem:v1+s18+$0x0] =	vst.idx.add.f32.msk $0xffff, v0  }
0x7b: {  	_ =	swait.ge [sflag:s25], $0x4000  }
0x7c: {  	[sflag:s25] =	ssyncset.done $0x0  }
0x7d: {  	s12 =	sadd.s32 $0x81000, s10;
	[sflag:s25] =	ssyncadd.s32 $0xFFFFC000  }
0x7e: {  	[tilespmem:s21], [sflag:$0x1] =	stream.linear.gather [hbm4b:s12+s3], $0x4000, $0x38;
	[tilespmem:$0x1F080] =	vst v63  }
0x7f: {  	_ =	swait.ge [sflag:s26], $0x4000  }
0x80: {  	[sflag:s26] =	ssyncset.done $0x0  }
0x81: {  	s12 =	simm.s32 $0x14480;
	[sflag:s26] =	ssyncadd.s32 $0xFFFFC000  }
0x82: {  	[spmem:s1] =	stream.indirect.scatter.add.f32 [tilespmem:s22], [sflag:$0x4], $0x80, s12, s24, $0xb8;
	[tilespmem:$0x1F080] =	vst v63  }
0x83: {  	v1 =	vld [tilespmem:$0x14480];
	_ =	sdelay $0x7  }
0x84: {  	[tilespmem:v1+s18+$0x0] =	vst.idx.add.f32.msk $0xffff, v0  }
0x85: {  	v1 =	vld [tilespmem:$0x14490];
	_ =	sdelay $0x7  }
0x86: {  	[tilespmem:v1+s18+$0x0] =	vst.idx.add.f32.msk $0xffff, v0  }
0x87: {  	v1 =	vld [tilespmem:$0x144A0];
	_ =	sdelay $0x7  }
0x88: {  	[tilespmem:v1+s18+$0x0] =	vst.idx.add.f32.msk $0xffff, v0  }
0x89: {  	v1 =	vld [tilespmem:$0x144B0];
	_ =	sdelay $0x7  }
0x8a: {  	[tilespmem:v1+s18+$0x0] =	vst.idx.add.f32.msk $0xffff, v0  }
0x8b: {  	v1 =	vld [tilespmem:$0x144C0];
	_ =	sdelay $0x7  }
0x8c: {  	[tilespmem:v1+s18+$0x0] =	vst.idx.add.f32.msk $0xffff, v0  }
0x8d: {  	v1 =	vld [tilespmem:$0x144D0];
	_ =	sdelay $0x7  }
0x8e: {  	[tilespmem:v1+s18+$0x0] =	vst.idx.add.f32.msk $0xffff, v0  }
0x8f: {  	v1 =	vld [tilespmem:$0x144E0];
	_ =	sdelay $0x7  }
0x90: {  	[tilespmem:v1+s18+$0x0] =	vst.idx.add.f32.msk $0xffff, v0  }
0x91: {  	v1 =	vld [tilespmem:$0x144F0];
	_ =	sdelay $0x7  }
0x92: {  	[tilespmem:v1+s18+$0x0] =	vst.idx.add.f32.msk $0xffff, v0  }
0x93: {  	_ =	swait.ge [sflag:s29], $0x4000  }
0x94: {  	[sflag:s29] =	ssyncset.done $0x0  }
0x95: {  	s12 =	sadd.s32 $0x81800, s10;
	[sflag:s29] =	ssyncadd.s32 $0xFFFFC000  }
0x96: {  	[tilespmem:s22], [sflag:$0x2] =	stream.linear.gather [hbm4b:s12+s3], $0x4000, $0x38;
	[tilespmem:$0x1F080] =	vst v63  }
0x97: {  	_ =	swait.ge [sflag:s23], $0x4000  }
0x98: {  	[sflag:s23] =	ssyncset.done $0x0  }
0x99: {  	s12 =	simm.s32 $0x14500;
	[sflag:s23] =	ssyncadd.s32 $0xFFFFC000  }
0x9a: {  	[spmem:s1] =	stream.indirect.scatter.add.f32 [tilespmem:s21], [sflag:$0x3], $0x80, s12, s24, $0xb8;
	[tilespmem:$0x1F080] =	vst v63  }
0x9b: {  	v1 =	vld [tilespmem:$0x14500];
	_ =	sdelay $0x7  }
0x9c: {  	[tilespmem:v1+s18+$0x0] =	vst.idx.add.f32.msk $0xffff, v0  }
0x9d: {  	v1 =	vld [tilespmem:$0x14510];
	_ =	sdelay $0x7  }
0x9e: {  	[tilespmem:v1+s18+$0x0] =	vst.idx.add.f32.msk $0xffff, v0  }
0x9f: {  	v1 =	vld [tilespmem:$0x14520];
	_ =	sdelay $0x7  }
0xa0: {  	[tilespmem:v1+s18+$0x0] =	vst.idx.add.f32.msk $0xffff, v0  }
0xa1: {  	v1 =	vld [tilespmem:$0x14530];
	_ =	sdelay $0x7  }
0xa2: {  	[tilespmem:v1+s18+$0x0] =	vst.idx.add.f32.msk $0xffff, v0  }
0xa3: {  	v1 =	vld [tilespmem:$0x14540];
	_ =	sdelay $0x7  }
0xa4: {  	[tilespmem:v1+s18+$0x0] =	vst.idx.add.f32.msk $0xffff, v0  }
0xa5: {  	v1 =	vld [tilespmem:$0x14550];
	_ =	sdelay $0x7  }
0xa6: {  	[tilespmem:v1+s18+$0x0] =	vst.idx.add.f32.msk $0xffff, v0  }
0xa7: {  	v1 =	vld [tilespmem:$0x14560];
	_ =	sdelay $0x7  }
0xa8: {  	[tilespmem:v1+s18+$0x0] =	vst.idx.add.f32.msk $0xffff, v0  }
0xa9: {  	v1 =	vld [tilespmem:$0x14570];
	_ =	sdelay $0x7  }
0xaa: {  	[tilespmem:v1+s18+$0x0] =	vst.idx.add.f32.msk $0xffff, v0  }
0xab: {  	_ =	swait.ge [sflag:s25], $0x4000  }
0xac: {  	[sflag:s25] =	ssyncset.done $0x0  }
0xad: {  	s12 =	sadd.s32 $0x82000, s10;
	[sflag:s25] =	ssyncadd.s32 $0xFFFFC000  }
0xae: {  	[tilespmem:s21], [sflag:$0x1] =	stream.linear.gather [hbm4b:s12+s3], $0x4000, $0x38;
	[tilespmem:$0x1F080] =	vst v63  }
0xaf: {  	_ =	swait.ge [sflag:s26], $0x4000  }
0xb0: {  	[sflag:s26] =	ssyncset.done $0x0  }
0xb1: {  	s12 =	simm.s32 $0x14580;
	[sflag:s26] =	ssyncadd.s32 $0xFFFFC000  }
0xb2: {  	[spmem:s1] =	stream.indirect.scatter.add.f32 [tilespmem:s22], [sflag:$0x4], $0x80, s12, s24, $0xb8;
	[tilespmem:$0x1F080] =	vst v63  }
0xb3: {  	v1 =	vld [tilespmem:$0x14580];
	_ =	sdelay $0x7  }
0xb4: {  	[tilespmem:v1+s18+$0x0] =	vst.idx.add.f32.msk $0xffff, v0  }
0xb5: {  	v1 =	vld [tilespmem:$0x14590];
	_ =	sdelay $0x7  }
0xb6: {  	[tilespmem:v1+s18+$0x0] =	vst.idx.add.f32.msk $0xffff, v0  }
0xb7: {  	v1 =	vld [tilespmem:$0x145A0];
	_ =	sdelay $0x7  }
0xb8: {  	[tilespmem:v1+s18+$0x0] =	vst.idx.add.f32.msk $0xffff, v0  }
0xb9: {  	v1 =	vld [tilespmem:$0x145B0];
	_ =	sdelay $0x7  }
0xba: {  	[tilespmem:v1+s18+$0x0] =	vst.idx.add.f32.msk $0xffff, v0  }
0xbb: {  	v1 =	vld [tilespmem:$0x145C0];
	_ =	sdelay $0x7  }
0xbc: {  	[tilespmem:v1+s18+$0x0] =	vst.idx.add.f32.msk $0xffff, v0  }
0xbd: {  	v1 =	vld [tilespmem:$0x145D0];
	_ =	sdelay $0x7  }
0xbe: {  	[tilespmem:v1+s18+$0x0] =	vst.idx.add.f32.msk $0xffff, v0  }
0xbf: {  	v1 =	vld [tilespmem:$0x145E0];
	_ =	sdelay $0x7  }
0xc0: {  	[tilespmem:v1+s18+$0x0] =	vst.idx.add.f32.msk $0xffff, v0  }
0xc1: {  	v1 =	vld [tilespmem:$0x145F0];
	_ =	sdelay $0x7  }
0xc2: {  	[tilespmem:v1+s18+$0x0] =	vst.idx.add.f32.msk $0xffff, v0  }
0xc3: {  	_ =	swait.ge [sflag:s29], $0x4000  }
0xc4: {  	[sflag:s29] =	ssyncset.done $0x0  }
0xc5: {  	s12 =	sadd.s32 $0x82800, s10;
	[sflag:s29] =	ssyncadd.s32 $0xFFFFC000  }
0xc6: {  	[tilespmem:s22], [sflag:$0x2] =	stream.linear.gather [hbm4b:s12+s3], $0x4000, $0x38;
	[tilespmem:$0x1F080] =	vst v63  }
0xc7: {  	_ =	swait.ge [sflag:s23], $0x4000  }
0xc8: {  	[sflag:s23] =	ssyncset.done $0x0  }
0xc9: {  	[sflag:s23] =	ssyncadd.s32 $0xFFFFC000  }
0xca: {  	[spmem:s1] =	stream.indirect.scatter.add.f32 [tilespmem:s21], [sflag:$0x3], $0x80, s13, s24, $0xb8;
	[tilespmem:$0x1F080] =	vst v63  }
0xcb: {  	v1 =	vld [tilespmem:$0x14600];
	_ =	sdelay $0x7  }
0xcc: {  	[tilespmem:v1+s18+$0x0] =	vst.idx.add.f32.msk $0xffff, v0  }
0xcd: {  	v1 =	vld [tilespmem:$0x14610];
	_ =	sdelay $0x7  }
0xce: {  	[tilespmem:v1+s18+$0x0] =	vst.idx.add.f32.msk $0xffff, v0  }
0xcf: {  	v1 =	vld [tilespmem:$0x14620];
	_ =	sdelay $0x7  }
0xd0: {  	[tilespmem:v1+s18+$0x0] =	vst.idx.add.f32.msk $0xffff, v0  }
0xd1: {  	v1 =	vld [tilespmem:$0x14630];
	_ =	sdelay $0x7  }
0xd2: {  	[tilespmem:v1+s18+$0x0] =	vst.idx.add.f32.msk $0xffff, v0  }
0xd3: {  	v1 =	vld [tilespmem:$0x14640];
	_ =	sdelay $0x7  }
0xd4: {  	[tilespmem:v1+s18+$0x0] =	vst.idx.add.f32.msk $0xffff, v0  }
0xd5: {  	v1 =	vld [tilespmem:$0x14650];
	_ =	sdelay $0x7  }
0xd6: {  	[tilespmem:v1+s18+$0x0] =	vst.idx.add.f32.msk $0xffff, v0  }
0xd7: {  	v1 =	vld [tilespmem:$0x14660];
	_ =	sdelay $0x7  }
0xd8: {  	[tilespmem:v1+s18+$0x0] =	vst.idx.add.f32.msk $0xffff, v0  }
0xd9: {  	v1 =	vld [tilespmem:$0x14670];
	_ =	sdelay $0x7  }
0xda: {  	[tilespmem:v1+s18+$0x0] =	vst.idx.add.f32.msk $0xffff, v0  }
0xdb: {  	_ =	swait.ge [sflag:s25], $0x4000  }
0xdc: {  	[sflag:s25] =	ssyncset.done $0x0  }
0xdd: {  	s12 =	sadd.s32 $0x83000, s10;
	[sflag:s25] =	ssyncadd.s32 $0xFFFFC000  }
0xde: {  	[tilespmem:s21], [sflag:$0x1] =	stream.linear.gather [hbm4b:s12+s3], $0x4000, $0x38;
	[tilespmem:$0x1F080] =	vst v63  }
0xdf: {  	_ =	swait.ge [sflag:s26], $0x4000  }
0xe0: {  	[sflag:s26] =	ssyncset.done $0x0  }
0xe1: {  	[sflag:s26] =	ssyncadd.s32 $0xFFFFC000  }
0xe2: {  	[spmem:s1] =	stream.indirect.scatter.add.f32 [tilespmem:s22], [sflag:$0x4], $0x80, s14, s24, $0xb8;
	[tilespmem:$0x1F080] =	vst v63  }
0xe3: {  	v1 =	vld [tilespmem:$0x14680];
	_ =	sdelay $0x7  }
0xe4: {  	[tilespmem:v1+s18+$0x0] =	vst.idx.add.f32.msk $0xffff, v0  }
0xe5: {  	v1 =	vld [tilespmem:$0x14690];
	_ =	sdelay $0x7  }
0xe6: {  	[tilespmem:v1+s18+$0x0] =	vst.idx.add.f32.msk $0xffff, v0  }
0xe7: {  	v1 =	vld [tilespmem:$0x146A0];
	_ =	sdelay $0x7  }
0xe8: {  	[tilespmem:v1+s18+$0x0] =	vst.idx.add.f32.msk $0xffff, v0  }
0xe9: {  	v1 =	vld [tilespmem:$0x146B0];
	_ =	sdelay $0x7  }
0xea: {  	[tilespmem:v1+s18+$0x0] =	vst.idx.add.f32.msk $0xffff, v0  }
0xeb: {  	v1 =	vld [tilespmem:$0x146C0];
	_ =	sdelay $0x7  }
0xec: {  	[tilespmem:v1+s18+$0x0] =	vst.idx.add.f32.msk $0xffff, v0  }
0xed: {  	v1 =	vld [tilespmem:$0x146D0];
	_ =	sdelay $0x7  }
0xee: {  	[tilespmem:v1+s18+$0x0] =	vst.idx.add.f32.msk $0xffff, v0  }
0xef: {  	v1 =	vld [tilespmem:$0x146E0];
	_ =	sdelay $0x7  }
0xf0: {  	[tilespmem:v1+s18+$0x0] =	vst.idx.add.f32.msk $0xffff, v0  }
0xf1: {  	v1 =	vld [tilespmem:$0x146F0];
	_ =	sdelay $0x7  }
0xf2: {  	[tilespmem:v1+s18+$0x0] =	vst.idx.add.f32.msk $0xffff, v0  }
0xf3: {  	_ =	swait.ge [sflag:s29], $0x4000  }
0xf4: {  	[sflag:s29] =	ssyncset.done $0x0  }
0xf5: {  	s12 =	sadd.s32 $0x83800, s10;
	[sflag:s29] =	ssyncadd.s32 $0xFFFFC000  }
0xf6: {  	[tilespmem:s22], [sflag:$0x2] =	stream.linear.gather [hbm4b:s12+s3], $0x4000, $0x38;
	[tilespmem:$0x1F080] =	vst v63  }
0xf7: {  	_ =	swait.ge [sflag:s23], $0x4000  }
0xf8: {  	[sflag:s23] =	ssyncset.done $0x0  }
0xf9: {  	[sflag:s23] =	ssyncadd.s32 $0xFFFFC000  }
0xfa: {  	[spmem:s1] =	stream.indirect.scatter.add.f32 [tilespmem:s21], [sflag:$0x3], $0x80, s6, s24, $0xb8;
	[tilespmem:$0x1F080] =	vst v63  }
0xfb: {  	v1 =	vld [tilespmem:$0x14700];
	_ =	sdelay $0x7  }
0xfc: {  	[tilespmem:v1+s18+$0x0] =	vst.idx.add.f32.msk $0xffff, v0  }
0xfd: {  	v1 =	vld [tilespmem:$0x14710];
	_ =	sdelay $0x7  }
0xfe: {  	[tilespmem:v1+s18+$0x0] =	vst.idx.add.f32.msk $0xffff, v0  }
0xff: {  	v1 =	vld [tilespmem:$0x14720];
	_ =	sdelay $0x7  }
0x100: {  	[tilespmem:v1+s18+$0x0] =	vst.idx.add.f32.msk $0xffff, v0  }
0x101: {  	v1 =	vld [tilespmem:$0x14730];
	_ =	sdelay $0x7  }
0x102: {  	[tilespmem:v1+s18+$0x0] =	vst.idx.add.f32.msk $0xffff, v0  }
0x103: {  	v1 =	vld [tilespmem:$0x14740];
	_ =	sdelay $0x7  }
0x104: {  	[tilespmem:v1+s18+$0x0] =	vst.idx.add.f32.msk $0xffff, v0  }
0x105: {  	v1 =	vld [tilespmem:$0x14750];
	_ =	sdelay $0x7  }
0x106: {  	[tilespmem:v1+s18+$0x0] =	vst.idx.add.f32.msk $0xffff, v0  }
0x107: {  	v1 =	vld [tilespmem:$0x14760];
	_ =	sdelay $0x7  }
0x108: {  	[tilespmem:v1+s18+$0x0] =	vst.idx.add.f32.msk $0xffff, v0  }
0x109: {  	v1 =	vld [tilespmem:$0x14770];
	_ =	sdelay $0x7  }
0x10a: {  	[tilespmem:v1+s18+$0x0] =	vst.idx.add.f32.msk $0xffff, v0  }
0x10b: {  	_ =	swait.ge [sflag:s25], $0x4000  }
0x10c: {  	[sflag:s25] =	ssyncset.done $0x0  }
0x10d: {  	[sflag:s25] =	ssyncadd.s32 $0xFFFFC000  }
0x10e: {  	_ =	swait.ge [sflag:s26], $0x4000  }
0x10f: {  	[sflag:s26] =	ssyncset.done $0x0  }
0x110: {  	[sflag:s26] =	ssyncadd.s32 $0xFFFFC000  }
0x111: {  	[spmem:s1] =	stream.indirect.scatter.add.f32 [tilespmem:s22], [sflag:$0x4], $0x80, s7, s24, $0xb8;
	[tilespmem:$0x1F080] =	vst v63  }
0x112: {  	v1 =	vld [tilespmem:$0x14780];
	_ =	sdelay $0x7  }
0x113: {  	[tilespmem:v1+s18+$0x0] =	vst.idx.add.f32.msk $0xffff, v0  }
0x114: {  	v1 =	vld [tilespmem:$0x14790];
	_ =	sdelay $0x7  }
0x115: {  	[tilespmem:v1+s18+$0x0] =	vst.idx.add.f32.msk $0xffff, v0  }
0x116: {  	v1 =	vld [tilespmem:$0x147A0];
	_ =	sdelay $0x7  }
0x117: {  	[tilespmem:v1+s18+$0x0] =	vst.idx.add.f32.msk $0xffff, v0  }
0x118: {  	v1 =	vld [tilespmem:$0x147B0];
	_ =	sdelay $0x7  }
0x119: {  	[tilespmem:v1+s18+$0x0] =	vst.idx.add.f32.msk $0xffff, v0  }
0x11a: {  	v1 =	vld [tilespmem:$0x147C0];
	_ =	sdelay $0x7  }
0x11b: {  	[tilespmem:v1+s18+$0x0] =	vst.idx.add.f32.msk $0xffff, v0  }
0x11c: {  	v1 =	vld [tilespmem:$0x147D0];
	_ =	sdelay $0x7  }
0x11d: {  	[tilespmem:v1+s18+$0x0] =	vst.idx.add.f32.msk $0xffff, v0  }
0x11e: {  	v1 =	vld [tilespmem:$0x147E0];
	_ =	sdelay $0x7  }
0x11f: {  	[tilespmem:v1+s18+$0x0] =	vst.idx.add.f32.msk $0xffff, v0  }
0x120: {  	v1 =	vld [tilespmem:$0x147F0];
	_ =	sdelay $0x7  }
0x121: {  	[tilespmem:v1+s18+$0x0] =	vst.idx.add.f32.msk $0xffff, v0  }
0x122: {  	_ =	swait.ge [sflag:s29], $0x4000  }
0x123: {  	[sflag:s29] =	ssyncset.done $0x0  }
0x124: {  	[sflag:s29] =	ssyncadd.s32 $0xFFFFC000  }
.LBB2_6:
0x125: {  	s9 =	sadd.s32 $0x100000, s9  }
0x126: {  	p1 =	sne.s32 s9, $0x500000  }
.Ltmp3:
0x127: {  	_ = 	snop;
	(pc) =	sbr.rel @!p1 .LBB2_7-.Ltmp3, $2  }
0x128: {  	_ =	sdelay $0x2  }
0x129: {  	s16 =	sadd.s32 $0x2000, s16;
	s17 =	sadd.s32 $0x40, s17  }
.LBB2_2:
0x12a: {  	s10 =	sadd.s32 $0x20, s17  }
0x12b: {  	p1 =	sgt.u32 s10, $0x137  }
0x12c: {  	s10 =	sadd.s32 @!p1 $0xFFFFF000, s16;
	s11 =	simm.s32 @!p1 $0x0;
	s12 =	simm.s32 @!p1 $0x14400  }
0x12d: {  	[tilespmem:s12], [sflag:$0x6] =	stream.linear.gather @!p1 [hbm4b:s10+s11], $0x400, $0x38;
	[tilespmem:$0x1F080] =	vst v63  }
0x12e: {  	_ =	swait.ge [sflag:s20], $0x400  }
0x12f: {  	[sflag:s20] =	ssyncset.done $0x0  }
0x130: {  	s10 =	sadd.s32 s9, s15;
	[sflag:s20] =	ssyncadd.s32 $0xFFFFFC00  }
0x131: {  	[tilespmem:s21], [sflag:$0x1] =	stream.linear.gather [hbm4b:s10+s3], $0x4000, $0x38;
	[tilespmem:$0x1F080] =	vst v63  }
0x132: {  	s12 =	sadd.s32 $0x800, s10  }
0x133: {  	[tilespmem:s22], [sflag:$0x2] =	stream.linear.gather [hbm4b:s12+s3], $0x4000, $0x38;
	[tilespmem:$0x1F080] =	vst v63  }
0x134: {  	_ =	swait.ge [sflag:s23], $0x4000  }
0x135: {  	[sflag:s23] =	ssyncset.done $0x0  }
0x136: {  	[sflag:s23] =	ssyncadd.s32 $0xFFFFC000  }
0x137: {  	[spmem:s1] =	stream.indirect.scatter.add.f32 [tilespmem:s21], [sflag:$0x3], $0x80, s19, s24, $0xb8;
	[tilespmem:$0x1F080] =	vst v63  }
0x138: {  	v1 =	vld [tilespmem:$0x14000];
	_ =	sdelay $0x7  }
0x139: {  	[tilespmem:v1+s18+$0x0] =	vst.idx.add.f32.msk $0xffff, v0  }
0x13a: {  	v1 =	vld [tilespmem:$0x14010];
	_ =	sdelay $0x7  }
0x13b: {  	[tilespmem:v1+s18+$0x0] =	vst.idx.add.f32.msk $0xffff, v0  }
0x13c: {  	v1 =	vld [tilespmem:$0x14020];
	_ =	sdelay $0x7  }
0x13d: {  	[tilespmem:v1+s18+$0x0] =	vst.idx.add.f32.msk $0xffff, v0  }
0x13e: {  	v1 =	vld [tilespmem:$0x14030];
	_ =	sdelay $0x7  }
0x13f: {  	[tilespmem:v1+s18+$0x0] =	vst.idx.add.f32.msk $0xffff, v0  }
0x140: {  	v1 =	vld [tilespmem:$0x14040];
	_ =	sdelay $0x7  }
0x141: {  	[tilespmem:v1+s18+$0x0] =	vst.idx.add.f32.msk $0xffff, v0  }
0x142: {  	v1 =	vld [tilespmem:$0x14050];
	_ =	sdelay $0x7  }
0x143: {  	[tilespmem:v1+s18+$0x0] =	vst.idx.add.f32.msk $0xffff, v0  }
0x144: {  	v1 =	vld [tilespmem:$0x14060];
	_ =	sdelay $0x7  }
0x145: {  	[tilespmem:v1+s18+$0x0] =	vst.idx.add.f32.msk $0xffff, v0  }
0x146: {  	v1 =	vld [tilespmem:$0x14070];
	_ =	sdelay $0x7  }
0x147: {  	[tilespmem:v1+s18+$0x0] =	vst.idx.add.f32.msk $0xffff, v0  }
0x148: {  	_ =	swait.ge [sflag:s25], $0x4000  }
0x149: {  	[sflag:s25] =	ssyncset.done $0x0  }
0x14a: {  	s12 =	sadd.s32 $0x1000, s10;
	[sflag:s25] =	ssyncadd.s32 $0xFFFFC000  }
0x14b: {  	[tilespmem:s21], [sflag:$0x1] =	stream.linear.gather [hbm4b:s12+s3], $0x4000, $0x38;
	[tilespmem:$0x1F080] =	vst v63  }
0x14c: {  	_ =	swait.ge [sflag:s26], $0x4000  }
0x14d: {  	[sflag:s26] =	ssyncset.done $0x0  }
0x14e: {  	[sflag:s26] =	ssyncadd.s32 $0xFFFFC000  }
0x14f: {  	[spmem:s1] =	stream.indirect.scatter.add.f32 [tilespmem:s22], [sflag:$0x4], $0x80, s28, s24, $0xb8;
	[tilespmem:$0x1F080] =	vst v63  }
0x150: {  	v1 =	vld [tilespmem:$0x14080];
	_ =	sdelay $0x7  }
0x151: {  	[tilespmem:v1+s18+$0x0] =	vst.idx.add.f32.msk $0xffff, v0  }
0x152: {  	v1 =	vld [tilespmem:$0x14090];
	_ =	sdelay $0x7  }
0x153: {  	[tilespmem:v1+s18+$0x0] =	vst.idx.add.f32.msk $0xffff, v0  }
0x154: {  	v1 =	vld [tilespmem:$0x140A0];
	_ =	sdelay $0x7  }
0x155: {  	[tilespmem:v1+s18+$0x0] =	vst.idx.add.f32.msk $0xffff, v0  }
0x156: {  	v1 =	vld [tilespmem:$0x140B0];
	_ =	sdelay $0x7  }
0x157: {  	[tilespmem:v1+s18+$0x0] =	vst.idx.add.f32.msk $0xffff, v0  }
0x158: {  	v1 =	vld [tilespmem:$0x140C0];
	_ =	sdelay $0x7  }
0x159: {  	[tilespmem:v1+s18+$0x0] =	vst.idx.add.f32.msk $0xffff, v0  }
0x15a: {  	v1 =	vld [tilespmem:$0x140D0];
	_ =	sdelay $0x7  }
0x15b: {  	[tilespmem:v1+s18+$0x0] =	vst.idx.add.f32.msk $0xffff, v0  }
0x15c: {  	v1 =	vld [tilespmem:$0x140E0];
	_ =	sdelay $0x7  }
0x15d: {  	[tilespmem:v1+s18+$0x0] =	vst.idx.add.f32.msk $0xffff, v0  }
0x15e: {  	v1 =	vld [tilespmem:$0x140F0];
	_ =	sdelay $0x7  }
0x15f: {  	[tilespmem:v1+s18+$0x0] =	vst.idx.add.f32.msk $0xffff, v0  }
0x160: {  	_ =	swait.ge [sflag:s29], $0x4000  }
0x161: {  	[sflag:s29] =	ssyncset.done $0x0  }
0x162: {  	s12 =	sadd.s32 $0x1800, s10;
	[sflag:s29] =	ssyncadd.s32 $0xFFFFC000  }
0x163: {  	[tilespmem:s22], [sflag:$0x2] =	stream.linear.gather [hbm4b:s12+s3], $0x4000, $0x38;
	[tilespmem:$0x1F080] =	vst v63  }
0x164: {  	_ =	swait.ge [sflag:s23], $0x4000  }
0x165: {  	[sflag:s23] =	ssyncset.done $0x0  }
0x166: {  	[sflag:s23] =	ssyncadd.s32 $0xFFFFC000  }
0x167: {  	[spmem:s1] =	stream.indirect.scatter.add.f32 [tilespmem:s21], [sflag:$0x3], $0x80, s30, s24, $0xb8;
	[tilespmem:$0x1F080] =	vst v63  }
0x168: {  	v1 =	vld [tilespmem:$0x14100];
	_ =	sdelay $0x7  }
0x169: {  	[tilespmem:v1+s18+$0x0] =	vst.idx.add.f32.msk $0xffff, v0  }
0x16a: {  	v1 =	vld [tilespmem:$0x14110];
	_ =	sdelay $0x7  }
0x16b: {  	[tilespmem:v1+s18+$0x0] =	vst.idx.add.f32.msk $0xffff, v0  }
0x16c: {  	v1 =	vld [tilespmem:$0x14120];
	_ =	sdelay $0x7  }
0x16d: {  	[tilespmem:v1+s18+$0x0] =	vst.idx.add.f32.msk $0xffff, v0  }
0x16e: {  	v1 =	vld [tilespmem:$0x14130];
	_ =	sdelay $0x7  }
0x16f: {  	[tilespmem:v1+s18+$0x0] =	vst.idx.add.f32.msk $0xffff, v0  }
0x170: {  	v1 =	vld [tilespmem:$0x14140];
	_ =	sdelay $0x7  }
0x171: {  	[tilespmem:v1+s18+$0x0] =	vst.idx.add.f32.msk $0xffff, v0  }
0x172: {  	v1 =	vld [tilespmem:$0x14150];
	_ =	sdelay $0x7  }
0x173: {  	[tilespmem:v1+s18+$0x0] =	vst.idx.add.f32.msk $0xffff, v0  }
0x174: {  	v1 =	vld [tilespmem:$0x14160];
	_ =	sdelay $0x7  }
0x175: {  	[tilespmem:v1+s18+$0x0] =	vst.idx.add.f32.msk $0xffff, v0  }
0x176: {  	v1 =	vld [tilespmem:$0x14170];
	_ =	sdelay $0x7  }
0x177: {  	[tilespmem:v1+s18+$0x0] =	vst.idx.add.f32.msk $0xffff, v0  }
0x178: {  	_ =	swait.ge [sflag:s25], $0x4000  }
0x179: {  	[sflag:s25] =	ssyncset.done $0x0  }
0x17a: {  	s12 =	sadd.s32 $0x2000, s10;
	[sflag:s25] =	ssyncadd.s32 $0xFFFFC000  }
0x17b: {  	[tilespmem:s21], [sflag:$0x1] =	stream.linear.gather [hbm4b:s12+s3], $0x4000, $0x38;
	[tilespmem:$0x1F080] =	vst v63  }
0x17c: {  	_ =	swait.ge [sflag:s26], $0x4000  }
0x17d: {  	[sflag:s26] =	ssyncset.done $0x0  }
0x17e: {  	[sflag:s26] =	ssyncadd.s32 $0xFFFFC000  }
0x17f: {  	[spmem:s1] =	stream.indirect.scatter.add.f32 [tilespmem:s22], [sflag:$0x4], $0x80, s31, s24, $0xb8;
	[tilespmem:$0x1F080] =	vst v63  }
0x180: {  	v1 =	vld [tilespmem:$0x14180];
	_ =	sdelay $0x7  }
0x181: {  	[tilespmem:v1+s18+$0x0] =	vst.idx.add.f32.msk $0xffff, v0  }
0x182: {  	v1 =	vld [tilespmem:$0x14190];
	_ =	sdelay $0x7  }
0x183: {  	[tilespmem:v1+s18+$0x0] =	vst.idx.add.f32.msk $0xffff, v0  }
0x184: {  	v1 =	vld [tilespmem:$0x141A0];
	_ =	sdelay $0x7  }
0x185: {  	[tilespmem:v1+s18+$0x0] =	vst.idx.add.f32.msk $0xffff, v0  }
0x186: {  	v1 =	vld [tilespmem:$0x141B0];
	_ =	sdelay $0x7  }
0x187: {  	[tilespmem:v1+s18+$0x0] =	vst.idx.add.f32.msk $0xffff, v0  }
0x188: {  	v1 =	vld [tilespmem:$0x141C0];
	_ =	sdelay $0x7  }
0x189: {  	[tilespmem:v1+s18+$0x0] =	vst.idx.add.f32.msk $0xffff, v0  }
0x18a: {  	v1 =	vld [tilespmem:$0x141D0];
	_ =	sdelay $0x7  }
0x18b: {  	[tilespmem:v1+s18+$0x0] =	vst.idx.add.f32.msk $0xffff, v0  }
0x18c: {  	v1 =	vld [tilespmem:$0x141E0];
	_ =	sdelay $0x7  }
0x18d: {  	[tilespmem:v1+s18+$0x0] =	vst.idx.add.f32.msk $0xffff, v0  }
0x18e: {  	v1 =	vld [tilespmem:$0x141F0];
	_ =	sdelay $0x7  }
0x18f: {  	[tilespmem:v1+s18+$0x0] =	vst.idx.add.f32.msk $0xffff, v0  }
0x190: {  	_ =	swait.ge [sflag:s29], $0x4000  }
0x191: {  	[sflag:s29] =	ssyncset.done $0x0  }
0x192: {  	s12 =	sadd.s32 $0x2800, s10;
	[sflag:s29] =	ssyncadd.s32 $0xFFFFC000  }
0x193: {  	[tilespmem:s22], [sflag:$0x2] =	stream.linear.gather [hbm4b:s12+s3], $0x4000, $0x38;
	[tilespmem:$0x1F080] =	vst v63  }
0x194: {  	_ =	swait.ge [sflag:s23], $0x4000  }
0x195: {  	[sflag:s23] =	ssyncset.done $0x0  }
0x196: {  	[sflag:s23] =	ssyncadd.s32 $0xFFFFC000  }
0x197: {  	[spmem:s1] =	stream.indirect.scatter.add.f32 [tilespmem:s21], [sflag:$0x3], $0x80, s0, s24, $0xb8;
	[tilespmem:$0x1F080] =	vst v63  }
0x198: {  	v1 =	vld [tilespmem:$0x14200];
	_ =	sdelay $0x7  }
0x199: {  	[tilespmem:v1+s18+$0x0] =	vst.idx.add.f32.msk $0xffff, v0  }
0x19a: {  	v1 =	vld [tilespmem:$0x14210];
	_ =	sdelay $0x7  }
0x19b: {  	[tilespmem:v1+s18+$0x0] =	vst.idx.add.f32.msk $0xffff, v0  }
0x19c: {  	v1 =	vld [tilespmem:$0x14220];
	_ =	sdelay $0x7  }
0x19d: {  	[tilespmem:v1+s18+$0x0] =	vst.idx.add.f32.msk $0xffff, v0  }
0x19e: {  	v1 =	vld [tilespmem:$0x14230];
	_ =	sdelay $0x7  }
0x19f: {  	[tilespmem:v1+s18+$0x0] =	vst.idx.add.f32.msk $0xffff, v0  }
0x1a0: {  	v1 =	vld [tilespmem:$0x14240];
	_ =	sdelay $0x7  }
0x1a1: {  	[tilespmem:v1+s18+$0x0] =	vst.idx.add.f32.msk $0xffff, v0  }
0x1a2: {  	v1 =	vld [tilespmem:$0x14250];
	_ =	sdelay $0x7  }
0x1a3: {  	[tilespmem:v1+s18+$0x0] =	vst.idx.add.f32.msk $0xffff, v0  }
0x1a4: {  	v1 =	vld [tilespmem:$0x14260];
	_ =	sdelay $0x7  }
0x1a5: {  	[tilespmem:v1+s18+$0x0] =	vst.idx.add.f32.msk $0xffff, v0  }
0x1a6: {  	v1 =	vld [tilespmem:$0x14270];
	_ =	sdelay $0x7  }
0x1a7: {  	[tilespmem:v1+s18+$0x0] =	vst.idx.add.f32.msk $0xffff, v0  }
0x1a8: {  	_ =	swait.ge [sflag:s25], $0x4000  }
0x1a9: {  	[sflag:s25] =	ssyncset.done $0x0  }
0x1aa: {  	s12 =	sadd.s32 $0x3000, s10;
	[sflag:s25] =	ssyncadd.s32 $0xFFFFC000  }
0x1ab: {  	[tilespmem:s21], [sflag:$0x1] =	stream.linear.gather [hbm4b:s12+s3], $0x4000, $0x38;
	[tilespmem:$0x1F080] =	vst v63  }
0x1ac: {  	_ =	swait.ge [sflag:s26], $0x4000  }
0x1ad: {  	[sflag:s26] =	ssyncset.done $0x0  }
0x1ae: {  	[sflag:s26] =	ssyncadd.s32 $0xFFFFC000  }
0x1af: {  	[spmem:s1] =	stream.indirect.scatter.add.f32 [tilespmem:s22], [sflag:$0x4], $0x80, s2, s24, $0xb8;
	[tilespmem:$0x1F080] =	vst v63  }
0x1b0: {  	v1 =	vld [tilespmem:$0x14280];
	_ =	sdelay $0x7  }
0x1b1: {  	[tilespmem:v1+s18+$0x0] =	vst.idx.add.f32.msk $0xffff, v0  }
0x1b2: {  	v1 =	vld [tilespmem:$0x14290];
	_ =	sdelay $0x7  }
0x1b3: {  	[tilespmem:v1+s18+$0x0] =	vst.idx.add.f32.msk $0xffff, v0  }
0x1b4: {  	v1 =	vld [tilespmem:$0x142A0];
	_ =	sdelay $0x7  }
0x1b5: {  	[tilespmem:v1+s18+$0x0] =	vst.idx.add.f32.msk $0xffff, v0  }
0x1b6: {  	v1 =	vld [tilespmem:$0x142B0];
	_ =	sdelay $0x7  }
0x1b7: {  	[tilespmem:v1+s18+$0x0] =	vst.idx.add.f32.msk $0xffff, v0  }
0x1b8: {  	v1 =	vld [tilespmem:$0x142C0];
	_ =	sdelay $0x7  }
0x1b9: {  	[tilespmem:v1+s18+$0x0] =	vst.idx.add.f32.msk $0xffff, v0  }
0x1ba: {  	v1 =	vld [tilespmem:$0x142D0];
	_ =	sdelay $0x7  }
0x1bb: {  	[tilespmem:v1+s18+$0x0] =	vst.idx.add.f32.msk $0xffff, v0  }
0x1bc: {  	v1 =	vld [tilespmem:$0x142E0];
	_ =	sdelay $0x7  }
0x1bd: {  	[tilespmem:v1+s18+$0x0] =	vst.idx.add.f32.msk $0xffff, v0  }
0x1be: {  	v1 =	vld [tilespmem:$0x142F0];
	_ =	sdelay $0x7  }
0x1bf: {  	[tilespmem:v1+s18+$0x0] =	vst.idx.add.f32.msk $0xffff, v0  }
0x1c0: {  	_ =	swait.ge [sflag:s29], $0x4000  }
0x1c1: {  	[sflag:s29] =	ssyncset.done $0x0  }
0x1c2: {  	s12 =	sadd.s32 $0x3800, s10;
	[sflag:s29] =	ssyncadd.s32 $0xFFFFC000  }
0x1c3: {  	[tilespmem:s22], [sflag:$0x2] =	stream.linear.gather [hbm4b:s12+s3], $0x4000, $0x38;
	[tilespmem:$0x1F080] =	vst v63  }
0x1c4: {  	_ =	swait.ge [sflag:s23], $0x4000  }
0x1c5: {  	[sflag:s23] =	ssyncset.done $0x0  }
0x1c6: {  	[sflag:s23] =	ssyncadd.s32 $0xFFFFC000  }
0x1c7: {  	[spmem:s1] =	stream.indirect.scatter.add.f32 [tilespmem:s21], [sflag:$0x3], $0x80, s4, s24, $0xb8;
	[tilespmem:$0x1F080] =	vst v63  }
0x1c8: {  	v1 =	vld [tilespmem:$0x14300];
	_ =	sdelay $0x7  }
0x1c9: {  	[tilespmem:v1+s18+$0x0] =	vst.idx.add.f32.msk $0xffff, v0  }
0x1ca: {  	v1 =	vld [tilespmem:$0x14310];
	_ =	sdelay $0x7  }
0x1cb: {  	[tilespmem:v1+s18+$0x0] =	vst.idx.add.f32.msk $0xffff, v0  }
0x1cc: {  	v1 =	vld [tilespmem:$0x14320];
	_ =	sdelay $0x7  }
0x1cd: {  	[tilespmem:v1+s18+$0x0] =	vst.idx.add.f32.msk $0xffff, v0  }
0x1ce: {  	v1 =	vld [tilespmem:$0x14330];
	_ =	sdelay $0x7  }
0x1cf: {  	[tilespmem:v1+s18+$0x0] =	vst.idx.add.f32.msk $0xffff, v0  }
0x1d0: {  	v1 =	vld [tilespmem:$0x14340];
	_ =	sdelay $0x7  }
0x1d1: {  	[tilespmem:v1+s18+$0x0] =	vst.idx.add.f32.msk $0xffff, v0  }
0x1d2: {  	v1 =	vld [tilespmem:$0x14350];
	_ =	sdelay $0x7  }
0x1d3: {  	[tilespmem:v1+s18+$0x0] =	vst.idx.add.f32.msk $0xffff, v0  }
0x1d4: {  	v1 =	vld [tilespmem:$0x14360];
	_ =	sdelay $0x7  }
0x1d5: {  	[tilespmem:v1+s18+$0x0] =	vst.idx.add.f32.msk $0xffff, v0  }
0x1d6: {  	v1 =	vld [tilespmem:$0x14370];
	_ =	sdelay $0x7  }
0x1d7: {  	[tilespmem:v1+s18+$0x0] =	vst.idx.add.f32.msk $0xffff, v0  }
0x1d8: {  	_ =	swait.ge [sflag:s25], $0x4000  }
0x1d9: {  	[sflag:s25] =	ssyncset.done $0x0  }
0x1da: {  	[sflag:s25] =	ssyncadd.s32 $0xFFFFC000  }
0x1db: {  	_ =	swait.ge [sflag:s26], $0x4000  }
0x1dc: {  	[sflag:s26] =	ssyncset.done $0x0  }
0x1dd: {  	[sflag:s26] =	ssyncadd.s32 $0xFFFFC000  }
0x1de: {  	[spmem:s1] =	stream.indirect.scatter.add.f32 [tilespmem:s22], [sflag:$0x4], $0x80, s5, s24, $0xb8;
	[tilespmem:$0x1F080] =	vst v63  }
0x1df: {  	v1 =	vld [tilespmem:$0x14380];
	_ =	sdelay $0x7  }
0x1e0: {  	[tilespmem:v1+s18+$0x0] =	vst.idx.add.f32.msk $0xffff, v0  }
0x1e1: {  	v1 =	vld [tilespmem:$0x14390];
	_ =	sdelay $0x7  }
0x1e2: {  	[tilespmem:v1+s18+$0x0] =	vst.idx.add.f32.msk $0xffff, v0  }
0x1e3: {  	v1 =	vld [tilespmem:$0x143A0];
	_ =	sdelay $0x7  }
0x1e4: {  	[tilespmem:v1+s18+$0x0] =	vst.idx.add.f32.msk $0xffff, v0  }
0x1e5: {  	v1 =	vld [tilespmem:$0x143B0];
	_ =	sdelay $0x7  }
0x1e6: {  	[tilespmem:v1+s18+$0x0] =	vst.idx.add.f32.msk $0xffff, v0  }
0x1e7: {  	v1 =	vld [tilespmem:$0x143C0];
	_ =	sdelay $0x7  }
0x1e8: {  	[tilespmem:v1+s18+$0x0] =	vst.idx.add.f32.msk $0xffff, v0  }
0x1e9: {  	v1 =	vld [tilespmem:$0x143D0];
	_ =	sdelay $0x7  }
0x1ea: {  	[tilespmem:v1+s18+$0x0] =	vst.idx.add.f32.msk $0xffff, v0  }
0x1eb: {  	v1 =	vld [tilespmem:$0x143E0];
	_ =	sdelay $0x7  }
0x1ec: {  	[tilespmem:v1+s18+$0x0] =	vst.idx.add.f32.msk $0xffff, v0  }
0x1ed: {  	v1 =	vld [tilespmem:$0x143F0];
	_ =	sdelay $0x5  }
0x1ee: {  	p2 =	sgt.u32 s17, $0xF7  }
.Ltmp4:
0x1ef: {  	_ = 	snop;
	(pc) =	sbr.rel @!p2 .LBB2_3-.Ltmp4, $4  }
0x1f0: {  	[tilespmem:v1+s18+$0x0] =	vst.idx.add.f32.msk $0xffff, v0  }
0x1f1: {  	_ =	swait.ge [sflag:s29], $0x4000  }
0x1f2: {  	[sflag:s29] =	ssyncset.done $0x0  }
0x1f3: {  	[sflag:s29] =	ssyncadd.s32 $0xFFFFC000  }
.Ltmp5:
0x1f4: {  	(pc) =	sbr.rel @p1 .LBB2_6-.Ltmp5, $4  }
.Ltmp6:
0x1f5: {  	(pc) =	sbr.rel @!p1 .LBB2_5-.Ltmp6, $4  }
0x1f6: {  	_ = 	snop  }
0x1f7: {  	_ = 	snop  }
0x1f8: {  	_ = 	snop  }
0x1f9: {  	_ = 	snop  }
.LBB2_8:
0x1fa: {  	_ =	sfence.sel $0x180000  }
0x1fb: {  	[bflag:$0x0] =	sbarrier.arrive $0xFFFF  }
0x1fc: {  	_ =	strace $0x90000047  }
0x1fd: {  	s0 =	stileid.u32;
	[bflag:$0x2] =	sbarrier.arrive $0xFFFF  }
0x1fe: {  	p0 =	sne.s32 s0, $0x0;
	s0 =	rddreg [dreg:$0x4]  }
0x1ff: {  	s0 =	sadd.s32 @!p0 $0x100000, s0  }
0x200: {  	[sflag:s0] =	ssyncadd.tile.s32 @!p0 $0x1;
	_ =	shalt  }
.Lfunc_end2:
_tile_overlayer_lowered:
.L_overlay_start_2:
0x201: {  	(tag) =	ssettag $0x2  }
0x202: {  	s0 =	rddreg [dreg:$0x0];
	s2 =	stileid.u32  }
0x203: {  	s1 =	rddreg [dreg:$0x1];
	p0 =	sne.s32 s2, $0x0  }
0x204: {  	s3 =	rddreg [dreg:$0x2];
	[bflag:$0x3] =	sbarrier.arrive $0xFFFF;
	s2 =	simm.s32 @!p0 $0x1C07  }
0x205: {  	[timem:s3], [sflag:s2] =	dma.local @!p0 [hbm:s0], s1  }
0x206: {  	s0 =	simm.s32 @!p0 $0x7  }
0x207: {  	_ =	swait.ge @!p0 [sflag:s0], s1  }
0x208: {  	s1 =	ssub.s32 @!p0 $0x0, s1;
	[sflag:s0] =	ssyncset.done @!p0 $0x0  }
0x209: {  	[sflag:s0] =	ssyncadd.s32 @!p0 s1  }
0x20a: {  	[bflag:$0x3] =	sbarrier.arrive $0xFFFF  }
0x20b: {  	_ =	shalt  }

</sc_bundles>
